<compile_context>
chip_gen: v7x
topology: tpu7x:2x2x1
jax: 0.10.2.dev20260603
libtpu: 0.0.44.dev20260713+nightly
codegen_flags: <defaults>
</compile_context>

<pallas_src>
import functools

import jax
import jax.numpy as jnp
import numpy as np
from jax import lax
from jax.experimental import pallas as pl
from jax.experimental.pallas import tpu as pltpu
from jax.experimental.pallas import tpu_sc as plsc

_N = 10000
_E = 160000
_D = 128
_DA = 16
_DEA = 4
_DEE = 16
_DQK = 32
_H = 8

_NC = 2
_NS = 16
_NW = _NC * _NS
_EP = 163840
_EPW = _EP // _NW
_CH = 128
_NCH = _EPW // _CH
_NP = 10240
_STRIPE = _NP // _NS
_HF = _EP // 2
_NCHH = _HF // _CH

_LOG2 = float(np.log(2.0))


def _cutoff_log_half() -> float:
    el = np.sqrt(np.float32(1e-12))
    xc = np.float32(10.0) * (np.float32(1.0) - el / np.float32(5.0))
    return float(-0.5 / float(xc))


def _ptab_body(nf_ref, wq_ref, q_ref):
    q_ref[...] = jnp.dot(nf_ref[...], wq_ref[...],
                         preferred_element_type=jnp.float32)


def _tc_ptab(nf, wq):
    bn = 1000
    grid = _N // bn
    return pl.pallas_call(
        _ptab_body,
        grid=(grid,),
        in_specs=[
            pl.BlockSpec((bn, _D), lambda i: (i, 0)),
            pl.BlockSpec((_D, _D), lambda i: (0, 0)),
        ],
        out_specs=pl.BlockSpec((bn, _D), lambda i: (i, 0)),
        out_shape=jax.ShapeDtypeStruct((_N, _D), jnp.float32),
    )(nf, wq)


def _sconn_body(nf_ref, na_ref, wsc_ref, sc_ref):
    nf = nf_ref[...]
    na = na_ref[...]
    acc = jnp.zeros((nf.shape[0], _D), jnp.float32)
    for b in range(_DA):
        acc = acc + jnp.dot(na[:, b:b + 1] * nf, wsc_ref[:, b, :],
                            preferred_element_type=jnp.float32)
    sc_ref[...] = acc


def _tc_sconn(nf, na, wsc):
    bn = 1000
    grid = _N // bn
    return pl.pallas_call(
        _sconn_body,
        grid=(grid,),
        in_specs=[
            pl.BlockSpec((bn, _D), lambda i: (i, 0)),
            pl.BlockSpec((bn, _DA), lambda i: (i, 0)),
            pl.BlockSpec((_D, _DA, _D), lambda i: (0, 0, 0)),
        ],
        out_specs=pl.BlockSpec((bn, _D), lambda i: (i, 0)),
        out_shape=jax.ShapeDtypeStruct((_N, _D), jnp.float32),
    )(nf, na, wsc)


def _sc_gather(nf, q, src1, dst1, half):
    mesh = plsc.VectorSubcoreMesh(core_axis_name="c", subcore_axis_name="s")

    nchh = _NCHH // _NS

    @functools.partial(
        pl.kernel,
        mesh=mesh,
        out_type=[
            jax.ShapeDtypeStruct((_HF, _D), jnp.float32),
            jax.ShapeDtypeStruct((_HF, _D), jnp.float32),
        ],
        scratch_types=[
            pltpu.VMEM((nchh * _CH,), jnp.int32),
            pltpu.VMEM((_CH, _D), jnp.float32),
            pltpu.VMEM((_CH, _D), jnp.float32),
            pltpu.VMEM_SHARED((_N, _D), jnp.float32),
            pltpu.SemaphoreType.DMA,
            pltpu.SemaphoreType.DMA,
            pltpu.SemaphoreType.DMA,
            pltpu.SemaphoreType.DMA,
        ],
    )
    def gather(nf_hbm, q_hbm, src_hbm, dst_hbm, xs_out, qd_out,
               idx_v, r0, r1, tab_sh,
               gs0, gs1, ws0, ws1):
        cid = lax.axis_index("c")
        sid = lax.axis_index("s")
        rx = (r0, r1)
        gs = (gs0, gs1)
        ws = (ws0, ws1)
        tb = pl.multiple_of(sid * 640, 8)

        def stage(tab_hbm):
            @pl.when(sid < _NS - 1)
            def _full():
                pltpu.sync_copy(tab_hbm.at[pl.ds(tb, 640)],
                                tab_sh.at[pl.ds(tb, 640)])

            @pl.when(sid == _NS - 1)
            def _last():
                pltpu.sync_copy(tab_hbm.at[pl.ds(tb, _N - 15 * 640)],
                                tab_sh.at[pl.ds(tb, _N - 15 * 640)])

        @pl.when(cid == 0)
        def _s0():
            stage(nf_hbm)

        @pl.when(cid == 1)
        def _s1():
            stage(q_hbm)

        plsc.subcore_barrier()

        def run(ih_hbm, out_hbm):
            lbase = sid * nchh * _CH
            gbase = half * _HF + lbase
            pltpu.sync_copy(ih_hbm.at[pl.ds(gbase, nchh * _CH)], idx_v)

            def fire(i, b):
                isl = idx_v.at[pl.ds(i * _CH, _CH)]
                pltpu.async_copy(tab_sh.at[isl], rx[b], gs[b])

            def handle(i, b):
                off = pl.multiple_of(lbase + i * _CH, 128)
                pltpu.make_async_copy(nf_hbm.at[pl.ds(0, _CH)],
                                      rx[b], gs[b]).wait()
                pltpu.async_copy(rx[b], out_hbm.at[pl.ds(off, _CH)], ws[b])
                pltpu.make_async_copy(rx[b], out_hbm.at[pl.ds(off, _CH)],
                                      ws[b]).wait()

            fire(0, 0)
            fire(1, 1)

            def body(g, _):
                for b in (0, 1):
                    i = 2 * g + b
                    handle(i, b)

                    @pl.when(i + 2 < nchh)
                    def _next():
                        fire(i + 2, b)
                return _

            lax.fori_loop(0, nchh // 2, body, None)

        @pl.when(cid == 0)
        def _g0():
            run(src_hbm, xs_out)

        @pl.when(cid == 1)
        def _g1():
            run(dst_hbm, qd_out)

    return gather(nf, q, src1, dst1)


def _edge_body(ee_ref, ea_ref, xs_ref, pd_ref, w1_ref, rep_ref, til_ref,
               ak_ref, av_ref, sv_ref, s2_ref, *, logc_half, ebase):
    ee = ee_ref[...]
    ea = ea_ref[...]
    h = jnp.dot(ee, w1_ref[...], preferred_element_type=jnp.float32)
    h = jnp.logaddexp(h, 0.0) - _LOG2
    hexp = jnp.dot(h, rep_ref[...], preferred_element_type=jnp.float32)
    eat = jnp.dot(ea, til_ref[...], preferred_element_type=jnp.float32)
    g = hexp * eat
    tk = jnp.dot(g, ak_ref[...], preferred_element_type=jnp.float32)
    tv = jnp.dot(g, av_ref[...], preferred_element_type=jnp.float32)
    xs = xs_ref[...]
    dot = jnp.sum(xs * tk * pd_ref[...], axis=1, keepdims=True)
    mid = xs * tv
    b = dot.shape[0]
    eidx = (ebase + pl.program_id(0) * b
            + jax.lax.broadcasted_iota(jnp.int32, (b, 1), 0))
    live = eidx < _E
    s = jnp.where(live, jnp.exp(0.5 * dot + logc_half), 0.0)
    sv_ref[...] = s * mid
    s2_ref[...] = (s * s).T


def _tc_edge(ee, ea, xs, pd, w1, rep, til, ak, av, half):
    be = 1280
    grid = _HF // be
    body = functools.partial(_edge_body, logc_half=_cutoff_log_half(),
                             ebase=half * _HF)
    hb = half * (_HF // be)
    lastlive = _E // be - 1
    return pl.pallas_call(
        body,
        grid=(grid,),
        in_specs=[
            pl.BlockSpec((be, _DEE),
                         lambda i: (jnp.minimum(i + hb, lastlive), 0)),
            pl.BlockSpec((be, _DEA),
                         lambda i: (jnp.minimum(i + hb, lastlive), 0)),
            pl.BlockSpec((be, _D), lambda i: (i, 0)),
            pl.BlockSpec((be, _D), lambda i: (i, 0)),
            pl.BlockSpec((_DEE, 2 * _H), lambda i: (0, 0)),
            pl.BlockSpec((2 * _H, 64), lambda i: (0, 0)),
            pl.BlockSpec((_DEA, 64), lambda i: (0, 0)),
            pl.BlockSpec((64, _D), lambda i: (0, 0)),
            pl.BlockSpec((64, _D), lambda i: (0, 0)),
        ],
        out_specs=[
            pl.BlockSpec((be, _D), lambda i: (i, 0)),
            pl.BlockSpec((1, be), lambda i: (0, i)),
        ],
        out_shape=[
            jax.ShapeDtypeStruct((_HF, _D), jnp.float32),
            jax.ShapeDtypeStruct((1, _HF), jnp.float32),
        ],
    )(ee, ea, xs, pd, w1, rep, til, ak, av)


def _sc_scatter(sv, s2, dst, zrow, zrow1, half):
    mesh = plsc.VectorSubcoreMesh(core_axis_name="c", subcore_axis_name="s")

    @functools.partial(
        pl.kernel,
        mesh=mesh,
        out_type=[
            jax.ShapeDtypeStruct((_NP, _D), jnp.float32),
            jax.ShapeDtypeStruct((_NP,), jnp.float32),
        ],
        scratch_types=[
            pltpu.VMEM((_NCH, _CH), jnp.int32),
            pltpu.VMEM((_CH, _D), jnp.float32),
            pltpu.VMEM((_CH, _D), jnp.float32),
            pltpu.VMEM((_CH,), jnp.float32),
            pltpu.VMEM((_CH,), jnp.float32),
            pltpu.VMEM_SHARED((_NP, _D), jnp.float32),
            pltpu.VMEM_SHARED((_NP,), jnp.float32),
            pltpu.SemaphoreType.DMA,
            pltpu.SemaphoreType.DMA,
            pltpu.SemaphoreType.DMA,
            pltpu.SemaphoreType.DMA,
        ],
    )
    def scatter(sv_hbm, s2_hbm, dst_hbm, zr_hbm, zr1_hbm, num_out, z_out,
                idx_v, rv0, rv1, s2a, s2c, num_sh, z_sh,
                ls0, ls1, ss0, ss1):
        cid = lax.axis_index("c")
        sid = lax.axis_index("s")
        lbase = sid * _EPW
        cbase = (half * _NS + sid) * _NCH
        rbase = pl.multiple_of(sid * _STRIPE, 8)
        rv = (rv0, rv1)
        s2b = (s2a, s2c)
        ls = (ls0, ls1)
        ss = (ss0, ss1)

        @pl.when(cid == half)
        def _active():
            pltpu.sync_copy(zr_hbm, num_sh.at[pl.ds(rbase, _STRIPE)])
            pltpu.sync_copy(zr1_hbm.at[pl.ds(rbase, _STRIPE)],
                            z_sh.at[pl.ds(rbase, _STRIPE)])
            pltpu.sync_copy(dst_hbm.at[pl.ds(cbase, _NCH)], idx_v)
            plsc.subcore_barrier()

            def fire_load(i, b):
                off = pl.multiple_of(lbase + i * _CH, 128)
                pltpu.async_copy(sv_hbm.at[pl.ds(off, _CH)], rv[b], ls[b])
                pltpu.async_copy(s2_hbm.at[0, pl.ds(off, _CH)],
                                 s2b[b], ls[b])

            fire_load(0, 0)
            fire_load(1, 1)

            def body(g, _):
                for b in (0, 1):
                    i = 2 * g + b
                    off = pl.multiple_of(lbase + i * _CH, 128)
                    pltpu.make_async_copy(sv_hbm.at[pl.ds(off, _CH)],
                                          rv[b], ls[b]).wait()
                    pltpu.make_async_copy(s2_hbm.at[0, pl.ds(off, _CH)],
                                          s2b[b], ls[b]).wait()
                    pltpu.async_copy(rv[b], num_sh.at[idx_v.at[i]], ss[b],
                                     add=True)
                    pltpu.async_copy(s2b[b], z_sh.at[idx_v.at[i]], ss[b],
                                     add=True)
                    pltpu.make_async_copy(rv[b], num_sh.at[idx_v.at[i]],
                                          ss[b]).wait()
                    pltpu.make_async_copy(s2b[b], z_sh.at[idx_v.at[i]],
                                          ss[b]).wait()

                    @pl.when(i + 2 < _NCH)
                    def _next():
                        fire_load(i + 2, b)
                return _

            lax.fori_loop(0, _NCH // 2, body, None)
            plsc.subcore_barrier()

            pltpu.sync_copy(num_sh.at[pl.ds(rbase, _STRIPE)],
                            num_out.at[pl.ds(rbase, _STRIPE)])
            pltpu.sync_copy(z_sh.at[pl.ds(rbase, _STRIPE)],
                            z_out.at[pl.ds(rbase, _STRIPE)])

    return scatter(sv, s2, dst, zrow, zrow1)


def _post_body(n0_ref, n1_ref, z0_ref, z1_ref, sc_ref, wv_ref, out_ref):
    num = n0_ref[...] + n1_ref[...]
    nv = jnp.dot(num, wv_ref[...], preferred_element_type=jnp.float32)
    z = z0_ref[...] + z1_ref[...]
    z = jnp.where(z == 0.0, 1.0, z)
    out_ref[...] = nv / jnp.sqrt(z) + sc_ref[...]


def _tc_post(n0, n1, z0, z1, sc, wv):
    bn = 1000
    grid = _N // bn
    return pl.pallas_call(
        _post_body,
        grid=(grid,),
        in_specs=[
            pl.BlockSpec((bn, _D), lambda i: (i, 0)),
            pl.BlockSpec((bn, _D), lambda i: (i, 0)),
            pl.BlockSpec((bn, 1), lambda i: (i, 0)),
            pl.BlockSpec((bn, 1), lambda i: (i, 0)),
            pl.BlockSpec((bn, _D), lambda i: (i, 0)),
            pl.BlockSpec((_D, _D), lambda i: (0, 0)),
        ],
        out_specs=pl.BlockSpec((bn, _D), lambda i: (i, 0)),
        out_shape=jax.ShapeDtypeStruct((_N, _D), jnp.float32),
    )(n0, n1, z0, z1, sc, wv)


def kernel(node_features, node_attrs, edge_embedding, edge_attrs, positions,
           edge_index, Wq, W1k, W2k, W1v, W2v, Wk, Wv, Wdot, Wsc):
    del positions
    f32 = jnp.float32
    src = edge_index[0].astype(jnp.int32)
    dst = edge_index[1].astype(jnp.int32)

    w1 = jnp.concatenate([W1k, W1v], axis=1).astype(f32)
    rep = np.zeros((2 * _H, 64), np.float32)
    til = np.zeros((_DEA, 64), np.float32)
    for hh in range(_H):
        for vv in range(_DEA):
            rep[hh, hh * _DEA + vv] = 1.0
            rep[_H + hh, 32 + hh * _DEA + vv] = 1.0
            til[vv, hh * _DEA + vv] = 1.0
            til[vv, 32 + hh * _DEA + vv] = 1.0
    rep = jnp.asarray(rep)
    til = jnp.asarray(til)
    akm = W2k.reshape(_H, _D, _DEA).transpose(0, 2, 1).reshape(32, _D)
    avm = W2v.reshape(_H, _D, _DEA).transpose(0, 2, 1).reshape(32, _D)
    scale = 1.0 / np.sqrt(_DEA)
    ak = jnp.zeros((64, _D), f32).at[:32].set(akm * scale)
    av = jnp.zeros((64, _D), f32).at[32:].set(avm * scale)

    zrow = jnp.zeros((_STRIPE, _D), f32)
    zrow1 = jnp.zeros((_NP,), f32)

    padn = _EP - _E
    src1 = jnp.pad(src, (0, padn))
    dst1 = jnp.pad(dst, (0, padn))
    dst2d = dst1.reshape(_EP // _CH, _CH)

    wq128 = (Wq @ Wdot @ Wk.T).astype(f32)
    p = _tc_ptab(node_features, wq128)
    xs0, pd0 = _sc_gather(node_features, p, src1, dst1, 0)
    xs1, pd1 = _sc_gather(node_features, p, src1, dst1, 1)
    sc = _tc_sconn(node_features, node_attrs, Wsc)
    sv0, s20 = _tc_edge(edge_embedding, edge_attrs, xs0, pd0,
                        w1, rep, til, ak, av, 0)
    sv1, s21 = _tc_edge(edge_embedding, edge_attrs, xs1, pd1,
                        w1, rep, til, ak, av, 1)
    n0, za = _sc_scatter(sv0, s20, dst2d, zrow, zrow1, 0)
    n1, zb = _sc_scatter(sv1, s21, dst2d, zrow, zrow1, 1)
    z0 = za[:_N, None]
    z1 = zb[:_N, None]
    return _tc_post(n0, n1, z0, z1, sc, Wv)

# --- scband reference (transcript-rebuilt; emitter-appended) ---
"""Pipeline reference for scband-transformer-conv-88218628260581 (READ-ONLY COPY).

The authoritative reference and input builder live on the scoring server;
editing this copy changes nothing except your own understanding.
"""

import jax, jax.numpy as jnp
import numpy as np

N = 10000
E = 160000
D = 128
DA = 16
DEA = 4
DEE = 16
DQK = 32
H = 8
R_MAX = 5.0

def ssp(x):
    return jnp.logaddexp(x, 0.0) - jnp.log(2.0)

def setup_inputs(seed: int = 0) -> dict:
    key = jax.random.key(seed)
    ks = jax.random.split(key, 15)
    inp = {}
    inp['node_features'] = jax.random.normal(ks[0], (N, D), dtype=jnp.float32)
    inp['node_attrs'] = jax.random.uniform(ks[1], (N, DA), dtype=jnp.float32)
    inp['edge_embedding'] = jax.random.uniform(ks[2], (E, DEE), dtype=jnp.float32)
    inp['edge_attrs'] = jax.random.normal(ks[3], (E, DEA), dtype=jnp.float32)
    inp['positions'] = jax.random.normal(ks[4], (N, 3), dtype=jnp.float32)
    inp['edge_index'] = jax.random.randint(ks[5], (2, E), 0, N)
    inp['Wq'] = jax.random.normal(ks[6], (D, DQK), dtype=jnp.float32) / np.sqrt(D)
    inp['W1k'] = jax.random.normal(ks[7], (DEE, H), dtype=jnp.float32) / np.sqrt(DEE)
    inp['W2k'] = jax.random.normal(ks[8], (H, D * DEA), dtype=jnp.float32) / np.sqrt(H)
    inp['W1v'] = jax.random.normal(ks[9], (DEE, H), dtype=jnp.float32) / np.sqrt(DEE)
    inp['W2v'] = jax.random.normal(ks[10], (H, D * DEA), dtype=jnp.float32) / np.sqrt(H)
    inp['Wk'] = jax.random.normal(ks[11], (D, DQK), dtype=jnp.float32) / np.sqrt(D)
    inp['Wv'] = jax.random.normal(ks[12], (D, D), dtype=jnp.float32) / np.sqrt(D)
    inp['Wdot'] = jax.random.normal(ks[13], (DQK, DQK), dtype=jnp.float32) / DQK
    inp['Wsc'] = jax.random.normal(ks[14], (D, DA, D), dtype=jnp.float32) / np.sqrt(D * DA)
    return inp

def reference(node_features, node_attrs, edge_embedding, edge_attrs, positions, edge_index, Wq, W1k, W2k, W1v, W2v, Wk, Wv, Wdot, Wsc):
    src = edge_index[0]
    dst = edge_index[1]
    # q = h_q(node_feats) gathered at dst
    q = node_features @ Wq
    q_e = q[dst]
    x_src = node_features[src]
    # radial MLP -> per-edge tensor-product weights (uvu instructions, scalar irreps)
    wk = (ssp(edge_embedding @ W1k) @ W2k).reshape(E, D, DEA)
    k_mid = x_src * (jnp.einsum('euv,ev->eu', wk, edge_attrs) / np.sqrt(DEA))
    k = k_mid @ Wk
    wv = (ssp(edge_embedding @ W1v) @ W2v).reshape(E, D, DEA)
    v_mid = x_src * (jnp.einsum('euv,ev->eu', wv, edge_attrs) / np.sqrt(DEA))
    v = v_mid @ Wv
    # NOTE: original code uses edge_src for both pos_src and pos_dst (reproduced faithfully)
    pos_src = positions[src]
    pos_dst = positions[src]
    diff = pos_dst - pos_src
    edge_length = jnp.sqrt(jnp.sum(diff * diff, axis=1) + 1e-12)
    xc = 2.0 * R_MAX * (1.0 - edge_length / R_MAX)
    edge_weight_cutoff = jnp.where(xc > 0, jnp.exp(-1.0 / jnp.where(xc > 0, xc, 1.0)), 0.0)
    dotqk = jnp.einsum('ei,ij,ej->e', q_e, Wdot, k)[:, None]
    expv = edge_weight_cutoff[:, None] * jnp.exp(dotqk)
    z = jax.ops.segment_sum(expv, dst, num_segments=N)
    z = jnp.where(z == 0.0, 1.0, z)
    alpha = expv / z[dst]
    msg = jnp.sqrt(jax.nn.relu(alpha)) * v
    node_feats = jax.ops.segment_sum(msg, dst, num_segments=N)
    sc = jnp.einsum('na,nb,abc->nc', node_features, node_attrs, Wsc)
    return node_feats + sc

if __name__ == "__main__":
    import jax
    _d = setup_inputs()
    print(jax.jit(kernel)(*tuple(_d.values())))

</pallas_src>

<mosaic_0001>
#map = affine_map<(d0, d1) -> (0, 0)>
#map1 = affine_map<(d0, d1) -> (0)>
module attributes {stable_mosaic.version = 14 : i64} {
  func.func @gather(%arg0: i32, %arg1: i32, %arg2: memref<10000x128xf32, #tpu.memory_space<hbm>>, %arg3: memref<10000x128xf32, #tpu.memory_space<hbm>>, %arg4: memref<163840xi32, #tpu.memory_space<hbm>>, %arg5: memref<163840xi32, #tpu.memory_space<hbm>>, %arg6: memref<81920x128xf32, #tpu.memory_space<hbm>>, %arg7: memref<81920x128xf32, #tpu.memory_space<hbm>>, %arg8: memref<5120xi32, #tpu.memory_space<vmem>>, %arg9: memref<128x128xf32, #tpu.memory_space<vmem>>, %arg10: memref<128x128xf32, #tpu.memory_space<vmem>>, %arg11: memref<10000x128xf32, #tpu.memory_space<vmem_shared>>, %arg12: memref<!tpu.dma_semaphore, #tpu.memory_space<semaphore_mem>>, %arg13: memref<!tpu.dma_semaphore, #tpu.memory_space<semaphore_mem>>, %arg14: memref<!tpu.dma_semaphore, #tpu.memory_space<semaphore_mem>>, %arg15: memref<!tpu.dma_semaphore, #tpu.memory_space<semaphore_mem>>) attributes {dimension_semantics = [#tpu.dimension_semantics<core_parallel>, #tpu.dimension_semantics<subcore_parallel>], iteration_bounds = array<i64: 2, 16>, scalar_prefetch = 0 : i64, scratch_operands = 8 : i64, tpu.core_type = #tpu.core_type<sc_vector_subcore>, window_params = [{transform_indices = #map}, {transform_indices = #map}, {transform_indices = #map1}, {transform_indices = #map1}, {transform_indices = #map}, {transform_indices = #map}]} {
    %mul3A = arith.constant 640 : i32
    %mul3A_0 = arith.muli %arg1, %mul3A : i32
    %multiple_of3A = tpu.assume_multiple %mul3A_0, 8 : i32
    %eq3A = arith.constant 0 : i32
    %eq3A_1 = arith.cmpi eq, %arg0, %eq3A : i32
    %convert_element_type3A = arith.extui %eq3A_1 : i1 to i32
    %cond3A = arith.constant 0 : i32
    %cond3A_2 = arith.cmpi ne, %convert_element_type3A, %cond3A : i32
    scf.if %cond3A_2 {
      %lt3A = arith.constant 15 : i32
      %lt3A_18 = arith.cmpi slt, %arg1, %lt3A : i32
      %convert_element_type3A_19 = arith.extui %lt3A_18 : i1 to i32
      %cond3A_20 = arith.constant 0 : i32
      %cond3A_21 = arith.cmpi ne, %convert_element_type3A_19, %cond3A_20 : i32
      scf.if %cond3A_21 {
        "tpu.region"() ({
          %run_scoped3A = tpu.sem_alloc : memref<!tpu.dma_semaphore, #tpu.memory_space<semaphore_mem>>
          %dma_start3A = arith.constant 0 : i32
          %dma_start3A_27 = tpu.memref_slice %arg11[%multiple_of3A, %dma_start3A] : memref<10000x128xf32, #tpu.memory_space<vmem_shared>> -> memref<640x128xf32, #tpu.memory_space<vmem_shared>>
          %dma_start3A_28 = arith.constant 0 : i32
          %dma_start3A_29 = tpu.memref_slice %arg2[%multiple_of3A, %dma_start3A_28] : memref<10000x128xf32, #tpu.memory_space<hbm>> -> memref<640x128xf32, #tpu.memory_space<hbm>>
          tpu.enqueue_dma source(%dma_start3A_29 : memref<640x128xf32, #tpu.memory_space<hbm>>) target(%dma_start3A_27 : memref<640x128xf32, #tpu.memory_space<vmem_shared>>) target_semaphore(%run_scoped3A : memref<!tpu.dma_semaphore, #tpu.memory_space<semaphore_mem>>)
          %dma_wait3A = arith.constant 0 : i32
          %dma_wait3A_30 = tpu.memref_slice %arg11[%multiple_of3A, %dma_wait3A] : memref<10000x128xf32, #tpu.memory_space<vmem_shared>> -> memref<640x128xf32, #tpu.memory_space<vmem_shared>>
          %dma_wait3A_31 = arith.constant 0 : i32
          %dma_wait3A_32 = tpu.memref_slice %arg2[%multiple_of3A, %dma_wait3A_31] : memref<10000x128xf32, #tpu.memory_space<hbm>> -> memref<640x128xf32, #tpu.memory_space<hbm>>
          tpu.wait_dma2 semaphore(%run_scoped3A : memref<!tpu.dma_semaphore, #tpu.memory_space<semaphore_mem>>) src(%dma_wait3A_32 : memref<640x128xf32, #tpu.memory_space<hbm>>) dst(%dma_wait3A_30 : memref<640x128xf32, #tpu.memory_space<vmem_shared>>)
          tpu.yield
        }) : () -> ()
      } else {
      }
      %eq3A_22 = arith.constant 15 : i32
      %eq3A_23 = arith.cmpi eq, %arg1, %eq3A_22 : i32
      %convert_element_type3A_24 = arith.extui %eq3A_23 : i1 to i32
      %cond3A_25 = arith.constant 0 : i32
      %cond3A_26 = arith.cmpi ne, %convert_element_type3A_24, %cond3A_25 : i32
      scf.if %cond3A_26 {
        "tpu.region"() ({
          %run_scoped3A = tpu.sem_alloc : memref<!tpu.dma_semaphore, #tpu.memory_space<semaphore_mem>>
          %dma_start3A = arith.constant 0 : i32
          %dma_start3A_27 = tpu.memref_slice %arg11[%multiple_of3A, %dma_start3A] : memref<10000x128xf32, #tpu.memory_space<vmem_shared>> -> memref<400x128xf32, #tpu.memory_space<vmem_shared>>
          %dma_start3A_28 = arith.constant 0 : i32
          %dma_start3A_29 = tpu.memref_slice %arg2[%multiple_of3A, %dma_start3A_28] : memref<10000x128xf32, #tpu.memory_space<hbm>> -> memref<400x128xf32, #tpu.memory_space<hbm>>
          tpu.enqueue_dma source(%dma_start3A_29 : memref<400x128xf32, #tpu.memory_space<hbm>>) target(%dma_start3A_27 : memref<400x128xf32, #tpu.memory_space<vmem_shared>>) target_semaphore(%run_scoped3A : memref<!tpu.dma_semaphore, #tpu.memory_space<semaphore_mem>>)
          %dma_wait3A = arith.constant 0 : i32
          %dma_wait3A_30 = tpu.memref_slice %arg11[%multiple_of3A, %dma_wait3A] : memref<10000x128xf32, #tpu.memory_space<vmem_shared>> -> memref<400x128xf32, #tpu.memory_space<vmem_shared>>
          %dma_wait3A_31 = arith.constant 0 : i32
          %dma_wait3A_32 = tpu.memref_slice %arg2[%multiple_of3A, %dma_wait3A_31] : memref<10000x128xf32, #tpu.memory_space<hbm>> -> memref<400x128xf32, #tpu.memory_space<hbm>>
          tpu.wait_dma2 semaphore(%run_scoped3A : memref<!tpu.dma_semaphore, #tpu.memory_space<semaphore_mem>>) src(%dma_wait3A_32 : memref<400x128xf32, #tpu.memory_space<hbm>>) dst(%dma_wait3A_30 : memref<400x128xf32, #tpu.memory_space<vmem_shared>>)
          tpu.yield
        }) : () -> ()
      } else {
      }
    } else {
    }
    %eq3A_3 = arith.constant 1 : i32
    %eq3A_4 = arith.cmpi eq, %arg0, %eq3A_3 : i32
    %convert_element_type3A_5 = arith.extui %eq3A_4 : i1 to i32
    %cond3A_6 = arith.constant 0 : i32
    %cond3A_7 = arith.cmpi ne, %convert_element_type3A_5, %cond3A_6 : i32
    scf.if %cond3A_7 {
      %lt3A = arith.constant 15 : i32
      %lt3A_18 = arith.cmpi slt, %arg1, %lt3A : i32
      %convert_element_type3A_19 = arith.extui %lt3A_18 : i1 to i32
      %cond3A_20 = arith.constant 0 : i32
      %cond3A_21 = arith.cmpi ne, %convert_element_type3A_19, %cond3A_20 : i32
      scf.if %cond3A_21 {
        "tpu.region"() ({
          %run_scoped3A = tpu.sem_alloc : memref<!tpu.dma_semaphore, #tpu.memory_space<semaphore_mem>>
          %dma_start3A = arith.constant 0 : i32
          %dma_start3A_27 = tpu.memref_slice %arg11[%multiple_of3A, %dma_start3A] : memref<10000x128xf32, #tpu.memory_space<vmem_shared>> -> memref<640x128xf32, #tpu.memory_space<vmem_shared>>
          %dma_start3A_28 = arith.constant 0 : i32
          %dma_start3A_29 = tpu.memref_slice %arg3[%multiple_of3A, %dma_start3A_28] : memref<10000x128xf32, #tpu.memory_space<hbm>> -> memref<640x128xf32, #tpu.memory_space<hbm>>
          tpu.enqueue_dma source(%dma_start3A_29 : memref<640x128xf32, #tpu.memory_space<hbm>>) target(%dma_start3A_27 : memref<640x128xf32, #tpu.memory_space<vmem_shared>>) target_semaphore(%run_scoped3A : memref<!tpu.dma_semaphore, #tpu.memory_space<semaphore_mem>>)
          %dma_wait3A = arith.constant 0 : i32
          %dma_wait3A_30 = tpu.memref_slice %arg11[%multiple_of3A, %dma_wait3A] : memref<10000x128xf32, #tpu.memory_space<vmem_shared>> -> memref<640x128xf32, #tpu.memory_space<vmem_shared>>
          %dma_wait3A_31 = arith.constant 0 : i32
          %dma_wait3A_32 = tpu.memref_slice %arg3[%multiple_of3A, %dma_wait3A_31] : memref<10000x128xf32, #tpu.memory_space<hbm>> -> memref<640x128xf32, #tpu.memory_space<hbm>>
          tpu.wait_dma2 semaphore(%run_scoped3A : memref<!tpu.dma_semaphore, #tpu.memory_space<semaphore_mem>>) src(%dma_wait3A_32 : memref<640x128xf32, #tpu.memory_space<hbm>>) dst(%dma_wait3A_30 : memref<640x128xf32, #tpu.memory_space<vmem_shared>>)
          tpu.yield
        }) : () -> ()
      } else {
      }
      %eq3A_22 = arith.constant 15 : i32
      %eq3A_23 = arith.cmpi eq, %arg1, %eq3A_22 : i32
      %convert_element_type3A_24 = arith.extui %eq3A_23 : i1 to i32
      %cond3A_25 = arith.constant 0 : i32
      %cond3A_26 = arith.cmpi ne, %convert_element_type3A_24, %cond3A_25 : i32
      scf.if %cond3A_26 {
        "tpu.region"() ({
          %run_scoped3A = tpu.sem_alloc : memref<!tpu.dma_semaphore, #tpu.memory_space<semaphore_mem>>
          %dma_start3A = arith.constant 0 : i32
          %dma_start3A_27 = tpu.memref_slice %arg11[%multiple_of3A, %dma_start3A] : memref<10000x128xf32, #tpu.memory_space<vmem_shared>> -> memref<400x128xf32, #tpu.memory_space<vmem_shared>>
          %dma_start3A_28 = arith.constant 0 : i32
          %dma_start3A_29 = tpu.memref_slice %arg3[%multiple_of3A, %dma_start3A_28] : memref<10000x128xf32, #tpu.memory_space<hbm>> -> memref<400x128xf32, #tpu.memory_space<hbm>>
          tpu.enqueue_dma source(%dma_start3A_29 : memref<400x128xf32, #tpu.memory_space<hbm>>) target(%dma_start3A_27 : memref<400x128xf32, #tpu.memory_space<vmem_shared>>) target_semaphore(%run_scoped3A : memref<!tpu.dma_semaphore, #tpu.memory_space<semaphore_mem>>)
          %dma_wait3A = arith.constant 0 : i32
          %dma_wait3A_30 = tpu.memref_slice %arg11[%multiple_of3A, %dma_wait3A] : memref<10000x128xf32, #tpu.memory_space<vmem_shared>> -> memref<400x128xf32, #tpu.memory_space<vmem_shared>>
          %dma_wait3A_31 = arith.constant 0 : i32
          %dma_wait3A_32 = tpu.memref_slice %arg3[%multiple_of3A, %dma_wait3A_31] : memref<10000x128xf32, #tpu.memory_space<hbm>> -> memref<400x128xf32, #tpu.memory_space<hbm>>
          tpu.wait_dma2 semaphore(%run_scoped3A : memref<!tpu.dma_semaphore, #tpu.memory_space<semaphore_mem>>) src(%dma_wait3A_32 : memref<400x128xf32, #tpu.memory_space<hbm>>) dst(%dma_wait3A_30 : memref<400x128xf32, #tpu.memory_space<vmem_shared>>)
          tpu.yield
        }) : () -> ()
      } else {
      }
    } else {
    }
    %barrier3A = arith.constant 0 : index
    tpu.barrier barrier_id(%barrier3A)
    %eq3A_8 = arith.constant 0 : i32
    %eq3A_9 = arith.cmpi eq, %arg0, %eq3A_8 : i32
    %convert_element_type3A_10 = arith.extui %eq3A_9 : i1 to i32
    %cond3A_11 = arith.constant 0 : i32
    %cond3A_12 = arith.cmpi ne, %convert_element_type3A_10, %cond3A_11 : i32
    scf.if %cond3A_12 {
      %mul3A_18 = arith.constant 40 : i32
      %mul3A_19 = arith.muli %arg1, %mul3A_18 : i32
      %mul3A_20 = arith.constant 128 : i32
      %mul3A_21 = arith.muli %mul3A_19, %mul3A_20 : i32
      %add3A = arith.constant 0 : i32
      %add3A_22 = arith.addi %add3A, %mul3A_21 : i32
      "tpu.region"() ({
        %run_scoped3A = tpu.sem_alloc : memref<!tpu.dma_semaphore, #tpu.memory_space<semaphore_mem>>
        %dma_start3A_36 = tpu.memref_slice %arg4[%add3A_22] : memref<163840xi32, #tpu.memory_space<hbm>> -> memref<5120xi32, #tpu.memory_space<hbm>>
        %dma_start3A_37 = tpu.memref_slice %arg4[%add3A_22] : memref<163840xi32, #tpu.memory_space<hbm>> -> memref<5120xi32, #tpu.memory_space<hbm>>
        tpu.enqueue_dma source(%dma_start3A_37 : memref<5120xi32, #tpu.memory_space<hbm>>) target(%arg8 : memref<5120xi32, #tpu.memory_space<vmem>>) target_semaphore(%run_scoped3A : memref<!tpu.dma_semaphore, #tpu.memory_space<semaphore_mem>>)
        %dma_wait3A = tpu.memref_slice %arg4[%add3A_22] : memref<163840xi32, #tpu.memory_space<hbm>> -> memref<5120xi32, #tpu.memory_space<hbm>>
        %dma_wait3A_38 = tpu.memref_slice %arg4[%add3A_22] : memref<163840xi32, #tpu.memory_space<hbm>> -> memref<5120xi32, #tpu.memory_space<hbm>>
        tpu.wait_dma2 semaphore(%run_scoped3A : memref<!tpu.dma_semaphore, #tpu.memory_space<semaphore_mem>>) src(%dma_wait3A_38 : memref<5120xi32, #tpu.memory_space<hbm>>) dst(%arg8 : memref<5120xi32, #tpu.memory_space<vmem>>)
        tpu.yield
      }) : () -> ()
      %dma_start3A = arith.constant 0 : i32
      %dma_start3A_23 = tpu.memref_slice %arg8[%dma_start3A] : memref<5120xi32, #tpu.memory_space<vmem>> -> memref<128xi32, #tpu.memory_space<vmem>>
      %dma_start3A_24 = arith.constant 0 : i32
      %dma_start3A_25 = arith.constant 0 : i32
      %dma_start3A_26 = tpu.memref_slice %arg11[%dma_start3A_24, %dma_start3A_25] : memref<10000x128xf32, #tpu.memory_space<vmem_shared>> -> memref<10000x128xf32, #tpu.memory_space<vmem_shared>>
      tpu.enqueue_indirect_dma source(%dma_start3A_26 : memref<10000x128xf32, #tpu.memory_space<vmem_shared>>) target(%arg9 : memref<128x128xf32, #tpu.memory_space<vmem>>) offsets(%dma_start3A_23 : memref<128xi32, #tpu.memory_space<vmem>>) semaphore(%arg12 : memref<!tpu.dma_semaphore, #tpu.memory_space<semaphore_mem>>)
      %dma_start3A_27 = arith.constant 128 : i32
      %dma_start3A_28 = tpu.memref_slice %arg8[%dma_start3A_27] : memref<5120xi32, #tpu.memory_space<vmem>> -> memref<128xi32, #tpu.memory_space<vmem>>
      %dma_start3A_29 = arith.constant 0 : i32
      %dma_start3A_30 = arith.constant 0 : i32
      %dma_start3A_31 = tpu.memref_slice %arg11[%dma_start3A_29, %dma_start3A_30] : memref<10000x128xf32, #tpu.memory_space<vmem_shared>> -> memref<10000x128xf32, #tpu.memory_space<vmem_shared>>
      tpu.enqueue_indirect_dma source(%dma_start3A_31 : memref<10000x128xf32, #tpu.memory_space<vmem_shared>>) target(%arg10 : memref<128x128xf32, #tpu.memory_space<vmem>>) offsets(%dma_start3A_28 : memref<128xi32, #tpu.memory_space<vmem>>) semaphore(%arg13 : memref<!tpu.dma_semaphore, #tpu.memory_space<semaphore_mem>>)
      %scan3A = arith.constant 0 : i32
      %scan3A_32 = arith.constant 20 : i32
      %scan3A_33 = arith.addi %scan3A, %scan3A_32 : i32
      %scan3A_34 = arith.constant 1 : i32
      scf.for %scan3A_36 = %scan3A to %scan3A_33 step %scan3A_34  : i32 {
        %mul3A_37 = arith.constant 2 : i32
        %mul3A_38 = arith.muli %mul3A_37, %scan3A_36 : i32
        %add3A_39 = arith.constant 0 : i32
        %add3A_40 = arith.addi %mul3A_38, %add3A_39 : i32
        %mul3A_41 = arith.constant 128 : i32
        %mul3A_42 = arith.muli %add3A_40, %mul3A_41 : i32
        %add3A_43 = arith.addi %mul3A_21, %mul3A_42 : i32
        %multiple_of3A_44 = tpu.assume_multiple %add3A_43, 128 : i32
        %dma_wait3A = arith.constant 0 : i32
        %dma_wait3A_45 = arith.constant 0 : i32
        %dma_wait3A_46 = tpu.memref_slice %arg2[%dma_wait3A, %dma_wait3A_45] : memref<10000x128xf32, #tpu.memory_space<hbm>> -> memref<128x128xf32, #tpu.memory_space<hbm>>
        %dma_wait3A_47 = arith.constant 0 : i32
        %dma_wait3A_48 = arith.constant 0 : i32
        %dma_wait3A_49 = tpu.memref_slice %arg2[%dma_wait3A_47, %dma_wait3A_48] : memref<10000x128xf32, #tpu.memory_space<hbm>> -> memref<128x128xf32, #tpu.memory_space<hbm>>
        tpu.wait_dma2 semaphore(%arg12 : memref<!tpu.dma_semaphore, #tpu.memory_space<semaphore_mem>>) src(%dma_wait3A_49 : memref<128x128xf32, #tpu.memory_space<hbm>>) dst(%arg9 : memref<128x128xf32, #tpu.memory_space<vmem>>)
        %dma_start3A_50 = arith.constant 0 : i32
        %dma_start3A_51 = tpu.memref_slice %arg6[%multiple_of3A_44, %dma_start3A_50] : memref<81920x128xf32, #tpu.memory_space<hbm>> -> memref<128x128xf32, #tpu.memory_space<hbm>>
        %dma_start3A_52 = arith.constant 0 : i32
        %dma_start3A_53 = tpu.memref_slice %arg6[%multiple_of3A_44, %dma_start3A_52] : memref<81920x128xf32, #tpu.memory_space<hbm>> -> memref<128x128xf32, #tpu.memory_space<hbm>>
        tpu.enqueue_dma source(%arg9 : memref<128x128xf32, #tpu.memory_space<vmem>>) target(%dma_start3A_53 : memref<128x128xf32, #tpu.memory_space<hbm>>) target_semaphore(%arg14 : memref<!tpu.dma_semaphore, #tpu.memory_space<semaphore_mem>>)
        %dma_wait3A_54 = arith.constant 0 : i32
        %dma_wait3A_55 = tpu.memref_slice %arg6[%multiple_of3A_44, %dma_wait3A_54] : memref<81920x128xf32, #tpu.memory_space<hbm>> -> memref<128x128xf32, #tpu.memory_space<hbm>>
        %dma_wait3A_56 = arith.constant 0 : i32
        %dma_wait3A_57 = tpu.memref_slice %arg6[%multiple_of3A_44, %dma_wait3A_56] : memref<81920x128xf32, #tpu.memory_space<hbm>> -> memref<128x128xf32, #tpu.memory_space<hbm>>
        tpu.wait_dma2 semaphore(%arg14 : memref<!tpu.dma_semaphore, #tpu.memory_space<semaphore_mem>>) src(%arg9 : memref<128x128xf32, #tpu.memory_space<vmem>>) dst(%dma_wait3A_57 : memref<128x128xf32, #tpu.memory_space<hbm>>)
        %add3A_58 = arith.constant 2 : i32
        %add3A_59 = arith.addi %add3A_40, %add3A_58 : i32
        %lt3A = arith.constant 40 : i32
        %lt3A_60 = arith.cmpi slt, %add3A_59, %lt3A : i32
        %convert_element_type3A_61 = arith.extui %lt3A_60 : i1 to i32
        %cond3A_62 = arith.constant 0 : i32
        %cond3A_63 = arith.cmpi ne, %convert_element_type3A_61, %cond3A_62 : i32
        scf.if %cond3A_63 {
          %add3A_93 = arith.constant 2 : i32
          %add3A_94 = arith.addi %add3A_40, %add3A_93 : i32
          %mul3A_95 = arith.constant 128 : i32
          %mul3A_96 = arith.muli %add3A_94, %mul3A_95 : i32
          %dma_start3A_97 = tpu.memref_slice %arg8[%mul3A_96] : memref<5120xi32, #tpu.memory_space<vmem>> -> memref<128xi32, #tpu.memory_space<vmem>>
          %dma_start3A_98 = arith.constant 0 : i32
          %dma_start3A_99 = arith.constant 0 : i32
          %dma_start3A_100 = tpu.memref_slice %arg11[%dma_start3A_98, %dma_start3A_99] : memref<10000x128xf32, #tpu.memory_space<vmem_shared>> -> memref<10000x128xf32, #tpu.memory_space<vmem_shared>>
          tpu.enqueue_indirect_dma source(%dma_start3A_100 : memref<10000x128xf32, #tpu.memory_space<vmem_shared>>) target(%arg9 : memref<128x128xf32, #tpu.memory_space<vmem>>) offsets(%dma_start3A_97 : memref<128xi32, #tpu.memory_space<vmem>>) semaphore(%arg12 : memref<!tpu.dma_semaphore, #tpu.memory_space<semaphore_mem>>)
        } else {
        }
        %mul3A_64 = arith.constant 2 : i32
        %mul3A_65 = arith.muli %mul3A_64, %scan3A_36 : i32
        %add3A_66 = arith.constant 1 : i32
        %add3A_67 = arith.addi %mul3A_65, %add3A_66 : i32
        %mul3A_68 = arith.constant 128 : i32
        %mul3A_69 = arith.muli %add3A_67, %mul3A_68 : i32
        %add3A_70 = arith.addi %mul3A_21, %mul3A_69 : i32
        %multiple_of3A_71 = tpu.assume_multiple %add3A_70, 128 : i32
        %dma_wait3A_72 = arith.constant 0 : i32
        %dma_wait3A_73 = arith.constant 0 : i32
        %dma_wait3A_74 = tpu.memref_slice %arg2[%dma_wait3A_72, %dma_wait3A_73] : memref<10000x128xf32, #tpu.memory_space<hbm>> -> memref<128x128xf32, #tpu.memory_space<hbm>>
        %dma_wait3A_75 = arith.constant 0 : i32
        %dma_wait3A_76 = arith.constant 0 : i32
        %dma_wait3A_77 = tpu.memref_slice %arg2[%dma_wait3A_75, %dma_wait3A_76] : memref<10000x128xf32, #tpu.memory_space<hbm>> -> memref<128x128xf32, #tpu.memory_space<hbm>>
        tpu.wait_dma2 semaphore(%arg13 : memref<!tpu.dma_semaphore, #tpu.memory_space<semaphore_mem>>) src(%dma_wait3A_77 : memref<128x128xf32, #tpu.memory_space<hbm>>) dst(%arg10 : memref<128x128xf32, #tpu.memory_space<vmem>>)
        %dma_start3A_78 = arith.constant 0 : i32
        %dma_start3A_79 = tpu.memref_slice %arg6[%multiple_of3A_71, %dma_start3A_78] : memref<81920x128xf32, #tpu.memory_space<hbm>> -> memref<128x128xf32, #tpu.memory_space<hbm>>
        %dma_start3A_80 = arith.constant 0 : i32
        %dma_start3A_81 = tpu.memref_slice %arg6[%multiple_of3A_71, %dma_start3A_80] : memref<81920x128xf32, #tpu.memory_space<hbm>> -> memref<128x128xf32, #tpu.memory_space<hbm>>
        tpu.enqueue_dma source(%arg10 : memref<128x128xf32, #tpu.memory_space<vmem>>) target(%dma_start3A_81 : memref<128x128xf32, #tpu.memory_space<hbm>>) target_semaphore(%arg15 : memref<!tpu.dma_semaphore, #tpu.memory_space<semaphore_mem>>)
        %dma_wait3A_82 = arith.constant 0 : i32
        %dma_wait3A_83 = tpu.memref_slice %arg6[%multiple_of3A_71, %dma_wait3A_82] : memref<81920x128xf32, #tpu.memory_space<hbm>> -> memref<128x128xf32, #tpu.memory_space<hbm>>
        %dma_wait3A_84 = arith.constant 0 : i32
        %dma_wait3A_85 = tpu.memref_slice %arg6[%multiple_of3A_71, %dma_wait3A_84] : memref<81920x128xf32, #tpu.memory_space<hbm>> -> memref<128x128xf32, #tpu.memory_space<hbm>>
        tpu.wait_dma2 semaphore(%arg15 : memref<!tpu.dma_semaphore, #tpu.memory_space<semaphore_mem>>) src(%arg10 : memref<128x128xf32, #tpu.memory_space<vmem>>) dst(%dma_wait3A_85 : memref<128x128xf32, #tpu.memory_space<hbm>>)
        %add3A_86 = arith.constant 2 : i32
        %add3A_87 = arith.addi %add3A_67, %add3A_86 : i32
        %lt3A_88 = arith.constant 40 : i32
        %lt3A_89 = arith.cmpi slt, %add3A_87, %lt3A_88 : i32
        %convert_element_type3A_90 = arith.extui %lt3A_89 : i1 to i32
        %cond3A_91 = arith.constant 0 : i32
        %cond3A_92 = arith.cmpi ne, %convert_element_type3A_90, %cond3A_91 : i32
        scf.if %cond3A_92 {
          %add3A_93 = arith.constant 2 : i32
          %add3A_94 = arith.addi %add3A_67, %add3A_93 : i32
          %mul3A_95 = arith.constant 128 : i32
          %mul3A_96 = arith.muli %add3A_94, %mul3A_95 : i32
          %dma_start3A_97 = tpu.memref_slice %arg8[%mul3A_96] : memref<5120xi32, #tpu.memory_space<vmem>> -> memref<128xi32, #tpu.memory_space<vmem>>
          %dma_start3A_98 = arith.constant 0 : i32
          %dma_start3A_99 = arith.constant 0 : i32
          %dma_start3A_100 = tpu.memref_slice %arg11[%dma_start3A_98, %dma_start3A_99] : memref<10000x128xf32, #tpu.memory_space<vmem_shared>> -> memref<10000x128xf32, #tpu.memory_space<vmem_shared>>
          tpu.enqueue_indirect_dma source(%dma_start3A_100 : memref<10000x128xf32, #tpu.memory_space<vmem_shared>>) target(%arg10 : memref<128x128xf32, #tpu.memory_space<vmem>>) offsets(%dma_start3A_97 : memref<128xi32, #tpu.memory_space<vmem>>) semaphore(%arg13 : memref<!tpu.dma_semaphore, #tpu.memory_space<semaphore_mem>>)
        } else {
        }
      }
      %scan3A_35 = arith.constant 20 : i32
    } else {
    }
    %eq3A_13 = arith.constant 1 : i32
    %eq3A_14 = arith.cmpi eq, %arg0, %eq3A_13 : i32
    %convert_element_type3A_15 = arith.extui %eq3A_14 : i1 to i32
    %cond3A_16 = arith.constant 0 : i32
    %cond3A_17 = arith.cmpi ne, %convert_element_type3A_15, %cond3A_16 : i32
    scf.if %cond3A_17 {
      %mul3A_18 = arith.constant 40 : i32
      %mul3A_19 = arith.muli %arg1, %mul3A_18 : i32
      %mul3A_20 = arith.constant 128 : i32
      %mul3A_21 = arith.muli %mul3A_19, %mul3A_20 : i32
      %add3A = arith.constant 0 : i32
      %add3A_22 = arith.addi %add3A, %mul3A_21 : i32
      "tpu.region"() ({
        %run_scoped3A = tpu.sem_alloc : memref<!tpu.dma_semaphore, #tpu.memory_space<semaphore_mem>>
        %dma_start3A_36 = tpu.memref_slice %arg5[%add3A_22] : memref<163840xi32, #tpu.memory_space<hbm>> -> memref<5120xi32, #tpu.memory_space<hbm>>
        %dma_start3A_37 = tpu.memref_slice %arg5[%add3A_22] : memref<163840xi32, #tpu.memory_space<hbm>> -> memref<5120xi32, #tpu.memory_space<hbm>>
        tpu.enqueue_dma source(%dma_start3A_37 : memref<5120xi32, #tpu.memory_space<hbm>>) target(%arg8 : memref<5120xi32, #tpu.memory_space<vmem>>) target_semaphore(%run_scoped3A : memref<!tpu.dma_semaphore, #tpu.memory_space<semaphore_mem>>)
        %dma_wait3A = tpu.memref_slice %arg5[%add3A_22] : memref<163840xi32, #tpu.memory_space<hbm>> -> memref<5120xi32, #tpu.memory_space<hbm>>
        %dma_wait3A_38 = tpu.memref_slice %arg5[%add3A_22] : memref<163840xi32, #tpu.memory_space<hbm>> -> memref<5120xi32, #tpu.memory_space<hbm>>
        tpu.wait_dma2 semaphore(%run_scoped3A : memref<!tpu.dma_semaphore, #tpu.memory_space<semaphore_mem>>) src(%dma_wait3A_38 : memref<5120xi32, #tpu.memory_space<hbm>>) dst(%arg8 : memref<5120xi32, #tpu.memory_space<vmem>>)
        tpu.yield
      }) : () -> ()
      %dma_start3A = arith.constant 0 : i32
      %dma_start3A_23 = tpu.memref_slice %arg8[%dma_start3A] : memref<5120xi32, #tpu.memory_space<vmem>> -> memref<128xi32, #tpu.memory_space<vmem>>
      %dma_start3A_24 = arith.constant 0 : i32
      %dma_start3A_25 = arith.constant 0 : i32
      %dma_start3A_26 = tpu.memref_slice %arg11[%dma_start3A_24, %dma_start3A_25] : memref<10000x128xf32, #tpu.memory_space<vmem_shared>> -> memref<10000x128xf32, #tpu.memory_space<vmem_shared>>
      tpu.enqueue_indirect_dma source(%dma_start3A_26 : memref<10000x128xf32, #tpu.memory_space<vmem_shared>>) target(%arg9 : memref<128x128xf32, #tpu.memory_space<vmem>>) offsets(%dma_start3A_23 : memref<128xi32, #tpu.memory_space<vmem>>) semaphore(%arg12 : memref<!tpu.dma_semaphore, #tpu.memory_space<semaphore_mem>>)
      %dma_start3A_27 = arith.constant 128 : i32
      %dma_start3A_28 = tpu.memref_slice %arg8[%dma_start3A_27] : memref<5120xi32, #tpu.memory_space<vmem>> -> memref<128xi32, #tpu.memory_space<vmem>>
      %dma_start3A_29 = arith.constant 0 : i32
      %dma_start3A_30 = arith.constant 0 : i32
      %dma_start3A_31 = tpu.memref_slice %arg11[%dma_start3A_29, %dma_start3A_30] : memref<10000x128xf32, #tpu.memory_space<vmem_shared>> -> memref<10000x128xf32, #tpu.memory_space<vmem_shared>>
      tpu.enqueue_indirect_dma source(%dma_start3A_31 : memref<10000x128xf32, #tpu.memory_space<vmem_shared>>) target(%arg10 : memref<128x128xf32, #tpu.memory_space<vmem>>) offsets(%dma_start3A_28 : memref<128xi32, #tpu.memory_space<vmem>>) semaphore(%arg13 : memref<!tpu.dma_semaphore, #tpu.memory_space<semaphore_mem>>)
      %scan3A = arith.constant 0 : i32
      %scan3A_32 = arith.constant 20 : i32
      %scan3A_33 = arith.addi %scan3A, %scan3A_32 : i32
      %scan3A_34 = arith.constant 1 : i32
      scf.for %scan3A_36 = %scan3A to %scan3A_33 step %scan3A_34  : i32 {
        %mul3A_37 = arith.constant 2 : i32
        %mul3A_38 = arith.muli %mul3A_37, %scan3A_36 : i32
        %add3A_39 = arith.constant 0 : i32
        %add3A_40 = arith.addi %mul3A_38, %add3A_39 : i32
        %mul3A_41 = arith.constant 128 : i32
        %mul3A_42 = arith.muli %add3A_40, %mul3A_41 : i32
        %add3A_43 = arith.addi %mul3A_21, %mul3A_42 : i32
        %multiple_of3A_44 = tpu.assume_multiple %add3A_43, 128 : i32
        %dma_wait3A = arith.constant 0 : i32
        %dma_wait3A_45 = arith.constant 0 : i32
        %dma_wait3A_46 = tpu.memref_slice %arg2[%dma_wait3A, %dma_wait3A_45] : memref<10000x128xf32, #tpu.memory_space<hbm>> -> memref<128x128xf32, #tpu.memory_space<hbm>>
        %dma_wait3A_47 = arith.constant 0 : i32
        %dma_wait3A_48 = arith.constant 0 : i32
        %dma_wait3A_49 = tpu.memref_slice %arg2[%dma_wait3A_47, %dma_wait3A_48] : memref<10000x128xf32, #tpu.memory_space<hbm>> -> memref<128x128xf32, #tpu.memory_space<hbm>>
        tpu.wait_dma2 semaphore(%arg12 : memref<!tpu.dma_semaphore, #tpu.memory_space<semaphore_mem>>) src(%dma_wait3A_49 : memref<128x128xf32, #tpu.memory_space<hbm>>) dst(%arg9 : memref<128x128xf32, #tpu.memory_space<vmem>>)
        %dma_start3A_50 = arith.constant 0 : i32
        %dma_start3A_51 = tpu.memref_slice %arg7[%multiple_of3A_44, %dma_start3A_50] : memref<81920x128xf32, #tpu.memory_space<hbm>> -> memref<128x128xf32, #tpu.memory_space<hbm>>
        %dma_start3A_52 = arith.constant 0 : i32
        %dma_start3A_53 = tpu.memref_slice %arg7[%multiple_of3A_44, %dma_start3A_52] : memref<81920x128xf32, #tpu.memory_space<hbm>> -> memref<128x128xf32, #tpu.memory_space<hbm>>
        tpu.enqueue_dma source(%arg9 : memref<128x128xf32, #tpu.memory_space<vmem>>) target(%dma_start3A_53 : memref<128x128xf32, #tpu.memory_space<hbm>>) target_semaphore(%arg14 : memref<!tpu.dma_semaphore, #tpu.memory_space<semaphore_mem>>)
        %dma_wait3A_54 = arith.constant 0 : i32
        %dma_wait3A_55 = tpu.memref_slice %arg7[%multiple_of3A_44, %dma_wait3A_54] : memref<81920x128xf32, #tpu.memory_space<hbm>> -> memref<128x128xf32, #tpu.memory_space<hbm>>
        %dma_wait3A_56 = arith.constant 0 : i32
        %dma_wait3A_57 = tpu.memref_slice %arg7[%multiple_of3A_44, %dma_wait3A_56] : memref<81920x128xf32, #tpu.memory_space<hbm>> -> memref<128x128xf32, #tpu.memory_space<hbm>>
        tpu.wait_dma2 semaphore(%arg14 : memref<!tpu.dma_semaphore, #tpu.memory_space<semaphore_mem>>) src(%arg9 : memref<128x128xf32, #tpu.memory_space<vmem>>) dst(%dma_wait3A_57 : memref<128x128xf32, #tpu.memory_space<hbm>>)
        %add3A_58 = arith.constant 2 : i32
        %add3A_59 = arith.addi %add3A_40, %add3A_58 : i32
        %lt3A = arith.constant 40 : i32
        %lt3A_60 = arith.cmpi slt, %add3A_59, %lt3A : i32
        %convert_element_type3A_61 = arith.extui %lt3A_60 : i1 to i32
        %cond3A_62 = arith.constant 0 : i32
        %cond3A_63 = arith.cmpi ne, %convert_element_type3A_61, %cond3A_62 : i32
        scf.if %cond3A_63 {
          %add3A_93 = arith.constant 2 : i32
          %add3A_94 = arith.addi %add3A_40, %add3A_93 : i32
          %mul3A_95 = arith.constant 128 : i32
          %mul3A_96 = arith.muli %add3A_94, %mul3A_95 : i32
          %dma_start3A_97 = tpu.memref_slice %arg8[%mul3A_96] : memref<5120xi32, #tpu.memory_space<vmem>> -> memref<128xi32, #tpu.memory_space<vmem>>
          %dma_start3A_98 = arith.constant 0 : i32
          %dma_start3A_99 = arith.constant 0 : i32
          %dma_start3A_100 = tpu.memref_slice %arg11[%dma_start3A_98, %dma_start3A_99] : memref<10000x128xf32, #tpu.memory_space<vmem_shared>> -> memref<10000x128xf32, #tpu.memory_space<vmem_shared>>
          tpu.enqueue_indirect_dma source(%dma_start3A_100 : memref<10000x128xf32, #tpu.memory_space<vmem_shared>>) target(%arg9 : memref<128x128xf32, #tpu.memory_space<vmem>>) offsets(%dma_start3A_97 : memref<128xi32, #tpu.memory_space<vmem>>) semaphore(%arg12 : memref<!tpu.dma_semaphore, #tpu.memory_space<semaphore_mem>>)
        } else {
        }
        %mul3A_64 = arith.constant 2 : i32
        %mul3A_65 = arith.muli %mul3A_64, %scan3A_36 : i32
        %add3A_66 = arith.constant 1 : i32
        %add3A_67 = arith.addi %mul3A_65, %add3A_66 : i32
        %mul3A_68 = arith.constant 128 : i32
        %mul3A_69 = arith.muli %add3A_67, %mul3A_68 : i32
        %add3A_70 = arith.addi %mul3A_21, %mul3A_69 : i32
        %multiple_of3A_71 = tpu.assume_multiple %add3A_70, 128 : i32
        %dma_wait3A_72 = arith.constant 0 : i32
        %dma_wait3A_73 = arith.constant 0 : i32
        %dma_wait3A_74 = tpu.memref_slice %arg2[%dma_wait3A_72, %dma_wait3A_73] : memref<10000x128xf32, #tpu.memory_space<hbm>> -> memref<128x128xf32, #tpu.memory_space<hbm>>
        %dma_wait3A_75 = arith.constant 0 : i32
        %dma_wait3A_76 = arith.constant 0 : i32
        %dma_wait3A_77 = tpu.memref_slice %arg2[%dma_wait3A_75, %dma_wait3A_76] : memref<10000x128xf32, #tpu.memory_space<hbm>> -> memref<128x128xf32, #tpu.memory_space<hbm>>
        tpu.wait_dma2 semaphore(%arg13 : memref<!tpu.dma_semaphore, #tpu.memory_space<semaphore_mem>>) src(%dma_wait3A_77 : memref<128x128xf32, #tpu.memory_space<hbm>>) dst(%arg10 : memref<128x128xf32, #tpu.memory_space<vmem>>)
        %dma_start3A_78 = arith.constant 0 : i32
        %dma_start3A_79 = tpu.memref_slice %arg7[%multiple_of3A_71, %dma_start3A_78] : memref<81920x128xf32, #tpu.memory_space<hbm>> -> memref<128x128xf32, #tpu.memory_space<hbm>>
        %dma_start3A_80 = arith.constant 0 : i32
        %dma_start3A_81 = tpu.memref_slice %arg7[%multiple_of3A_71, %dma_start3A_80] : memref<81920x128xf32, #tpu.memory_space<hbm>> -> memref<128x128xf32, #tpu.memory_space<hbm>>
        tpu.enqueue_dma source(%arg10 : memref<128x128xf32, #tpu.memory_space<vmem>>) target(%dma_start3A_81 : memref<128x128xf32, #tpu.memory_space<hbm>>) target_semaphore(%arg15 : memref<!tpu.dma_semaphore, #tpu.memory_space<semaphore_mem>>)
        %dma_wait3A_82 = arith.constant 0 : i32
        %dma_wait3A_83 = tpu.memref_slice %arg7[%multiple_of3A_71, %dma_wait3A_82] : memref<81920x128xf32, #tpu.memory_space<hbm>> -> memref<128x128xf32, #tpu.memory_space<hbm>>
        %dma_wait3A_84 = arith.constant 0 : i32
        %dma_wait3A_85 = tpu.memref_slice %arg7[%multiple_of3A_71, %dma_wait3A_84] : memref<81920x128xf32, #tpu.memory_space<hbm>> -> memref<128x128xf32, #tpu.memory_space<hbm>>
        tpu.wait_dma2 semaphore(%arg15 : memref<!tpu.dma_semaphore, #tpu.memory_space<semaphore_mem>>) src(%arg10 : memref<128x128xf32, #tpu.memory_space<vmem>>) dst(%dma_wait3A_85 : memref<128x128xf32, #tpu.memory_space<hbm>>)
        %add3A_86 = arith.constant 2 : i32
        %add3A_87 = arith.addi %add3A_67, %add3A_86 : i32
        %lt3A_88 = arith.constant 40 : i32
        %lt3A_89 = arith.cmpi slt, %add3A_87, %lt3A_88 : i32
        %convert_element_type3A_90 = arith.extui %lt3A_89 : i1 to i32
        %cond3A_91 = arith.constant 0 : i32
        %cond3A_92 = arith.cmpi ne, %convert_element_type3A_90, %cond3A_91 : i32
        scf.if %cond3A_92 {
          %add3A_93 = arith.constant 2 : i32
          %add3A_94 = arith.addi %add3A_67, %add3A_93 : i32
          %mul3A_95 = arith.constant 128 : i32
          %mul3A_96 = arith.muli %add3A_94, %mul3A_95 : i32
          %dma_start3A_97 = tpu.memref_slice %arg8[%mul3A_96] : memref<5120xi32, #tpu.memory_space<vmem>> -> memref<128xi32, #tpu.memory_space<vmem>>
          %dma_start3A_98 = arith.constant 0 : i32
          %dma_start3A_99 = arith.constant 0 : i32
          %dma_start3A_100 = tpu.memref_slice %arg11[%dma_start3A_98, %dma_start3A_99] : memref<10000x128xf32, #tpu.memory_space<vmem_shared>> -> memref<10000x128xf32, #tpu.memory_space<vmem_shared>>
          tpu.enqueue_indirect_dma source(%dma_start3A_100 : memref<10000x128xf32, #tpu.memory_space<vmem_shared>>) target(%arg10 : memref<128x128xf32, #tpu.memory_space<vmem>>) offsets(%dma_start3A_97 : memref<128xi32, #tpu.memory_space<vmem>>) semaphore(%arg13 : memref<!tpu.dma_semaphore, #tpu.memory_space<semaphore_mem>>)
        } else {
        }
      }
      %scan3A_35 = arith.constant 20 : i32
    } else {
    }
    return
  }
}

#map = affine_map<(d0, d1) -> (0, 0)>
#map1 = affine_map<(d0, d1) -> (0)>
module attributes {stable_mosaic.version = 14 : i64} {
  func.func @scatter(%arg0: i32, %arg1: i32, %arg2: memref<81920x128xf32, #tpu.memory_space<hbm>>, %arg3: memref<1x81920xf32, #tpu.memory_space<hbm>>, %arg4: memref<1280x128xi32, #tpu.memory_space<hbm>>, %arg5: memref<640x128xf32, #tpu.memory_space<hbm>>, %arg6: memref<10240xf32, #tpu.memory_space<hbm>>, %arg7: memref<10240x128xf32, #tpu.memory_space<hbm>>, %arg8: memref<10240xf32, #tpu.memory_space<hbm>>, %arg9: memref<40x128xi32, #tpu.memory_space<vmem>>, %arg10: memref<128x128xf32, #tpu.memory_space<vmem>>, %arg11: memref<128x128xf32, #tpu.memory_space<vmem>>, %arg12: memref<128xf32, #tpu.memory_space<vmem>>, %arg13: memref<128xf32, #tpu.memory_space<vmem>>, %arg14: memref<10240x128xf32, #tpu.memory_space<vmem_shared>>, %arg15: memref<10240xf32, #tpu.memory_space<vmem_shared>>, %arg16: memref<!tpu.dma_semaphore, #tpu.memory_space<semaphore_mem>>, %arg17: memref<!tpu.dma_semaphore, #tpu.memory_space<semaphore_mem>>, %arg18: memref<!tpu.dma_semaphore, #tpu.memory_space<semaphore_mem>>, %arg19: memref<!tpu.dma_semaphore, #tpu.memory_space<semaphore_mem>>) attributes {dimension_semantics = [#tpu.dimension_semantics<core_parallel>, #tpu.dimension_semantics<subcore_parallel>], iteration_bounds = array<i64: 2, 16>, scalar_prefetch = 0 : i64, scratch_operands = 11 : i64, tpu.core_type = #tpu.core_type<sc_vector_subcore>, window_params = [{transform_indices = #map}, {transform_indices = #map}, {transform_indices = #map}, {transform_indices = #map}, {transform_indices = #map1}, {transform_indices = #map}, {transform_indices = #map1}]} {
    %mul3A = arith.constant 5120 : i32
    %mul3A_0 = arith.muli %arg1, %mul3A : i32
    %add3A = arith.constant 0 : i32
    %add3A_1 = arith.addi %add3A, %arg1 : i32
    %mul3A_2 = arith.constant 40 : i32
    %mul3A_3 = arith.muli %add3A_1, %mul3A_2 : i32
    %mul3A_4 = arith.constant 640 : i32
    %mul3A_5 = arith.muli %arg1, %mul3A_4 : i32
    %multiple_of3A = tpu.assume_multiple %mul3A_5, 8 : i32
    %eq3A = arith.constant 0 : i32
    %eq3A_6 = arith.cmpi eq, %arg0, %eq3A : i32
    %convert_element_type3A = arith.extui %eq3A_6 : i1 to i32
    %cond3A = arith.constant 0 : i32
    %cond3A_7 = arith.cmpi ne, %convert_element_type3A, %cond3A : i32
    scf.if %cond3A_7 {
      "tpu.region"() ({
        %run_scoped3A = tpu.sem_alloc : memref<!tpu.dma_semaphore, #tpu.memory_space<semaphore_mem>>
        %dma_start3A_36 = arith.constant 0 : i32
        %dma_start3A_37 = tpu.memref_slice %arg14[%multiple_of3A, %dma_start3A_36] : memref<10240x128xf32, #tpu.memory_space<vmem_shared>> -> memref<640x128xf32, #tpu.memory_space<vmem_shared>>
        tpu.enqueue_dma source(%arg5 : memref<640x128xf32, #tpu.memory_space<hbm>>) target(%dma_start3A_37 : memref<640x128xf32, #tpu.memory_space<vmem_shared>>) target_semaphore(%run_scoped3A : memref<!tpu.dma_semaphore, #tpu.memory_space<semaphore_mem>>)
        %dma_wait3A = arith.constant 0 : i32
        %dma_wait3A_38 = tpu.memref_slice %arg14[%multiple_of3A, %dma_wait3A] : memref<10240x128xf32, #tpu.memory_space<vmem_shared>> -> memref<640x128xf32, #tpu.memory_space<vmem_shared>>
        tpu.wait_dma2 semaphore(%run_scoped3A : memref<!tpu.dma_semaphore, #tpu.memory_space<semaphore_mem>>) src(%arg5 : memref<640x128xf32, #tpu.memory_space<hbm>>) dst(%dma_wait3A_38 : memref<640x128xf32, #tpu.memory_space<vmem_shared>>)
        tpu.yield
      }) : () -> ()
      "tpu.region"() ({
        %run_scoped3A = tpu.sem_alloc : memref<!tpu.dma_semaphore, #tpu.memory_space<semaphore_mem>>
        %dma_start3A_36 = tpu.memref_slice %arg15[%multiple_of3A] : memref<10240xf32, #tpu.memory_space<vmem_shared>> -> memref<640xf32, #tpu.memory_space<vmem_shared>>
        %dma_start3A_37 = tpu.memref_slice %arg6[%multiple_of3A] : memref<10240xf32, #tpu.memory_space<hbm>> -> memref<640xf32, #tpu.memory_space<hbm>>
        tpu.enqueue_dma source(%dma_start3A_37 : memref<640xf32, #tpu.memory_space<hbm>>) target(%dma_start3A_36 : memref<640xf32, #tpu.memory_space<vmem_shared>>) target_semaphore(%run_scoped3A : memref<!tpu.dma_semaphore, #tpu.memory_space<semaphore_mem>>)
        %dma_wait3A = tpu.memref_slice %arg15[%multiple_of3A] : memref<10240xf32, #tpu.memory_space<vmem_shared>> -> memref<640xf32, #tpu.memory_space<vmem_shared>>
        %dma_wait3A_38 = tpu.memref_slice %arg6[%multiple_of3A] : memref<10240xf32, #tpu.memory_space<hbm>> -> memref<640xf32, #tpu.memory_space<hbm>>
        tpu.wait_dma2 semaphore(%run_scoped3A : memref<!tpu.dma_semaphore, #tpu.memory_space<semaphore_mem>>) src(%dma_wait3A_38 : memref<640xf32, #tpu.memory_space<hbm>>) dst(%dma_wait3A : memref<640xf32, #tpu.memory_space<vmem_shared>>)
        tpu.yield
      }) : () -> ()
      "tpu.region"() ({
        %run_scoped3A = tpu.sem_alloc : memref<!tpu.dma_semaphore, #tpu.memory_space<semaphore_mem>>
        %dma_start3A_36 = arith.constant 0 : i32
        %dma_start3A_37 = tpu.memref_slice %arg4[%mul3A_3, %dma_start3A_36] : memref<1280x128xi32, #tpu.memory_space<hbm>> -> memref<40x128xi32, #tpu.memory_space<hbm>>
        %dma_start3A_38 = arith.constant 0 : i32
        %dma_start3A_39 = tpu.memref_slice %arg4[%mul3A_3, %dma_start3A_38] : memref<1280x128xi32, #tpu.memory_space<hbm>> -> memref<40x128xi32, #tpu.memory_space<hbm>>
        tpu.enqueue_dma source(%dma_start3A_39 : memref<40x128xi32, #tpu.memory_space<hbm>>) target(%arg9 : memref<40x128xi32, #tpu.memory_space<vmem>>) target_semaphore(%run_scoped3A : memref<!tpu.dma_semaphore, #tpu.memory_space<semaphore_mem>>)
        %dma_wait3A = arith.constant 0 : i32
        %dma_wait3A_40 = tpu.memref_slice %arg4[%mul3A_3, %dma_wait3A] : memref<1280x128xi32, #tpu.memory_space<hbm>> -> memref<40x128xi32, #tpu.memory_space<hbm>>
        %dma_wait3A_41 = arith.constant 0 : i32
        %dma_wait3A_42 = tpu.memref_slice %arg4[%mul3A_3, %dma_wait3A_41] : memref<1280x128xi32, #tpu.memory_space<hbm>> -> memref<40x128xi32, #tpu.memory_space<hbm>>
        tpu.wait_dma2 semaphore(%run_scoped3A : memref<!tpu.dma_semaphore, #tpu.memory_space<semaphore_mem>>) src(%dma_wait3A_42 : memref<40x128xi32, #tpu.memory_space<hbm>>) dst(%arg9 : memref<40x128xi32, #tpu.memory_space<vmem>>)
        tpu.yield
      }) : () -> ()
      %barrier3A = arith.constant 0 : index
      tpu.barrier barrier_id(%barrier3A)
      %add3A_8 = arith.constant 0 : i32
      %add3A_9 = arith.addi %mul3A_0, %add3A_8 : i32
      %multiple_of3A_10 = tpu.assume_multiple %add3A_9, 128 : i32
      %dma_start3A = arith.constant 0 : i32
      %dma_start3A_11 = tpu.memref_slice %arg2[%multiple_of3A_10, %dma_start3A] : memref<81920x128xf32, #tpu.memory_space<hbm>> -> memref<128x128xf32, #tpu.memory_space<hbm>>
      %dma_start3A_12 = arith.constant 0 : i32
      %dma_start3A_13 = tpu.memref_slice %arg2[%multiple_of3A_10, %dma_start3A_12] : memref<81920x128xf32, #tpu.memory_space<hbm>> -> memref<128x128xf32, #tpu.memory_space<hbm>>
      tpu.enqueue_dma source(%dma_start3A_13 : memref<128x128xf32, #tpu.memory_space<hbm>>) target(%arg10 : memref<128x128xf32, #tpu.memory_space<vmem>>) target_semaphore(%arg16 : memref<!tpu.dma_semaphore, #tpu.memory_space<semaphore_mem>>)
      %dma_start3A_14 = arith.constant 0 : i32
      %dma_start3A_15 = tpu.memref_slice %arg3[%dma_start3A_14, %multiple_of3A_10] : memref<1x81920xf32, #tpu.memory_space<hbm>> -> memref<1x128xf32, #tpu.memory_space<hbm>>
      %dma_start3A_16 = tpu.memref_squeeze %dma_start3A_15 : memref<1x128xf32, #tpu.memory_space<hbm>> -> memref<128xf32, #tpu.memory_space<hbm>>
      %dma_start3A_17 = tpu.memref_slice %arg3[%dma_start3A_14, %multiple_of3A_10] : memref<1x81920xf32, #tpu.memory_space<hbm>> -> memref<1x128xf32, #tpu.memory_space<hbm>>
      %dma_start3A_18 = tpu.memref_squeeze %dma_start3A_17 : memref<1x128xf32, #tpu.memory_space<hbm>> -> memref<128xf32, #tpu.memory_space<hbm>>
      tpu.enqueue_dma source(%dma_start3A_18 : memref<128xf32, #tpu.memory_space<hbm>>) target(%arg12 : memref<128xf32, #tpu.memory_space<vmem>>) target_semaphore(%arg16 : memref<!tpu.dma_semaphore, #tpu.memory_space<semaphore_mem>>)
      %add3A_19 = arith.constant 128 : i32
      %add3A_20 = arith.addi %mul3A_0, %add3A_19 : i32
      %multiple_of3A_21 = tpu.assume_multiple %add3A_20, 128 : i32
      %dma_start3A_22 = arith.constant 0 : i32
      %dma_start3A_23 = tpu.memref_slice %arg2[%multiple_of3A_21, %dma_start3A_22] : memref<81920x128xf32, #tpu.memory_space<hbm>> -> memref<128x128xf32, #tpu.memory_space<hbm>>
      %dma_start3A_24 = arith.constant 0 : i32
      %dma_start3A_25 = tpu.memref_slice %arg2[%multiple_of3A_21, %dma_start3A_24] : memref<81920x128xf32, #tpu.memory_space<hbm>> -> memref<128x128xf32, #tpu.memory_space<hbm>>
      tpu.enqueue_dma source(%dma_start3A_25 : memref<128x128xf32, #tpu.memory_space<hbm>>) target(%arg11 : memref<128x128xf32, #tpu.memory_space<vmem>>) target_semaphore(%arg17 : memref<!tpu.dma_semaphore, #tpu.memory_space<semaphore_mem>>)
      %dma_start3A_26 = arith.constant 0 : i32
      %dma_start3A_27 = tpu.memref_slice %arg3[%dma_start3A_26, %multiple_of3A_21] : memref<1x81920xf32, #tpu.memory_space<hbm>> -> memref<1x128xf32, #tpu.memory_space<hbm>>
      %dma_start3A_28 = tpu.memref_squeeze %dma_start3A_27 : memref<1x128xf32, #tpu.memory_space<hbm>> -> memref<128xf32, #tpu.memory_space<hbm>>
      %dma_start3A_29 = tpu.memref_slice %arg3[%dma_start3A_26, %multiple_of3A_21] : memref<1x81920xf32, #tpu.memory_space<hbm>> -> memref<1x128xf32, #tpu.memory_space<hbm>>
      %dma_start3A_30 = tpu.memref_squeeze %dma_start3A_29 : memref<1x128xf32, #tpu.memory_space<hbm>> -> memref<128xf32, #tpu.memory_space<hbm>>
      tpu.enqueue_dma source(%dma_start3A_30 : memref<128xf32, #tpu.memory_space<hbm>>) target(%arg13 : memref<128xf32, #tpu.memory_space<vmem>>) target_semaphore(%arg17 : memref<!tpu.dma_semaphore, #tpu.memory_space<semaphore_mem>>)
      %scan3A = arith.constant 0 : i32
      %scan3A_31 = arith.constant 20 : i32
      %scan3A_32 = arith.addi %scan3A, %scan3A_31 : i32
      %scan3A_33 = arith.constant 1 : i32
      scf.for %scan3A_36 = %scan3A to %scan3A_32 step %scan3A_33  : i32 {
        %mul3A_37 = arith.constant 2 : i32
        %mul3A_38 = arith.muli %mul3A_37, %scan3A_36 : i32
        %add3A_39 = arith.constant 0 : i32
        %add3A_40 = arith.addi %mul3A_38, %add3A_39 : i32
        %mul3A_41 = arith.constant 128 : i32
        %mul3A_42 = arith.muli %add3A_40, %mul3A_41 : i32
        %add3A_43 = arith.addi %mul3A_0, %mul3A_42 : i32
        %multiple_of3A_44 = tpu.assume_multiple %add3A_43, 128 : i32
        %dma_wait3A = arith.constant 0 : i32
        %dma_wait3A_45 = tpu.memref_slice %arg2[%multiple_of3A_44, %dma_wait3A] : memref<81920x128xf32, #tpu.memory_space<hbm>> -> memref<128x128xf32, #tpu.memory_space<hbm>>
        %dma_wait3A_46 = arith.constant 0 : i32
        %dma_wait3A_47 = tpu.memref_slice %arg2[%multiple_of3A_44, %dma_wait3A_46] : memref<81920x128xf32, #tpu.memory_space<hbm>> -> memref<128x128xf32, #tpu.memory_space<hbm>>
        tpu.wait_dma2 semaphore(%arg16 : memref<!tpu.dma_semaphore, #tpu.memory_space<semaphore_mem>>) src(%dma_wait3A_47 : memref<128x128xf32, #tpu.memory_space<hbm>>) dst(%arg10 : memref<128x128xf32, #tpu.memory_space<vmem>>)
        %dma_wait3A_48 = arith.constant 0 : i32
        %dma_wait3A_49 = tpu.memref_slice %arg3[%dma_wait3A_48, %multiple_of3A_44] : memref<1x81920xf32, #tpu.memory_space<hbm>> -> memref<1x128xf32, #tpu.memory_space<hbm>>
        %dma_wait3A_50 = tpu.memref_squeeze %dma_wait3A_49 : memref<1x128xf32, #tpu.memory_space<hbm>> -> memref<128xf32, #tpu.memory_space<hbm>>
        %dma_wait3A_51 = tpu.memref_slice %arg3[%dma_wait3A_48, %multiple_of3A_44] : memref<1x81920xf32, #tpu.memory_space<hbm>> -> memref<1x128xf32, #tpu.memory_space<hbm>>
        %dma_wait3A_52 = tpu.memref_squeeze %dma_wait3A_51 : memref<1x128xf32, #tpu.memory_space<hbm>> -> memref<128xf32, #tpu.memory_space<hbm>>
        tpu.wait_dma2 semaphore(%arg16 : memref<!tpu.dma_semaphore, #tpu.memory_space<semaphore_mem>>) src(%dma_wait3A_52 : memref<128xf32, #tpu.memory_space<hbm>>) dst(%arg12 : memref<128xf32, #tpu.memory_space<vmem>>)
        %dma_start3A_53 = arith.constant 0 : i32
        %dma_start3A_54 = tpu.memref_slice %arg9[%add3A_40, %dma_start3A_53] : memref<40x128xi32, #tpu.memory_space<vmem>> -> memref<1x128xi32, #tpu.memory_space<vmem>>
        %dma_start3A_55 = tpu.memref_squeeze %dma_start3A_54 : memref<1x128xi32, #tpu.memory_space<vmem>> -> memref<128xi32, #tpu.memory_space<vmem>>
        %dma_start3A_56 = arith.constant 0 : i32
        %dma_start3A_57 = arith.constant 0 : i32
        %dma_start3A_58 = tpu.memref_slice %arg14[%dma_start3A_56, %dma_start3A_57] : memref<10240x128xf32, #tpu.memory_space<vmem_shared>> -> memref<10240x128xf32, #tpu.memory_space<vmem_shared>>
        tpu.enqueue_indirect_dma source(%arg10 : memref<128x128xf32, #tpu.memory_space<vmem>>) target(%dma_start3A_58 : memref<10240x128xf32, #tpu.memory_space<vmem_shared>>) offsets(%dma_start3A_55 : memref<128xi32, #tpu.memory_space<vmem>>) semaphore(%arg18 : memref<!tpu.dma_semaphore, #tpu.memory_space<semaphore_mem>>) {add = true}
        %dma_start3A_59 = arith.constant 0 : i32
        %dma_start3A_60 = tpu.memref_slice %arg9[%add3A_40, %dma_start3A_59] : memref<40x128xi32, #tpu.memory_space<vmem>> -> memref<1x128xi32, #tpu.memory_space<vmem>>
        %dma_start3A_61 = tpu.memref_squeeze %dma_start3A_60 : memref<1x128xi32, #tpu.memory_space<vmem>> -> memref<128xi32, #tpu.memory_space<vmem>>
        %dma_start3A_62 = arith.constant 0 : i32
        %dma_start3A_63 = tpu.memref_slice %arg15[%dma_start3A_62] : memref<10240xf32, #tpu.memory_space<vmem_shared>> -> memref<10240xf32, #tpu.memory_space<vmem_shared>>
        tpu.enqueue_indirect_dma source(%arg12 : memref<128xf32, #tpu.memory_space<vmem>>) target(%dma_start3A_63 : memref<10240xf32, #tpu.memory_space<vmem_shared>>) offsets(%dma_start3A_61 : memref<128xi32, #tpu.memory_space<vmem>>) semaphore(%arg18 : memref<!tpu.dma_semaphore, #tpu.memory_space<semaphore_mem>>) {add = true}
        %dma_wait3A_64 = arith.constant 0 : i32
        %dma_wait3A_65 = tpu.memref_slice %arg9[%add3A_40, %dma_wait3A_64] : memref<40x128xi32, #tpu.memory_space<vmem>> -> memref<1x128xi32, #tpu.memory_space<vmem>>
        %dma_wait3A_66 = tpu.memref_squeeze %dma_wait3A_65 : memref<1x128xi32, #tpu.memory_space<vmem>> -> memref<128xi32, #tpu.memory_space<vmem>>
        %dma_wait3A_67 = arith.constant 0 : i32
        %dma_wait3A_68 = arith.constant 0 : i32
        %dma_wait3A_69 = tpu.memref_slice %arg14[%dma_wait3A_67, %dma_wait3A_68] : memref<10240x128xf32, #tpu.memory_space<vmem_shared>> -> memref<10240x128xf32, #tpu.memory_space<vmem_shared>>
        tpu.wait_indirect_dma semaphore(%arg18 : memref<!tpu.dma_semaphore, #tpu.memory_space<semaphore_mem>>) src(%arg10 : memref<128x128xf32, #tpu.memory_space<vmem>>) dst(%dma_wait3A_69 : memref<10240x128xf32, #tpu.memory_space<vmem_shared>>)
        %dma_wait3A_70 = arith.constant 0 : i32
        %dma_wait3A_71 = tpu.memref_slice %arg9[%add3A_40, %dma_wait3A_70] : memref<40x128xi32, #tpu.memory_space<vmem>> -> memref<1x128xi32, #tpu.memory_space<vmem>>
        %dma_wait3A_72 = tpu.memref_squeeze %dma_wait3A_71 : memref<1x128xi32, #tpu.memory_space<vmem>> -> memref<128xi32, #tpu.memory_space<vmem>>
        %dma_wait3A_73 = arith.constant 0 : i32
        %dma_wait3A_74 = tpu.memref_slice %arg15[%dma_wait3A_73] : memref<10240xf32, #tpu.memory_space<vmem_shared>> -> memref<10240xf32, #tpu.memory_space<vmem_shared>>
        tpu.wait_indirect_dma semaphore(%arg18 : memref<!tpu.dma_semaphore, #tpu.memory_space<semaphore_mem>>) src(%arg12 : memref<128xf32, #tpu.memory_space<vmem>>) dst(%dma_wait3A_74 : memref<10240xf32, #tpu.memory_space<vmem_shared>>)
        %add3A_75 = arith.constant 2 : i32
        %add3A_76 = arith.addi %add3A_40, %add3A_75 : i32
        %lt3A = arith.constant 40 : i32
        %lt3A_77 = arith.cmpi slt, %add3A_76, %lt3A : i32
        %convert_element_type3A_78 = arith.extui %lt3A_77 : i1 to i32
        %cond3A_79 = arith.constant 0 : i32
        %cond3A_80 = arith.cmpi ne, %convert_element_type3A_78, %cond3A_79 : i32
        scf.if %cond3A_80 {
          %add3A_127 = arith.constant 2 : i32
          %add3A_128 = arith.addi %add3A_40, %add3A_127 : i32
          %mul3A_129 = arith.constant 128 : i32
          %mul3A_130 = arith.muli %add3A_128, %mul3A_129 : i32
          %add3A_131 = arith.addi %mul3A_0, %mul3A_130 : i32
          %multiple_of3A_132 = tpu.assume_multiple %add3A_131, 128 : i32
          %dma_start3A_133 = arith.constant 0 : i32
          %dma_start3A_134 = tpu.memref_slice %arg2[%multiple_of3A_132, %dma_start3A_133] : memref<81920x128xf32, #tpu.memory_space<hbm>> -> memref<128x128xf32, #tpu.memory_space<hbm>>
          %dma_start3A_135 = arith.constant 0 : i32
          %dma_start3A_136 = tpu.memref_slice %arg2[%multiple_of3A_132, %dma_start3A_135] : memref<81920x128xf32, #tpu.memory_space<hbm>> -> memref<128x128xf32, #tpu.memory_space<hbm>>
          tpu.enqueue_dma source(%dma_start3A_136 : memref<128x128xf32, #tpu.memory_space<hbm>>) target(%arg10 : memref<128x128xf32, #tpu.memory_space<vmem>>) target_semaphore(%arg16 : memref<!tpu.dma_semaphore, #tpu.memory_space<semaphore_mem>>)
          %dma_start3A_137 = arith.constant 0 : i32
          %dma_start3A_138 = tpu.memref_slice %arg3[%dma_start3A_137, %multiple_of3A_132] : memref<1x81920xf32, #tpu.memory_space<hbm>> -> memref<1x128xf32, #tpu.memory_space<hbm>>
          %dma_start3A_139 = tpu.memref_squeeze %dma_start3A_138 : memref<1x128xf32, #tpu.memory_space<hbm>> -> memref<128xf32, #tpu.memory_space<hbm>>
          %dma_start3A_140 = tpu.memref_slice %arg3[%dma_start3A_137, %multiple_of3A_132] : memref<1x81920xf32, #tpu.memory_space<hbm>> -> memref<1x128xf32, #tpu.memory_space<hbm>>
          %dma_start3A_141 = tpu.memref_squeeze %dma_start3A_140 : memref<1x128xf32, #tpu.memory_space<hbm>> -> memref<128xf32, #tpu.memory_space<hbm>>
          tpu.enqueue_dma source(%dma_start3A_141 : memref<128xf32, #tpu.memory_space<hbm>>) target(%arg12 : memref<128xf32, #tpu.memory_space<vmem>>) target_semaphore(%arg16 : memref<!tpu.dma_semaphore, #tpu.memory_space<semaphore_mem>>)
        } else {
        }
        %mul3A_81 = arith.constant 2 : i32
        %mul3A_82 = arith.muli %mul3A_81, %scan3A_36 : i32
        %add3A_83 = arith.constant 1 : i32
        %add3A_84 = arith.addi %mul3A_82, %add3A_83 : i32
        %mul3A_85 = arith.constant 128 : i32
        %mul3A_86 = arith.muli %add3A_84, %mul3A_85 : i32
        %add3A_87 = arith.addi %mul3A_0, %mul3A_86 : i32
        %multiple_of3A_88 = tpu.assume_multiple %add3A_87, 128 : i32
        %dma_wait3A_89 = arith.constant 0 : i32
        %dma_wait3A_90 = tpu.memref_slice %arg2[%multiple_of3A_88, %dma_wait3A_89] : memref<81920x128xf32, #tpu.memory_space<hbm>> -> memref<128x128xf32, #tpu.memory_space<hbm>>
        %dma_wait3A_91 = arith.constant 0 : i32
        %dma_wait3A_92 = tpu.memref_slice %arg2[%multiple_of3A_88, %dma_wait3A_91] : memref<81920x128xf32, #tpu.memory_space<hbm>> -> memref<128x128xf32, #tpu.memory_space<hbm>>
        tpu.wait_dma2 semaphore(%arg17 : memref<!tpu.dma_semaphore, #tpu.memory_space<semaphore_mem>>) src(%dma_wait3A_92 : memref<128x128xf32, #tpu.memory_space<hbm>>) dst(%arg11 : memref<128x128xf32, #tpu.memory_space<vmem>>)
        %dma_wait3A_93 = arith.constant 0 : i32
        %dma_wait3A_94 = tpu.memref_slice %arg3[%dma_wait3A_93, %multiple_of3A_88] : memref<1x81920xf32, #tpu.memory_space<hbm>> -> memref<1x128xf32, #tpu.memory_space<hbm>>
        %dma_wait3A_95 = tpu.memref_squeeze %dma_wait3A_94 : memref<1x128xf32, #tpu.memory_space<hbm>> -> memref<128xf32, #tpu.memory_space<hbm>>
        %dma_wait3A_96 = tpu.memref_slice %arg3[%dma_wait3A_93, %multiple_of3A_88] : memref<1x81920xf32, #tpu.memory_space<hbm>> -> memref<1x128xf32, #tpu.memory_space<hbm>>
        %dma_wait3A_97 = tpu.memref_squeeze %dma_wait3A_96 : memref<1x128xf32, #tpu.memory_space<hbm>> -> memref<128xf32, #tpu.memory_space<hbm>>
        tpu.wait_dma2 semaphore(%arg17 : memref<!tpu.dma_semaphore, #tpu.memory_space<semaphore_mem>>) src(%dma_wait3A_97 : memref<128xf32, #tpu.memory_space<hbm>>) dst(%arg13 : memref<128xf32, #tpu.memory_space<vmem>>)
        %dma_start3A_98 = arith.constant 0 : i32
        %dma_start3A_99 = tpu.memref_slice %arg9[%add3A_84, %dma_start3A_98] : memref<40x128xi32, #tpu.memory_space<vmem>> -> memref<1x128xi32, #tpu.memory_space<vmem>>
        %dma_start3A_100 = tpu.memref_squeeze %dma_start3A_99 : memref<1x128xi32, #tpu.memory_space<vmem>> -> memref<128xi32, #tpu.memory_space<vmem>>
        %dma_start3A_101 = arith.constant 0 : i32
        %dma_start3A_102 = arith.constant 0 : i32
        %dma_start3A_103 = tpu.memref_slice %arg14[%dma_start3A_101, %dma_start3A_102] : memref<10240x128xf32, #tpu.memory_space<vmem_shared>> -> memref<10240x128xf32, #tpu.memory_space<vmem_shared>>
        tpu.enqueue_indirect_dma source(%arg11 : memref<128x128xf32, #tpu.memory_space<vmem>>) target(%dma_start3A_103 : memref<10240x128xf32, #tpu.memory_space<vmem_shared>>) offsets(%dma_start3A_100 : memref<128xi32, #tpu.memory_space<vmem>>) semaphore(%arg19 : memref<!tpu.dma_semaphore, #tpu.memory_space<semaphore_mem>>) {add = true}
        %dma_start3A_104 = arith.constant 0 : i32
        %dma_start3A_105 = tpu.memref_slice %arg9[%add3A_84, %dma_start3A_104] : memref<40x128xi32, #tpu.memory_space<vmem>> -> memref<1x128xi32, #tpu.memory_space<vmem>>
        %dma_start3A_106 = tpu.memref_squeeze %dma_start3A_105 : memref<1x128xi32, #tpu.memory_space<vmem>> -> memref<128xi32, #tpu.memory_space<vmem>>
        %dma_start3A_107 = arith.constant 0 : i32
        %dma_start3A_108 = tpu.memref_slice %arg15[%dma_start3A_107] : memref<10240xf32, #tpu.memory_space<vmem_shared>> -> memref<10240xf32, #tpu.memory_space<vmem_shared>>
        tpu.enqueue_indirect_dma source(%arg13 : memref<128xf32, #tpu.memory_space<vmem>>) target(%dma_start3A_108 : memref<10240xf32, #tpu.memory_space<vmem_shared>>) offsets(%dma_start3A_106 : memref<128xi32, #tpu.memory_space<vmem>>) semaphore(%arg19 : memref<!tpu.dma_semaphore, #tpu.memory_space<semaphore_mem>>) {add = true}
        %dma_wait3A_109 = arith.constant 0 : i32
        %dma_wait3A_110 = tpu.memref_slice %arg9[%add3A_84, %dma_wait3A_109] : memref<40x128xi32, #tpu.memory_space<vmem>> -> memref<1x128xi32, #tpu.memory_space<vmem>>
        %dma_wait3A_111 = tpu.memref_squeeze %dma_wait3A_110 : memref<1x128xi32, #tpu.memory_space<vmem>> -> memref<128xi32, #tpu.memory_space<vmem>>
        %dma_wait3A_112 = arith.constant 0 : i32
        %dma_wait3A_113 = arith.constant 0 : i32
        %dma_wait3A_114 = tpu.memref_slice %arg14[%dma_wait3A_112, %dma_wait3A_113] : memref<10240x128xf32, #tpu.memory_space<vmem_shared>> -> memref<10240x128xf32, #tpu.memory_space<vmem_shared>>
        tpu.wait_indirect_dma semaphore(%arg19 : memref<!tpu.dma_semaphore, #tpu.memory_space<semaphore_mem>>) src(%arg11 : memref<128x128xf32, #tpu.memory_space<vmem>>) dst(%dma_wait3A_114 : memref<10240x128xf32, #tpu.memory_space<vmem_shared>>)
        %dma_wait3A_115 = arith.constant 0 : i32
        %dma_wait3A_116 = tpu.memref_slice %arg9[%add3A_84, %dma_wait3A_115] : memref<40x128xi32, #tpu.memory_space<vmem>> -> memref<1x128xi32, #tpu.memory_space<vmem>>
        %dma_wait3A_117 = tpu.memref_squeeze %dma_wait3A_116 : memref<1x128xi32, #tpu.memory_space<vmem>> -> memref<128xi32, #tpu.memory_space<vmem>>
        %dma_wait3A_118 = arith.constant 0 : i32
        %dma_wait3A_119 = tpu.memref_slice %arg15[%dma_wait3A_118] : memref<10240xf32, #tpu.memory_space<vmem_shared>> -> memref<10240xf32, #tpu.memory_space<vmem_shared>>
        tpu.wait_indirect_dma semaphore(%arg19 : memref<!tpu.dma_semaphore, #tpu.memory_space<semaphore_mem>>) src(%arg13 : memref<128xf32, #tpu.memory_space<vmem>>) dst(%dma_wait3A_119 : memref<10240xf32, #tpu.memory_space<vmem_shared>>)
        %add3A_120 = arith.constant 2 : i32
        %add3A_121 = arith.addi %add3A_84, %add3A_120 : i32
        %lt3A_122 = arith.constant 40 : i32
        %lt3A_123 = arith.cmpi slt, %add3A_121, %lt3A_122 : i32
        %convert_element_type3A_124 = arith.extui %lt3A_123 : i1 to i32
        %cond3A_125 = arith.constant 0 : i32
        %cond3A_126 = arith.cmpi ne, %convert_element_type3A_124, %cond3A_125 : i32
        scf.if %cond3A_126 {
          %add3A_127 = arith.constant 2 : i32
          %add3A_128 = arith.addi %add3A_84, %add3A_127 : i32
          %mul3A_129 = arith.constant 128 : i32
          %mul3A_130 = arith.muli %add3A_128, %mul3A_129 : i32
          %add3A_131 = arith.addi %mul3A_0, %mul3A_130 : i32
          %multiple_of3A_132 = tpu.assume_multiple %add3A_131, 128 : i32
          %dma_start3A_133 = arith.constant 0 : i32
          %dma_start3A_134 = tpu.memref_slice %arg2[%multiple_of3A_132, %dma_start3A_133] : memref<81920x128xf32, #tpu.memory_space<hbm>> -> memref<128x128xf32, #tpu.memory_space<hbm>>
          %dma_start3A_135 = arith.constant 0 : i32
          %dma_start3A_136 = tpu.memref_slice %arg2[%multiple_of3A_132, %dma_start3A_135] : memref<81920x128xf32, #tpu.memory_space<hbm>> -> memref<128x128xf32, #tpu.memory_space<hbm>>
          tpu.enqueue_dma source(%dma_start3A_136 : memref<128x128xf32, #tpu.memory_space<hbm>>) target(%arg11 : memref<128x128xf32, #tpu.memory_space<vmem>>) target_semaphore(%arg17 : memref<!tpu.dma_semaphore, #tpu.memory_space<semaphore_mem>>)
          %dma_start3A_137 = arith.constant 0 : i32
          %dma_start3A_138 = tpu.memref_slice %arg3[%dma_start3A_137, %multiple_of3A_132] : memref<1x81920xf32, #tpu.memory_space<hbm>> -> memref<1x128xf32, #tpu.memory_space<hbm>>
          %dma_start3A_139 = tpu.memref_squeeze %dma_start3A_138 : memref<1x128xf32, #tpu.memory_space<hbm>> -> memref<128xf32, #tpu.memory_space<hbm>>
          %dma_start3A_140 = tpu.memref_slice %arg3[%dma_start3A_137, %multiple_of3A_132] : memref<1x81920xf32, #tpu.memory_space<hbm>> -> memref<1x128xf32, #tpu.memory_space<hbm>>
          %dma_start3A_141 = tpu.memref_squeeze %dma_start3A_140 : memref<1x128xf32, #tpu.memory_space<hbm>> -> memref<128xf32, #tpu.memory_space<hbm>>
          tpu.enqueue_dma source(%dma_start3A_141 : memref<128xf32, #tpu.memory_space<hbm>>) target(%arg13 : memref<128xf32, #tpu.memory_space<vmem>>) target_semaphore(%arg17 : memref<!tpu.dma_semaphore, #tpu.memory_space<semaphore_mem>>)
        } else {
        }
      }
      %scan3A_34 = arith.constant 20 : i32
      %barrier3A_35 = arith.constant 0 : index
      tpu.barrier barrier_id(%barrier3A_35)
      "tpu.region"() ({
        %run_scoped3A = tpu.sem_alloc : memref<!tpu.dma_semaphore, #tpu.memory_space<semaphore_mem>>
        %dma_start3A_36 = arith.constant 0 : i32
        %dma_start3A_37 = tpu.memref_slice %arg7[%multiple_of3A, %dma_start3A_36] : memref<10240x128xf32, #tpu.memory_space<hbm>> -> memref<640x128xf32, #tpu.memory_space<hbm>>
        %dma_start3A_38 = arith.constant 0 : i32
        %dma_start3A_39 = tpu.memref_slice %arg14[%multiple_of3A, %dma_start3A_38] : memref<10240x128xf32, #tpu.memory_space<vmem_shared>> -> memref<640x128xf32, #tpu.memory_space<vmem_shared>>
        tpu.enqueue_dma source(%dma_start3A_39 : memref<640x128xf32, #tpu.memory_space<vmem_shared>>) target(%dma_start3A_37 : memref<640x128xf32, #tpu.memory_space<hbm>>) target_semaphore(%run_scoped3A : memref<!tpu.dma_semaphore, #tpu.memory_space<semaphore_mem>>)
        %dma_wait3A = arith.constant 0 : i32
        %dma_wait3A_40 = tpu.memref_slice %arg7[%multiple_of3A, %dma_wait3A] : memref<10240x128xf32, #tpu.memory_space<hbm>> -> memref<640x128xf32, #tpu.memory_space<hbm>>
        %dma_wait3A_41 = arith.constant 0 : i32
        %dma_wait3A_42 = tpu.memref_slice %arg14[%multiple_of3A, %dma_wait3A_41] : memref<10240x128xf32, #tpu.memory_space<vmem_shared>> -> memref<640x128xf32, #tpu.memory_space<vmem_shared>>
        tpu.wait_dma2 semaphore(%run_scoped3A : memref<!tpu.dma_semaphore, #tpu.memory_space<semaphore_mem>>) src(%dma_wait3A_42 : memref<640x128xf32, #tpu.memory_space<vmem_shared>>) dst(%dma_wait3A_40 : memref<640x128xf32, #tpu.memory_space<hbm>>)
        tpu.yield
      }) : () -> ()
      "tpu.region"() ({
        %run_scoped3A = tpu.sem_alloc : memref<!tpu.dma_semaphore, #tpu.memory_space<semaphore_mem>>
        %dma_start3A_36 = tpu.memref_slice %arg8[%multiple_of3A] : memref<10240xf32, #tpu.memory_space<hbm>> -> memref<640xf32, #tpu.memory_space<hbm>>
        %dma_start3A_37 = tpu.memref_slice %arg15[%multiple_of3A] : memref<10240xf32, #tpu.memory_space<vmem_shared>> -> memref<640xf32, #tpu.memory_space<vmem_shared>>
        tpu.enqueue_dma source(%dma_start3A_37 : memref<640xf32, #tpu.memory_space<vmem_shared>>) target(%dma_start3A_36 : memref<640xf32, #tpu.memory_space<hbm>>) target_semaphore(%run_scoped3A : memref<!tpu.dma_semaphore, #tpu.memory_space<semaphore_mem>>)
        %dma_wait3A = tpu.memref_slice %arg8[%multiple_of3A] : memref<10240xf32, #tpu.memory_space<hbm>> -> memref<640xf32, #tpu.memory_space<hbm>>
        %dma_wait3A_38 = tpu.memref_slice %arg15[%multiple_of3A] : memref<10240xf32, #tpu.memory_space<vmem_shared>> -> memref<640xf32, #tpu.memory_space<vmem_shared>>
        tpu.wait_dma2 semaphore(%run_scoped3A : memref<!tpu.dma_semaphore, #tpu.memory_space<semaphore_mem>>) src(%dma_wait3A_38 : memref<640xf32, #tpu.memory_space<vmem_shared>>) dst(%dma_wait3A : memref<640xf32, #tpu.memory_space<hbm>>)
        tpu.yield
      }) : () -> ()
    } else {
    }
    return
  }
}

#map = affine_map<(d0, d1) -> (0, 0)>
#map1 = affine_map<(d0, d1) -> (0)>
module attributes {stable_mosaic.version = 14 : i64} {
  func.func @gather(%arg0: i32, %arg1: i32, %arg2: memref<10000x128xf32, #tpu.memory_space<hbm>>, %arg3: memref<10000x128xf32, #tpu.memory_space<hbm>>, %arg4: memref<163840xi32, #tpu.memory_space<hbm>>, %arg5: memref<163840xi32, #tpu.memory_space<hbm>>, %arg6: memref<81920x128xf32, #tpu.memory_space<hbm>>, %arg7: memref<81920x128xf32, #tpu.memory_space<hbm>>, %arg8: memref<5120xi32, #tpu.memory_space<vmem>>, %arg9: memref<128x128xf32, #tpu.memory_space<vmem>>, %arg10: memref<128x128xf32, #tpu.memory_space<vmem>>, %arg11: memref<10000x128xf32, #tpu.memory_space<vmem_shared>>, %arg12: memref<!tpu.dma_semaphore, #tpu.memory_space<semaphore_mem>>, %arg13: memref<!tpu.dma_semaphore, #tpu.memory_space<semaphore_mem>>, %arg14: memref<!tpu.dma_semaphore, #tpu.memory_space<semaphore_mem>>, %arg15: memref<!tpu.dma_semaphore, #tpu.memory_space<semaphore_mem>>) attributes {dimension_semantics = [#tpu.dimension_semantics<core_parallel>, #tpu.dimension_semantics<subcore_parallel>], iteration_bounds = array<i64: 2, 16>, scalar_prefetch = 0 : i64, scratch_operands = 8 : i64, tpu.core_type = #tpu.core_type<sc_vector_subcore>, window_params = [{transform_indices = #map}, {transform_indices = #map}, {transform_indices = #map1}, {transform_indices = #map1}, {transform_indices = #map}, {transform_indices = #map}]} {
    %mul3A = arith.constant 640 : i32
    %mul3A_0 = arith.muli %arg1, %mul3A : i32
    %multiple_of3A = tpu.assume_multiple %mul3A_0, 8 : i32
    %eq3A = arith.constant 0 : i32
    %eq3A_1 = arith.cmpi eq, %arg0, %eq3A : i32
    %convert_element_type3A = arith.extui %eq3A_1 : i1 to i32
    %cond3A = arith.constant 0 : i32
    %cond3A_2 = arith.cmpi ne, %convert_element_type3A, %cond3A : i32
    scf.if %cond3A_2 {
      %lt3A = arith.constant 15 : i32
      %lt3A_18 = arith.cmpi slt, %arg1, %lt3A : i32
      %convert_element_type3A_19 = arith.extui %lt3A_18 : i1 to i32
      %cond3A_20 = arith.constant 0 : i32
      %cond3A_21 = arith.cmpi ne, %convert_element_type3A_19, %cond3A_20 : i32
      scf.if %cond3A_21 {
        "tpu.region"() ({
          %run_scoped3A = tpu.sem_alloc : memref<!tpu.dma_semaphore, #tpu.memory_space<semaphore_mem>>
          %dma_start3A = arith.constant 0 : i32
          %dma_start3A_27 = tpu.memref_slice %arg11[%multiple_of3A, %dma_start3A] : memref<10000x128xf32, #tpu.memory_space<vmem_shared>> -> memref<640x128xf32, #tpu.memory_space<vmem_shared>>
          %dma_start3A_28 = arith.constant 0 : i32
          %dma_start3A_29 = tpu.memref_slice %arg2[%multiple_of3A, %dma_start3A_28] : memref<10000x128xf32, #tpu.memory_space<hbm>> -> memref<640x128xf32, #tpu.memory_space<hbm>>
          tpu.enqueue_dma source(%dma_start3A_29 : memref<640x128xf32, #tpu.memory_space<hbm>>) target(%dma_start3A_27 : memref<640x128xf32, #tpu.memory_space<vmem_shared>>) target_semaphore(%run_scoped3A : memref<!tpu.dma_semaphore, #tpu.memory_space<semaphore_mem>>)
          %dma_wait3A = arith.constant 0 : i32
          %dma_wait3A_30 = tpu.memref_slice %arg11[%multiple_of3A, %dma_wait3A] : memref<10000x128xf32, #tpu.memory_space<vmem_shared>> -> memref<640x128xf32, #tpu.memory_space<vmem_shared>>
          %dma_wait3A_31 = arith.constant 0 : i32
          %dma_wait3A_32 = tpu.memref_slice %arg2[%multiple_of3A, %dma_wait3A_31] : memref<10000x128xf32, #tpu.memory_space<hbm>> -> memref<640x128xf32, #tpu.memory_space<hbm>>
          tpu.wait_dma2 semaphore(%run_scoped3A : memref<!tpu.dma_semaphore, #tpu.memory_space<semaphore_mem>>) src(%dma_wait3A_32 : memref<640x128xf32, #tpu.memory_space<hbm>>) dst(%dma_wait3A_30 : memref<640x128xf32, #tpu.memory_space<vmem_shared>>)
          tpu.yield
        }) : () -> ()
      } else {
      }
      %eq3A_22 = arith.constant 15 : i32
      %eq3A_23 = arith.cmpi eq, %arg1, %eq3A_22 : i32
      %convert_element_type3A_24 = arith.extui %eq3A_23 : i1 to i32
      %cond3A_25 = arith.constant 0 : i32
      %cond3A_26 = arith.cmpi ne, %convert_element_type3A_24, %cond3A_25 : i32
      scf.if %cond3A_26 {
        "tpu.region"() ({
          %run_scoped3A = tpu.sem_alloc : memref<!tpu.dma_semaphore, #tpu.memory_space<semaphore_mem>>
          %dma_start3A = arith.constant 0 : i32
          %dma_start3A_27 = tpu.memref_slice %arg11[%multiple_of3A, %dma_start3A] : memref<10000x128xf32, #tpu.memory_space<vmem_shared>> -> memref<400x128xf32, #tpu.memory_space<vmem_shared>>
          %dma_start3A_28 = arith.constant 0 : i32
          %dma_start3A_29 = tpu.memref_slice %arg2[%multiple_of3A, %dma_start3A_28] : memref<10000x128xf32, #tpu.memory_space<hbm>> -> memref<400x128xf32, #tpu.memory_space<hbm>>
          tpu.enqueue_dma source(%dma_start3A_29 : memref<400x128xf32, #tpu.memory_space<hbm>>) target(%dma_start3A_27 : memref<400x128xf32, #tpu.memory_space<vmem_shared>>) target_semaphore(%run_scoped3A : memref<!tpu.dma_semaphore, #tpu.memory_space<semaphore_mem>>)
          %dma_wait3A = arith.constant 0 : i32
          %dma_wait3A_30 = tpu.memref_slice %arg11[%multiple_of3A, %dma_wait3A] : memref<10000x128xf32, #tpu.memory_space<vmem_shared>> -> memref<400x128xf32, #tpu.memory_space<vmem_shared>>
          %dma_wait3A_31 = arith.constant 0 : i32
          %dma_wait3A_32 = tpu.memref_slice %arg2[%multiple_of3A, %dma_wait3A_31] : memref<10000x128xf32, #tpu.memory_space<hbm>> -> memref<400x128xf32, #tpu.memory_space<hbm>>
          tpu.wait_dma2 semaphore(%run_scoped3A : memref<!tpu.dma_semaphore, #tpu.memory_space<semaphore_mem>>) src(%dma_wait3A_32 : memref<400x128xf32, #tpu.memory_space<hbm>>) dst(%dma_wait3A_30 : memref<400x128xf32, #tpu.memory_space<vmem_shared>>)
          tpu.yield
        }) : () -> ()
      } else {
      }
    } else {
    }
    %eq3A_3 = arith.constant 1 : i32
    %eq3A_4 = arith.cmpi eq, %arg0, %eq3A_3 : i32
    %convert_element_type3A_5 = arith.extui %eq3A_4 : i1 to i32
    %cond3A_6 = arith.constant 0 : i32
    %cond3A_7 = arith.cmpi ne, %convert_element_type3A_5, %cond3A_6 : i32
    scf.if %cond3A_7 {
      %lt3A = arith.constant 15 : i32
      %lt3A_18 = arith.cmpi slt, %arg1, %lt3A : i32
      %convert_element_type3A_19 = arith.extui %lt3A_18 : i1 to i32
      %cond3A_20 = arith.constant 0 : i32
      %cond3A_21 = arith.cmpi ne, %convert_element_type3A_19, %cond3A_20 : i32
      scf.if %cond3A_21 {
        "tpu.region"() ({
          %run_scoped3A = tpu.sem_alloc : memref<!tpu.dma_semaphore, #tpu.memory_space<semaphore_mem>>
          %dma_start3A = arith.constant 0 : i32
          %dma_start3A_27 = tpu.memref_slice %arg11[%multiple_of3A, %dma_start3A] : memref<10000x128xf32, #tpu.memory_space<vmem_shared>> -> memref<640x128xf32, #tpu.memory_space<vmem_shared>>
          %dma_start3A_28 = arith.constant 0 : i32
          %dma_start3A_29 = tpu.memref_slice %arg3[%multiple_of3A, %dma_start3A_28] : memref<10000x128xf32, #tpu.memory_space<hbm>> -> memref<640x128xf32, #tpu.memory_space<hbm>>
          tpu.enqueue_dma source(%dma_start3A_29 : memref<640x128xf32, #tpu.memory_space<hbm>>) target(%dma_start3A_27 : memref<640x128xf32, #tpu.memory_space<vmem_shared>>) target_semaphore(%run_scoped3A : memref<!tpu.dma_semaphore, #tpu.memory_space<semaphore_mem>>)
          %dma_wait3A = arith.constant 0 : i32
          %dma_wait3A_30 = tpu.memref_slice %arg11[%multiple_of3A, %dma_wait3A] : memref<10000x128xf32, #tpu.memory_space<vmem_shared>> -> memref<640x128xf32, #tpu.memory_space<vmem_shared>>
          %dma_wait3A_31 = arith.constant 0 : i32
          %dma_wait3A_32 = tpu.memref_slice %arg3[%multiple_of3A, %dma_wait3A_31] : memref<10000x128xf32, #tpu.memory_space<hbm>> -> memref<640x128xf32, #tpu.memory_space<hbm>>
          tpu.wait_dma2 semaphore(%run_scoped3A : memref<!tpu.dma_semaphore, #tpu.memory_space<semaphore_mem>>) src(%dma_wait3A_32 : memref<640x128xf32, #tpu.memory_space<hbm>>) dst(%dma_wait3A_30 : memref<640x128xf32, #tpu.memory_space<vmem_shared>>)
          tpu.yield
        }) : () -> ()
      } else {
      }
      %eq3A_22 = arith.constant 15 : i32
      %eq3A_23 = arith.cmpi eq, %arg1, %eq3A_22 : i32
      %convert_element_type3A_24 = arith.extui %eq3A_23 : i1 to i32
      %cond3A_25 = arith.constant 0 : i32
      %cond3A_26 = arith.cmpi ne, %convert_element_type3A_24, %cond3A_25 : i32
      scf.if %cond3A_26 {
        "tpu.region"() ({
          %run_scoped3A = tpu.sem_alloc : memref<!tpu.dma_semaphore, #tpu.memory_space<semaphore_mem>>
          %dma_start3A = arith.constant 0 : i32
          %dma_start3A_27 = tpu.memref_slice %arg11[%multiple_of3A, %dma_start3A] : memref<10000x128xf32, #tpu.memory_space<vmem_shared>> -> memref<400x128xf32, #tpu.memory_space<vmem_shared>>
          %dma_start3A_28 = arith.constant 0 : i32
          %dma_start3A_29 = tpu.memref_slice %arg3[%multiple_of3A, %dma_start3A_28] : memref<10000x128xf32, #tpu.memory_space<hbm>> -> memref<400x128xf32, #tpu.memory_space<hbm>>
          tpu.enqueue_dma source(%dma_start3A_29 : memref<400x128xf32, #tpu.memory_space<hbm>>) target(%dma_start3A_27 : memref<400x128xf32, #tpu.memory_space<vmem_shared>>) target_semaphore(%run_scoped3A : memref<!tpu.dma_semaphore, #tpu.memory_space<semaphore_mem>>)
          %dma_wait3A = arith.constant 0 : i32
          %dma_wait3A_30 = tpu.memref_slice %arg11[%multiple_of3A, %dma_wait3A] : memref<10000x128xf32, #tpu.memory_space<vmem_shared>> -> memref<400x128xf32, #tpu.memory_space<vmem_shared>>
          %dma_wait3A_31 = arith.constant 0 : i32
          %dma_wait3A_32 = tpu.memref_slice %arg3[%multiple_of3A, %dma_wait3A_31] : memref<10000x128xf32, #tpu.memory_space<hbm>> -> memref<400x128xf32, #tpu.memory_space<hbm>>
          tpu.wait_dma2 semaphore(%run_scoped3A : memref<!tpu.dma_semaphore, #tpu.memory_space<semaphore_mem>>) src(%dma_wait3A_32 : memref<400x128xf32, #tpu.memory_space<hbm>>) dst(%dma_wait3A_30 : memref<400x128xf32, #tpu.memory_space<vmem_shared>>)
          tpu.yield
        }) : () -> ()
      } else {
      }
    } else {
    }
    %barrier3A = arith.constant 0 : index
    tpu.barrier barrier_id(%barrier3A)
    %eq3A_8 = arith.constant 0 : i32
    %eq3A_9 = arith.cmpi eq, %arg0, %eq3A_8 : i32
    %convert_element_type3A_10 = arith.extui %eq3A_9 : i1 to i32
    %cond3A_11 = arith.constant 0 : i32
    %cond3A_12 = arith.cmpi ne, %convert_element_type3A_10, %cond3A_11 : i32
    scf.if %cond3A_12 {
      %mul3A_18 = arith.constant 40 : i32
      %mul3A_19 = arith.muli %arg1, %mul3A_18 : i32
      %mul3A_20 = arith.constant 128 : i32
      %mul3A_21 = arith.muli %mul3A_19, %mul3A_20 : i32
      %add3A = arith.constant 81920 : i32
      %add3A_22 = arith.addi %add3A, %mul3A_21 : i32
      "tpu.region"() ({
        %run_scoped3A = tpu.sem_alloc : memref<!tpu.dma_semaphore, #tpu.memory_space<semaphore_mem>>
        %dma_start3A_36 = tpu.memref_slice %arg4[%add3A_22] : memref<163840xi32, #tpu.memory_space<hbm>> -> memref<5120xi32, #tpu.memory_space<hbm>>
        %dma_start3A_37 = tpu.memref_slice %arg4[%add3A_22] : memref<163840xi32, #tpu.memory_space<hbm>> -> memref<5120xi32, #tpu.memory_space<hbm>>
        tpu.enqueue_dma source(%dma_start3A_37 : memref<5120xi32, #tpu.memory_space<hbm>>) target(%arg8 : memref<5120xi32, #tpu.memory_space<vmem>>) target_semaphore(%run_scoped3A : memref<!tpu.dma_semaphore, #tpu.memory_space<semaphore_mem>>)
        %dma_wait3A = tpu.memref_slice %arg4[%add3A_22] : memref<163840xi32, #tpu.memory_space<hbm>> -> memref<5120xi32, #tpu.memory_space<hbm>>
        %dma_wait3A_38 = tpu.memref_slice %arg4[%add3A_22] : memref<163840xi32, #tpu.memory_space<hbm>> -> memref<5120xi32, #tpu.memory_space<hbm>>
        tpu.wait_dma2 semaphore(%run_scoped3A : memref<!tpu.dma_semaphore, #tpu.memory_space<semaphore_mem>>) src(%dma_wait3A_38 : memref<5120xi32, #tpu.memory_space<hbm>>) dst(%arg8 : memref<5120xi32, #tpu.memory_space<vmem>>)
        tpu.yield
      }) : () -> ()
      %dma_start3A = arith.constant 0 : i32
      %dma_start3A_23 = tpu.memref_slice %arg8[%dma_start3A] : memref<5120xi32, #tpu.memory_space<vmem>> -> memref<128xi32, #tpu.memory_space<vmem>>
      %dma_start3A_24 = arith.constant 0 : i32
      %dma_start3A_25 = arith.constant 0 : i32
      %dma_start3A_26 = tpu.memref_slice %arg11[%dma_start3A_24, %dma_start3A_25] : memref<10000x128xf32, #tpu.memory_space<vmem_shared>> -> memref<10000x128xf32, #tpu.memory_space<vmem_shared>>
      tpu.enqueue_indirect_dma source(%dma_start3A_26 : memref<10000x128xf32, #tpu.memory_space<vmem_shared>>) target(%arg9 : memref<128x128xf32, #tpu.memory_space<vmem>>) offsets(%dma_start3A_23 : memref<128xi32, #tpu.memory_space<vmem>>) semaphore(%arg12 : memref<!tpu.dma_semaphore, #tpu.memory_space<semaphore_mem>>)
      %dma_start3A_27 = arith.constant 128 : i32
      %dma_start3A_28 = tpu.memref_slice %arg8[%dma_start3A_27] : memref<5120xi32, #tpu.memory_space<vmem>> -> memref<128xi32, #tpu.memory_space<vmem>>
      %dma_start3A_29 = arith.constant 0 : i32
      %dma_start3A_30 = arith.constant 0 : i32
      %dma_start3A_31 = tpu.memref_slice %arg11[%dma_start3A_29, %dma_start3A_30] : memref<10000x128xf32, #tpu.memory_space<vmem_shared>> -> memref<10000x128xf32, #tpu.memory_space<vmem_shared>>
      tpu.enqueue_indirect_dma source(%dma_start3A_31 : memref<10000x128xf32, #tpu.memory_space<vmem_shared>>) target(%arg10 : memref<128x128xf32, #tpu.memory_space<vmem>>) offsets(%dma_start3A_28 : memref<128xi32, #tpu.memory_space<vmem>>) semaphore(%arg13 : memref<!tpu.dma_semaphore, #tpu.memory_space<semaphore_mem>>)
      %scan3A = arith.constant 0 : i32
      %scan3A_32 = arith.constant 20 : i32
      %scan3A_33 = arith.addi %scan3A, %scan3A_32 : i32
      %scan3A_34 = arith.constant 1 : i32
      scf.for %scan3A_36 = %scan3A to %scan3A_33 step %scan3A_34  : i32 {
        %mul3A_37 = arith.constant 2 : i32
        %mul3A_38 = arith.muli %mul3A_37, %scan3A_36 : i32
        %add3A_39 = arith.constant 0 : i32
        %add3A_40 = arith.addi %mul3A_38, %add3A_39 : i32
        %mul3A_41 = arith.constant 128 : i32
        %mul3A_42 = arith.muli %add3A_40, %mul3A_41 : i32
        %add3A_43 = arith.addi %mul3A_21, %mul3A_42 : i32
        %multiple_of3A_44 = tpu.assume_multiple %add3A_43, 128 : i32
        %dma_wait3A = arith.constant 0 : i32
        %dma_wait3A_45 = arith.constant 0 : i32
        %dma_wait3A_46 = tpu.memref_slice %arg2[%dma_wait3A, %dma_wait3A_45] : memref<10000x128xf32, #tpu.memory_space<hbm>> -> memref<128x128xf32, #tpu.memory_space<hbm>>
        %dma_wait3A_47 = arith.constant 0 : i32
        %dma_wait3A_48 = arith.constant 0 : i32
        %dma_wait3A_49 = tpu.memref_slice %arg2[%dma_wait3A_47, %dma_wait3A_48] : memref<10000x128xf32, #tpu.memory_space<hbm>> -> memref<128x128xf32, #tpu.memory_space<hbm>>
        tpu.wait_dma2 semaphore(%arg12 : memref<!tpu.dma_semaphore, #tpu.memory_space<semaphore_mem>>) src(%dma_wait3A_49 : memref<128x128xf32, #tpu.memory_space<hbm>>) dst(%arg9 : memref<128x128xf32, #tpu.memory_space<vmem>>)
        %dma_start3A_50 = arith.constant 0 : i32
        %dma_start3A_51 = tpu.memref_slice %arg6[%multiple_of3A_44, %dma_start3A_50] : memref<81920x128xf32, #tpu.memory_space<hbm>> -> memref<128x128xf32, #tpu.memory_space<hbm>>
        %dma_start3A_52 = arith.constant 0 : i32
        %dma_start3A_53 = tpu.memref_slice %arg6[%multiple_of3A_44, %dma_start3A_52] : memref<81920x128xf32, #tpu.memory_space<hbm>> -> memref<128x128xf32, #tpu.memory_space<hbm>>
        tpu.enqueue_dma source(%arg9 : memref<128x128xf32, #tpu.memory_space<vmem>>) target(%dma_start3A_53 : memref<128x128xf32, #tpu.memory_space<hbm>>) target_semaphore(%arg14 : memref<!tpu.dma_semaphore, #tpu.memory_space<semaphore_mem>>)
        %dma_wait3A_54 = arith.constant 0 : i32
        %dma_wait3A_55 = tpu.memref_slice %arg6[%multiple_of3A_44, %dma_wait3A_54] : memref<81920x128xf32, #tpu.memory_space<hbm>> -> memref<128x128xf32, #tpu.memory_space<hbm>>
        %dma_wait3A_56 = arith.constant 0 : i32
        %dma_wait3A_57 = tpu.memref_slice %arg6[%multiple_of3A_44, %dma_wait3A_56] : memref<81920x128xf32, #tpu.memory_space<hbm>> -> memref<128x128xf32, #tpu.memory_space<hbm>>
        tpu.wait_dma2 semaphore(%arg14 : memref<!tpu.dma_semaphore, #tpu.memory_space<semaphore_mem>>) src(%arg9 : memref<128x128xf32, #tpu.memory_space<vmem>>) dst(%dma_wait3A_57 : memref<128x128xf32, #tpu.memory_space<hbm>>)
        %add3A_58 = arith.constant 2 : i32
        %add3A_59 = arith.addi %add3A_40, %add3A_58 : i32
        %lt3A = arith.constant 40 : i32
        %lt3A_60 = arith.cmpi slt, %add3A_59, %lt3A : i32
        %convert_element_type3A_61 = arith.extui %lt3A_60 : i1 to i32
        %cond3A_62 = arith.constant 0 : i32
        %cond3A_63 = arith.cmpi ne, %convert_element_type3A_61, %cond3A_62 : i32
        scf.if %cond3A_63 {
          %add3A_93 = arith.constant 2 : i32
          %add3A_94 = arith.addi %add3A_40, %add3A_93 : i32
          %mul3A_95 = arith.constant 128 : i32
          %mul3A_96 = arith.muli %add3A_94, %mul3A_95 : i32
          %dma_start3A_97 = tpu.memref_slice %arg8[%mul3A_96] : memref<5120xi32, #tpu.memory_space<vmem>> -> memref<128xi32, #tpu.memory_space<vmem>>
          %dma_start3A_98 = arith.constant 0 : i32
          %dma_start3A_99 = arith.constant 0 : i32
          %dma_start3A_100 = tpu.memref_slice %arg11[%dma_start3A_98, %dma_start3A_99] : memref<10000x128xf32, #tpu.memory_space<vmem_shared>> -> memref<10000x128xf32, #tpu.memory_space<vmem_shared>>
          tpu.enqueue_indirect_dma source(%dma_start3A_100 : memref<10000x128xf32, #tpu.memory_space<vmem_shared>>) target(%arg9 : memref<128x128xf32, #tpu.memory_space<vmem>>) offsets(%dma_start3A_97 : memref<128xi32, #tpu.memory_space<vmem>>) semaphore(%arg12 : memref<!tpu.dma_semaphore, #tpu.memory_space<semaphore_mem>>)
        } else {
        }
        %mul3A_64 = arith.constant 2 : i32
        %mul3A_65 = arith.muli %mul3A_64, %scan3A_36 : i32
        %add3A_66 = arith.constant 1 : i32
        %add3A_67 = arith.addi %mul3A_65, %add3A_66 : i32
        %mul3A_68 = arith.constant 128 : i32
        %mul3A_69 = arith.muli %add3A_67, %mul3A_68 : i32
        %add3A_70 = arith.addi %mul3A_21, %mul3A_69 : i32
        %multiple_of3A_71 = tpu.assume_multiple %add3A_70, 128 : i32
        %dma_wait3A_72 = arith.constant 0 : i32
        %dma_wait3A_73 = arith.constant 0 : i32
        %dma_wait3A_74 = tpu.memref_slice %arg2[%dma_wait3A_72, %dma_wait3A_73] : memref<10000x128xf32, #tpu.memory_space<hbm>> -> memref<128x128xf32, #tpu.memory_space<hbm>>
        %dma_wait3A_75 = arith.constant 0 : i32
        %dma_wait3A_76 = arith.constant 0 : i32
        %dma_wait3A_77 = tpu.memref_slice %arg2[%dma_wait3A_75, %dma_wait3A_76] : memref<10000x128xf32, #tpu.memory_space<hbm>> -> memref<128x128xf32, #tpu.memory_space<hbm>>
        tpu.wait_dma2 semaphore(%arg13 : memref<!tpu.dma_semaphore, #tpu.memory_space<semaphore_mem>>) src(%dma_wait3A_77 : memref<128x128xf32, #tpu.memory_space<hbm>>) dst(%arg10 : memref<128x128xf32, #tpu.memory_space<vmem>>)
        %dma_start3A_78 = arith.constant 0 : i32
        %dma_start3A_79 = tpu.memref_slice %arg6[%multiple_of3A_71, %dma_start3A_78] : memref<81920x128xf32, #tpu.memory_space<hbm>> -> memref<128x128xf32, #tpu.memory_space<hbm>>
        %dma_start3A_80 = arith.constant 0 : i32
        %dma_start3A_81 = tpu.memref_slice %arg6[%multiple_of3A_71, %dma_start3A_80] : memref<81920x128xf32, #tpu.memory_space<hbm>> -> memref<128x128xf32, #tpu.memory_space<hbm>>
        tpu.enqueue_dma source(%arg10 : memref<128x128xf32, #tpu.memory_space<vmem>>) target(%dma_start3A_81 : memref<128x128xf32, #tpu.memory_space<hbm>>) target_semaphore(%arg15 : memref<!tpu.dma_semaphore, #tpu.memory_space<semaphore_mem>>)
        %dma_wait3A_82 = arith.constant 0 : i32
        %dma_wait3A_83 = tpu.memref_slice %arg6[%multiple_of3A_71, %dma_wait3A_82] : memref<81920x128xf32, #tpu.memory_space<hbm>> -> memref<128x128xf32, #tpu.memory_space<hbm>>
        %dma_wait3A_84 = arith.constant 0 : i32
        %dma_wait3A_85 = tpu.memref_slice %arg6[%multiple_of3A_71, %dma_wait3A_84] : memref<81920x128xf32, #tpu.memory_space<hbm>> -> memref<128x128xf32, #tpu.memory_space<hbm>>
        tpu.wait_dma2 semaphore(%arg15 : memref<!tpu.dma_semaphore, #tpu.memory_space<semaphore_mem>>) src(%arg10 : memref<128x128xf32, #tpu.memory_space<vmem>>) dst(%dma_wait3A_85 : memref<128x128xf32, #tpu.memory_space<hbm>>)
        %add3A_86 = arith.constant 2 : i32
        %add3A_87 = arith.addi %add3A_67, %add3A_86 : i32
        %lt3A_88 = arith.constant 40 : i32
        %lt3A_89 = arith.cmpi slt, %add3A_87, %lt3A_88 : i32
        %convert_element_type3A_90 = arith.extui %lt3A_89 : i1 to i32
        %cond3A_91 = arith.constant 0 : i32
        %cond3A_92 = arith.cmpi ne, %convert_element_type3A_90, %cond3A_91 : i32
        scf.if %cond3A_92 {
          %add3A_93 = arith.constant 2 : i32
          %add3A_94 = arith.addi %add3A_67, %add3A_93 : i32
          %mul3A_95 = arith.constant 128 : i32
          %mul3A_96 = arith.muli %add3A_94, %mul3A_95 : i32
          %dma_start3A_97 = tpu.memref_slice %arg8[%mul3A_96] : memref<5120xi32, #tpu.memory_space<vmem>> -> memref<128xi32, #tpu.memory_space<vmem>>
          %dma_start3A_98 = arith.constant 0 : i32
          %dma_start3A_99 = arith.constant 0 : i32
          %dma_start3A_100 = tpu.memref_slice %arg11[%dma_start3A_98, %dma_start3A_99] : memref<10000x128xf32, #tpu.memory_space<vmem_shared>> -> memref<10000x128xf32, #tpu.memory_space<vmem_shared>>
          tpu.enqueue_indirect_dma source(%dma_start3A_100 : memref<10000x128xf32, #tpu.memory_space<vmem_shared>>) target(%arg10 : memref<128x128xf32, #tpu.memory_space<vmem>>) offsets(%dma_start3A_97 : memref<128xi32, #tpu.memory_space<vmem>>) semaphore(%arg13 : memref<!tpu.dma_semaphore, #tpu.memory_space<semaphore_mem>>)
        } else {
        }
      }
      %scan3A_35 = arith.constant 20 : i32
    } else {
    }
    %eq3A_13 = arith.constant 1 : i32
    %eq3A_14 = arith.cmpi eq, %arg0, %eq3A_13 : i32
    %convert_element_type3A_15 = arith.extui %eq3A_14 : i1 to i32
    %cond3A_16 = arith.constant 0 : i32
    %cond3A_17 = arith.cmpi ne, %convert_element_type3A_15, %cond3A_16 : i32
    scf.if %cond3A_17 {
      %mul3A_18 = arith.constant 40 : i32
      %mul3A_19 = arith.muli %arg1, %mul3A_18 : i32
      %mul3A_20 = arith.constant 128 : i32
      %mul3A_21 = arith.muli %mul3A_19, %mul3A_20 : i32
      %add3A = arith.constant 81920 : i32
      %add3A_22 = arith.addi %add3A, %mul3A_21 : i32
      "tpu.region"() ({
        %run_scoped3A = tpu.sem_alloc : memref<!tpu.dma_semaphore, #tpu.memory_space<semaphore_mem>>
        %dma_start3A_36 = tpu.memref_slice %arg5[%add3A_22] : memref<163840xi32, #tpu.memory_space<hbm>> -> memref<5120xi32, #tpu.memory_space<hbm>>
        %dma_start3A_37 = tpu.memref_slice %arg5[%add3A_22] : memref<163840xi32, #tpu.memory_space<hbm>> -> memref<5120xi32, #tpu.memory_space<hbm>>
        tpu.enqueue_dma source(%dma_start3A_37 : memref<5120xi32, #tpu.memory_space<hbm>>) target(%arg8 : memref<5120xi32, #tpu.memory_space<vmem>>) target_semaphore(%run_scoped3A : memref<!tpu.dma_semaphore, #tpu.memory_space<semaphore_mem>>)
        %dma_wait3A = tpu.memref_slice %arg5[%add3A_22] : memref<163840xi32, #tpu.memory_space<hbm>> -> memref<5120xi32, #tpu.memory_space<hbm>>
        %dma_wait3A_38 = tpu.memref_slice %arg5[%add3A_22] : memref<163840xi32, #tpu.memory_space<hbm>> -> memref<5120xi32, #tpu.memory_space<hbm>>
        tpu.wait_dma2 semaphore(%run_scoped3A : memref<!tpu.dma_semaphore, #tpu.memory_space<semaphore_mem>>) src(%dma_wait3A_38 : memref<5120xi32, #tpu.memory_space<hbm>>) dst(%arg8 : memref<5120xi32, #tpu.memory_space<vmem>>)
        tpu.yield
      }) : () -> ()
      %dma_start3A = arith.constant 0 : i32
      %dma_start3A_23 = tpu.memref_slice %arg8[%dma_start3A] : memref<5120xi32, #tpu.memory_space<vmem>> -> memref<128xi32, #tpu.memory_space<vmem>>
      %dma_start3A_24 = arith.constant 0 : i32
      %dma_start3A_25 = arith.constant 0 : i32
      %dma_start3A_26 = tpu.memref_slice %arg11[%dma_start3A_24, %dma_start3A_25] : memref<10000x128xf32, #tpu.memory_space<vmem_shared>> -> memref<10000x128xf32, #tpu.memory_space<vmem_shared>>
      tpu.enqueue_indirect_dma source(%dma_start3A_26 : memref<10000x128xf32, #tpu.memory_space<vmem_shared>>) target(%arg9 : memref<128x128xf32, #tpu.memory_space<vmem>>) offsets(%dma_start3A_23 : memref<128xi32, #tpu.memory_space<vmem>>) semaphore(%arg12 : memref<!tpu.dma_semaphore, #tpu.memory_space<semaphore_mem>>)
      %dma_start3A_27 = arith.constant 128 : i32
      %dma_start3A_28 = tpu.memref_slice %arg8[%dma_start3A_27] : memref<5120xi32, #tpu.memory_space<vmem>> -> memref<128xi32, #tpu.memory_space<vmem>>
      %dma_start3A_29 = arith.constant 0 : i32
      %dma_start3A_30 = arith.constant 0 : i32
      %dma_start3A_31 = tpu.memref_slice %arg11[%dma_start3A_29, %dma_start3A_30] : memref<10000x128xf32, #tpu.memory_space<vmem_shared>> -> memref<10000x128xf32, #tpu.memory_space<vmem_shared>>
      tpu.enqueue_indirect_dma source(%dma_start3A_31 : memref<10000x128xf32, #tpu.memory_space<vmem_shared>>) target(%arg10 : memref<128x128xf32, #tpu.memory_space<vmem>>) offsets(%dma_start3A_28 : memref<128xi32, #tpu.memory_space<vmem>>) semaphore(%arg13 : memref<!tpu.dma_semaphore, #tpu.memory_space<semaphore_mem>>)
      %scan3A = arith.constant 0 : i32
      %scan3A_32 = arith.constant 20 : i32
      %scan3A_33 = arith.addi %scan3A, %scan3A_32 : i32
      %scan3A_34 = arith.constant 1 : i32
      scf.for %scan3A_36 = %scan3A to %scan3A_33 step %scan3A_34  : i32 {
        %mul3A_37 = arith.constant 2 : i32
        %mul3A_38 = arith.muli %mul3A_37, %scan3A_36 : i32
        %add3A_39 = arith.constant 0 : i32
        %add3A_40 = arith.addi %mul3A_38, %add3A_39 : i32
        %mul3A_41 = arith.constant 128 : i32
        %mul3A_42 = arith.muli %add3A_40, %mul3A_41 : i32
        %add3A_43 = arith.addi %mul3A_21, %mul3A_42 : i32
        %multiple_of3A_44 = tpu.assume_multiple %add3A_43, 128 : i32
        %dma_wait3A = arith.constant 0 : i32
        %dma_wait3A_45 = arith.constant 0 : i32
        %dma_wait3A_46 = tpu.memref_slice %arg2[%dma_wait3A, %dma_wait3A_45] : memref<10000x128xf32, #tpu.memory_space<hbm>> -> memref<128x128xf32, #tpu.memory_space<hbm>>
        %dma_wait3A_47 = arith.constant 0 : i32
        %dma_wait3A_48 = arith.constant 0 : i32
        %dma_wait3A_49 = tpu.memref_slice %arg2[%dma_wait3A_47, %dma_wait3A_48] : memref<10000x128xf32, #tpu.memory_space<hbm>> -> memref<128x128xf32, #tpu.memory_space<hbm>>
        tpu.wait_dma2 semaphore(%arg12 : memref<!tpu.dma_semaphore, #tpu.memory_space<semaphore_mem>>) src(%dma_wait3A_49 : memref<128x128xf32, #tpu.memory_space<hbm>>) dst(%arg9 : memref<128x128xf32, #tpu.memory_space<vmem>>)
        %dma_start3A_50 = arith.constant 0 : i32
        %dma_start3A_51 = tpu.memref_slice %arg7[%multiple_of3A_44, %dma_start3A_50] : memref<81920x128xf32, #tpu.memory_space<hbm>> -> memref<128x128xf32, #tpu.memory_space<hbm>>
        %dma_start3A_52 = arith.constant 0 : i32
        %dma_start3A_53 = tpu.memref_slice %arg7[%multiple_of3A_44, %dma_start3A_52] : memref<81920x128xf32, #tpu.memory_space<hbm>> -> memref<128x128xf32, #tpu.memory_space<hbm>>
        tpu.enqueue_dma source(%arg9 : memref<128x128xf32, #tpu.memory_space<vmem>>) target(%dma_start3A_53 : memref<128x128xf32, #tpu.memory_space<hbm>>) target_semaphore(%arg14 : memref<!tpu.dma_semaphore, #tpu.memory_space<semaphore_mem>>)
        %dma_wait3A_54 = arith.constant 0 : i32
        %dma_wait3A_55 = tpu.memref_slice %arg7[%multiple_of3A_44, %dma_wait3A_54] : memref<81920x128xf32, #tpu.memory_space<hbm>> -> memref<128x128xf32, #tpu.memory_space<hbm>>
        %dma_wait3A_56 = arith.constant 0 : i32
        %dma_wait3A_57 = tpu.memref_slice %arg7[%multiple_of3A_44, %dma_wait3A_56] : memref<81920x128xf32, #tpu.memory_space<hbm>> -> memref<128x128xf32, #tpu.memory_space<hbm>>
        tpu.wait_dma2 semaphore(%arg14 : memref<!tpu.dma_semaphore, #tpu.memory_space<semaphore_mem>>) src(%arg9 : memref<128x128xf32, #tpu.memory_space<vmem>>) dst(%dma_wait3A_57 : memref<128x128xf32, #tpu.memory_space<hbm>>)
        %add3A_58 = arith.constant 2 : i32
        %add3A_59 = arith.addi %add3A_40, %add3A_58 : i32
        %lt3A = arith.constant 40 : i32
        %lt3A_60 = arith.cmpi slt, %add3A_59, %lt3A : i32
        %convert_element_type3A_61 = arith.extui %lt3A_60 : i1 to i32
        %cond3A_62 = arith.constant 0 : i32
        %cond3A_63 = arith.cmpi ne, %convert_element_type3A_61, %cond3A_62 : i32
        scf.if %cond3A_63 {
          %add3A_93 = arith.constant 2 : i32
          %add3A_94 = arith.addi %add3A_40, %add3A_93 : i32
          %mul3A_95 = arith.constant 128 : i32
          %mul3A_96 = arith.muli %add3A_94, %mul3A_95 : i32
          %dma_start3A_97 = tpu.memref_slice %arg8[%mul3A_96] : memref<5120xi32, #tpu.memory_space<vmem>> -> memref<128xi32, #tpu.memory_space<vmem>>
          %dma_start3A_98 = arith.constant 0 : i32
          %dma_start3A_99 = arith.constant 0 : i32
          %dma_start3A_100 = tpu.memref_slice %arg11[%dma_start3A_98, %dma_start3A_99] : memref<10000x128xf32, #tpu.memory_space<vmem_shared>> -> memref<10000x128xf32, #tpu.memory_space<vmem_shared>>
          tpu.enqueue_indirect_dma source(%dma_start3A_100 : memref<10000x128xf32, #tpu.memory_space<vmem_shared>>) target(%arg9 : memref<128x128xf32, #tpu.memory_space<vmem>>) offsets(%dma_start3A_97 : memref<128xi32, #tpu.memory_space<vmem>>) semaphore(%arg12 : memref<!tpu.dma_semaphore, #tpu.memory_space<semaphore_mem>>)
        } else {
        }
        %mul3A_64 = arith.constant 2 : i32
        %mul3A_65 = arith.muli %mul3A_64, %scan3A_36 : i32
        %add3A_66 = arith.constant 1 : i32
        %add3A_67 = arith.addi %mul3A_65, %add3A_66 : i32
        %mul3A_68 = arith.constant 128 : i32
        %mul3A_69 = arith.muli %add3A_67, %mul3A_68 : i32
        %add3A_70 = arith.addi %mul3A_21, %mul3A_69 : i32
        %multiple_of3A_71 = tpu.assume_multiple %add3A_70, 128 : i32
        %dma_wait3A_72 = arith.constant 0 : i32
        %dma_wait3A_73 = arith.constant 0 : i32
        %dma_wait3A_74 = tpu.memref_slice %arg2[%dma_wait3A_72, %dma_wait3A_73] : memref<10000x128xf32, #tpu.memory_space<hbm>> -> memref<128x128xf32, #tpu.memory_space<hbm>>
        %dma_wait3A_75 = arith.constant 0 : i32
        %dma_wait3A_76 = arith.constant 0 : i32
        %dma_wait3A_77 = tpu.memref_slice %arg2[%dma_wait3A_75, %dma_wait3A_76] : memref<10000x128xf32, #tpu.memory_space<hbm>> -> memref<128x128xf32, #tpu.memory_space<hbm>>
        tpu.wait_dma2 semaphore(%arg13 : memref<!tpu.dma_semaphore, #tpu.memory_space<semaphore_mem>>) src(%dma_wait3A_77 : memref<128x128xf32, #tpu.memory_space<hbm>>) dst(%arg10 : memref<128x128xf32, #tpu.memory_space<vmem>>)
        %dma_start3A_78 = arith.constant 0 : i32
        %dma_start3A_79 = tpu.memref_slice %arg7[%multiple_of3A_71, %dma_start3A_78] : memref<81920x128xf32, #tpu.memory_space<hbm>> -> memref<128x128xf32, #tpu.memory_space<hbm>>
        %dma_start3A_80 = arith.constant 0 : i32
        %dma_start3A_81 = tpu.memref_slice %arg7[%multiple_of3A_71, %dma_start3A_80] : memref<81920x128xf32, #tpu.memory_space<hbm>> -> memref<128x128xf32, #tpu.memory_space<hbm>>
        tpu.enqueue_dma source(%arg10 : memref<128x128xf32, #tpu.memory_space<vmem>>) target(%dma_start3A_81 : memref<128x128xf32, #tpu.memory_space<hbm>>) target_semaphore(%arg15 : memref<!tpu.dma_semaphore, #tpu.memory_space<semaphore_mem>>)
        %dma_wait3A_82 = arith.constant 0 : i32
        %dma_wait3A_83 = tpu.memref_slice %arg7[%multiple_of3A_71, %dma_wait3A_82] : memref<81920x128xf32, #tpu.memory_space<hbm>> -> memref<128x128xf32, #tpu.memory_space<hbm>>
        %dma_wait3A_84 = arith.constant 0 : i32
        %dma_wait3A_85 = tpu.memref_slice %arg7[%multiple_of3A_71, %dma_wait3A_84] : memref<81920x128xf32, #tpu.memory_space<hbm>> -> memref<128x128xf32, #tpu.memory_space<hbm>>
        tpu.wait_dma2 semaphore(%arg15 : memref<!tpu.dma_semaphore, #tpu.memory_space<semaphore_mem>>) src(%arg10 : memref<128x128xf32, #tpu.memory_space<vmem>>) dst(%dma_wait3A_85 : memref<128x128xf32, #tpu.memory_space<hbm>>)
        %add3A_86 = arith.constant 2 : i32
        %add3A_87 = arith.addi %add3A_67, %add3A_86 : i32
        %lt3A_88 = arith.constant 40 : i32
        %lt3A_89 = arith.cmpi slt, %add3A_87, %lt3A_88 : i32
        %convert_element_type3A_90 = arith.extui %lt3A_89 : i1 to i32
        %cond3A_91 = arith.constant 0 : i32
        %cond3A_92 = arith.cmpi ne, %convert_element_type3A_90, %cond3A_91 : i32
        scf.if %cond3A_92 {
          %add3A_93 = arith.constant 2 : i32
          %add3A_94 = arith.addi %add3A_67, %add3A_93 : i32
          %mul3A_95 = arith.constant 128 : i32
          %mul3A_96 = arith.muli %add3A_94, %mul3A_95 : i32
          %dma_start3A_97 = tpu.memref_slice %arg8[%mul3A_96] : memref<5120xi32, #tpu.memory_space<vmem>> -> memref<128xi32, #tpu.memory_space<vmem>>
          %dma_start3A_98 = arith.constant 0 : i32
          %dma_start3A_99 = arith.constant 0 : i32
          %dma_start3A_100 = tpu.memref_slice %arg11[%dma_start3A_98, %dma_start3A_99] : memref<10000x128xf32, #tpu.memory_space<vmem_shared>> -> memref<10000x128xf32, #tpu.memory_space<vmem_shared>>
          tpu.enqueue_indirect_dma source(%dma_start3A_100 : memref<10000x128xf32, #tpu.memory_space<vmem_shared>>) target(%arg10 : memref<128x128xf32, #tpu.memory_space<vmem>>) offsets(%dma_start3A_97 : memref<128xi32, #tpu.memory_space<vmem>>) semaphore(%arg13 : memref<!tpu.dma_semaphore, #tpu.memory_space<semaphore_mem>>)
        } else {
        }
      }
      %scan3A_35 = arith.constant 20 : i32
    } else {
    }
    return
  }
}

#map = affine_map<(d0, d1) -> (0, 0)>
#map1 = affine_map<(d0, d1) -> (0)>
module attributes {stable_mosaic.version = 14 : i64} {
  func.func @scatter(%arg0: i32, %arg1: i32, %arg2: memref<81920x128xf32, #tpu.memory_space<hbm>>, %arg3: memref<1x81920xf32, #tpu.memory_space<hbm>>, %arg4: memref<1280x128xi32, #tpu.memory_space<hbm>>, %arg5: memref<640x128xf32, #tpu.memory_space<hbm>>, %arg6: memref<10240xf32, #tpu.memory_space<hbm>>, %arg7: memref<10240x128xf32, #tpu.memory_space<hbm>>, %arg8: memref<10240xf32, #tpu.memory_space<hbm>>, %arg9: memref<40x128xi32, #tpu.memory_space<vmem>>, %arg10: memref<128x128xf32, #tpu.memory_space<vmem>>, %arg11: memref<128x128xf32, #tpu.memory_space<vmem>>, %arg12: memref<128xf32, #tpu.memory_space<vmem>>, %arg13: memref<128xf32, #tpu.memory_space<vmem>>, %arg14: memref<10240x128xf32, #tpu.memory_space<vmem_shared>>, %arg15: memref<10240xf32, #tpu.memory_space<vmem_shared>>, %arg16: memref<!tpu.dma_semaphore, #tpu.memory_space<semaphore_mem>>, %arg17: memref<!tpu.dma_semaphore, #tpu.memory_space<semaphore_mem>>, %arg18: memref<!tpu.dma_semaphore, #tpu.memory_space<semaphore_mem>>, %arg19: memref<!tpu.dma_semaphore, #tpu.memory_space<semaphore_mem>>) attributes {dimension_semantics = [#tpu.dimension_semantics<core_parallel>, #tpu.dimension_semantics<subcore_parallel>], iteration_bounds = array<i64: 2, 16>, scalar_prefetch = 0 : i64, scratch_operands = 11 : i64, tpu.core_type = #tpu.core_type<sc_vector_subcore>, window_params = [{transform_indices = #map}, {transform_indices = #map}, {transform_indices = #map}, {transform_indices = #map}, {transform_indices = #map1}, {transform_indices = #map}, {transform_indices = #map1}]} {
    %mul3A = arith.constant 5120 : i32
    %mul3A_0 = arith.muli %arg1, %mul3A : i32
    %add3A = arith.constant 16 : i32
    %add3A_1 = arith.addi %add3A, %arg1 : i32
    %mul3A_2 = arith.constant 40 : i32
    %mul3A_3 = arith.muli %add3A_1, %mul3A_2 : i32
    %mul3A_4 = arith.constant 640 : i32
    %mul3A_5 = arith.muli %arg1, %mul3A_4 : i32
    %multiple_of3A = tpu.assume_multiple %mul3A_5, 8 : i32
    %eq3A = arith.constant 1 : i32
    %eq3A_6 = arith.cmpi eq, %arg0, %eq3A : i32
    %convert_element_type3A = arith.extui %eq3A_6 : i1 to i32
    %cond3A = arith.constant 0 : i32
    %cond3A_7 = arith.cmpi ne, %convert_element_type3A, %cond3A : i32
    scf.if %cond3A_7 {
      "tpu.region"() ({
        %run_scoped3A = tpu.sem_alloc : memref<!tpu.dma_semaphore, #tpu.memory_space<semaphore_mem>>
        %dma_start3A_36 = arith.constant 0 : i32
        %dma_start3A_37 = tpu.memref_slice %arg14[%multiple_of3A, %dma_start3A_36] : memref<10240x128xf32, #tpu.memory_space<vmem_shared>> -> memref<640x128xf32, #tpu.memory_space<vmem_shared>>
        tpu.enqueue_dma source(%arg5 : memref<640x128xf32, #tpu.memory_space<hbm>>) target(%dma_start3A_37 : memref<640x128xf32, #tpu.memory_space<vmem_shared>>) target_semaphore(%run_scoped3A : memref<!tpu.dma_semaphore, #tpu.memory_space<semaphore_mem>>)
        %dma_wait3A = arith.constant 0 : i32
        %dma_wait3A_38 = tpu.memref_slice %arg14[%multiple_of3A, %dma_wait3A] : memref<10240x128xf32, #tpu.memory_space<vmem_shared>> -> memref<640x128xf32, #tpu.memory_space<vmem_shared>>
        tpu.wait_dma2 semaphore(%run_scoped3A : memref<!tpu.dma_semaphore, #tpu.memory_space<semaphore_mem>>) src(%arg5 : memref<640x128xf32, #tpu.memory_space<hbm>>) dst(%dma_wait3A_38 : memref<640x128xf32, #tpu.memory_space<vmem_shared>>)
        tpu.yield
      }) : () -> ()
      "tpu.region"() ({
        %run_scoped3A = tpu.sem_alloc : memref<!tpu.dma_semaphore, #tpu.memory_space<semaphore_mem>>
        %dma_start3A_36 = tpu.memref_slice %arg15[%multiple_of3A] : memref<10240xf32, #tpu.memory_space<vmem_shared>> -> memref<640xf32, #tpu.memory_space<vmem_shared>>
        %dma_start3A_37 = tpu.memref_slice %arg6[%multiple_of3A] : memref<10240xf32, #tpu.memory_space<hbm>> -> memref<640xf32, #tpu.memory_space<hbm>>
        tpu.enqueue_dma source(%dma_start3A_37 : memref<640xf32, #tpu.memory_space<hbm>>) target(%dma_start3A_36 : memref<640xf32, #tpu.memory_space<vmem_shared>>) target_semaphore(%run_scoped3A : memref<!tpu.dma_semaphore, #tpu.memory_space<semaphore_mem>>)
        %dma_wait3A = tpu.memref_slice %arg15[%multiple_of3A] : memref<10240xf32, #tpu.memory_space<vmem_shared>> -> memref<640xf32, #tpu.memory_space<vmem_shared>>
        %dma_wait3A_38 = tpu.memref_slice %arg6[%multiple_of3A] : memref<10240xf32, #tpu.memory_space<hbm>> -> memref<640xf32, #tpu.memory_space<hbm>>
        tpu.wait_dma2 semaphore(%run_scoped3A : memref<!tpu.dma_semaphore, #tpu.memory_space<semaphore_mem>>) src(%dma_wait3A_38 : memref<640xf32, #tpu.memory_space<hbm>>) dst(%dma_wait3A : memref<640xf32, #tpu.memory_space<vmem_shared>>)
        tpu.yield
      }) : () -> ()
      "tpu.region"() ({
        %run_scoped3A = tpu.sem_alloc : memref<!tpu.dma_semaphore, #tpu.memory_space<semaphore_mem>>
        %dma_start3A_36 = arith.constant 0 : i32
        %dma_start3A_37 = tpu.memref_slice %arg4[%mul3A_3, %dma_start3A_36] : memref<1280x128xi32, #tpu.memory_space<hbm>> -> memref<40x128xi32, #tpu.memory_space<hbm>>
        %dma_start3A_38 = arith.constant 0 : i32
        %dma_start3A_39 = tpu.memref_slice %arg4[%mul3A_3, %dma_start3A_38] : memref<1280x128xi32, #tpu.memory_space<hbm>> -> memref<40x128xi32, #tpu.memory_space<hbm>>
        tpu.enqueue_dma source(%dma_start3A_39 : memref<40x128xi32, #tpu.memory_space<hbm>>) target(%arg9 : memref<40x128xi32, #tpu.memory_space<vmem>>) target_semaphore(%run_scoped3A : memref<!tpu.dma_semaphore, #tpu.memory_space<semaphore_mem>>)
        %dma_wait3A = arith.constant 0 : i32
        %dma_wait3A_40 = tpu.memref_slice %arg4[%mul3A_3, %dma_wait3A] : memref<1280x128xi32, #tpu.memory_space<hbm>> -> memref<40x128xi32, #tpu.memory_space<hbm>>
        %dma_wait3A_41 = arith.constant 0 : i32
        %dma_wait3A_42 = tpu.memref_slice %arg4[%mul3A_3, %dma_wait3A_41] : memref<1280x128xi32, #tpu.memory_space<hbm>> -> memref<40x128xi32, #tpu.memory_space<hbm>>
        tpu.wait_dma2 semaphore(%run_scoped3A : memref<!tpu.dma_semaphore, #tpu.memory_space<semaphore_mem>>) src(%dma_wait3A_42 : memref<40x128xi32, #tpu.memory_space<hbm>>) dst(%arg9 : memref<40x128xi32, #tpu.memory_space<vmem>>)
        tpu.yield
      }) : () -> ()
      %barrier3A = arith.constant 0 : index
      tpu.barrier barrier_id(%barrier3A)
      %add3A_8 = arith.constant 0 : i32
      %add3A_9 = arith.addi %mul3A_0, %add3A_8 : i32
      %multiple_of3A_10 = tpu.assume_multiple %add3A_9, 128 : i32
      %dma_start3A = arith.constant 0 : i32
      %dma_start3A_11 = tpu.memref_slice %arg2[%multiple_of3A_10, %dma_start3A] : memref<81920x128xf32, #tpu.memory_space<hbm>> -> memref<128x128xf32, #tpu.memory_space<hbm>>
      %dma_start3A_12 = arith.constant 0 : i32
      %dma_start3A_13 = tpu.memref_slice %arg2[%multiple_of3A_10, %dma_start3A_12] : memref<81920x128xf32, #tpu.memory_space<hbm>> -> memref<128x128xf32, #tpu.memory_space<hbm>>
      tpu.enqueue_dma source(%dma_start3A_13 : memref<128x128xf32, #tpu.memory_space<hbm>>) target(%arg10 : memref<128x128xf32, #tpu.memory_space<vmem>>) target_semaphore(%arg16 : memref<!tpu.dma_semaphore, #tpu.memory_space<semaphore_mem>>)
      %dma_start3A_14 = arith.constant 0 : i32
      %dma_start3A_15 = tpu.memref_slice %arg3[%dma_start3A_14, %multiple_of3A_10] : memref<1x81920xf32, #tpu.memory_space<hbm>> -> memref<1x128xf32, #tpu.memory_space<hbm>>
      %dma_start3A_16 = tpu.memref_squeeze %dma_start3A_15 : memref<1x128xf32, #tpu.memory_space<hbm>> -> memref<128xf32, #tpu.memory_space<hbm>>
      %dma_start3A_17 = tpu.memref_slice %arg3[%dma_start3A_14, %multiple_of3A_10] : memref<1x81920xf32, #tpu.memory_space<hbm>> -> memref<1x128xf32, #tpu.memory_space<hbm>>
      %dma_start3A_18 = tpu.memref_squeeze %dma_start3A_17 : memref<1x128xf32, #tpu.memory_space<hbm>> -> memref<128xf32, #tpu.memory_space<hbm>>
      tpu.enqueue_dma source(%dma_start3A_18 : memref<128xf32, #tpu.memory_space<hbm>>) target(%arg12 : memref<128xf32, #tpu.memory_space<vmem>>) target_semaphore(%arg16 : memref<!tpu.dma_semaphore, #tpu.memory_space<semaphore_mem>>)
      %add3A_19 = arith.constant 128 : i32
      %add3A_20 = arith.addi %mul3A_0, %add3A_19 : i32
      %multiple_of3A_21 = tpu.assume_multiple %add3A_20, 128 : i32
      %dma_start3A_22 = arith.constant 0 : i32
      %dma_start3A_23 = tpu.memref_slice %arg2[%multiple_of3A_21, %dma_start3A_22] : memref<81920x128xf32, #tpu.memory_space<hbm>> -> memref<128x128xf32, #tpu.memory_space<hbm>>
      %dma_start3A_24 = arith.constant 0 : i32
      %dma_start3A_25 = tpu.memref_slice %arg2[%multiple_of3A_21, %dma_start3A_24] : memref<81920x128xf32, #tpu.memory_space<hbm>> -> memref<128x128xf32, #tpu.memory_space<hbm>>
      tpu.enqueue_dma source(%dma_start3A_25 : memref<128x128xf32, #tpu.memory_space<hbm>>) target(%arg11 : memref<128x128xf32, #tpu.memory_space<vmem>>) target_semaphore(%arg17 : memref<!tpu.dma_semaphore, #tpu.memory_space<semaphore_mem>>)
      %dma_start3A_26 = arith.constant 0 : i32
      %dma_start3A_27 = tpu.memref_slice %arg3[%dma_start3A_26, %multiple_of3A_21] : memref<1x81920xf32, #tpu.memory_space<hbm>> -> memref<1x128xf32, #tpu.memory_space<hbm>>
      %dma_start3A_28 = tpu.memref_squeeze %dma_start3A_27 : memref<1x128xf32, #tpu.memory_space<hbm>> -> memref<128xf32, #tpu.memory_space<hbm>>
      %dma_start3A_29 = tpu.memref_slice %arg3[%dma_start3A_26, %multiple_of3A_21] : memref<1x81920xf32, #tpu.memory_space<hbm>> -> memref<1x128xf32, #tpu.memory_space<hbm>>
      %dma_start3A_30 = tpu.memref_squeeze %dma_start3A_29 : memref<1x128xf32, #tpu.memory_space<hbm>> -> memref<128xf32, #tpu.memory_space<hbm>>
      tpu.enqueue_dma source(%dma_start3A_30 : memref<128xf32, #tpu.memory_space<hbm>>) target(%arg13 : memref<128xf32, #tpu.memory_space<vmem>>) target_semaphore(%arg17 : memref<!tpu.dma_semaphore, #tpu.memory_space<semaphore_mem>>)
      %scan3A = arith.constant 0 : i32
      %scan3A_31 = arith.constant 20 : i32
      %scan3A_32 = arith.addi %scan3A, %scan3A_31 : i32
      %scan3A_33 = arith.constant 1 : i32
      scf.for %scan3A_36 = %scan3A to %scan3A_32 step %scan3A_33  : i32 {
        %mul3A_37 = arith.constant 2 : i32
        %mul3A_38 = arith.muli %mul3A_37, %scan3A_36 : i32
        %add3A_39 = arith.constant 0 : i32
        %add3A_40 = arith.addi %mul3A_38, %add3A_39 : i32
        %mul3A_41 = arith.constant 128 : i32
        %mul3A_42 = arith.muli %add3A_40, %mul3A_41 : i32
        %add3A_43 = arith.addi %mul3A_0, %mul3A_42 : i32
        %multiple_of3A_44 = tpu.assume_multiple %add3A_43, 128 : i32
        %dma_wait3A = arith.constant 0 : i32
        %dma_wait3A_45 = tpu.memref_slice %arg2[%multiple_of3A_44, %dma_wait3A] : memref<81920x128xf32, #tpu.memory_space<hbm>> -> memref<128x128xf32, #tpu.memory_space<hbm>>
        %dma_wait3A_46 = arith.constant 0 : i32
        %dma_wait3A_47 = tpu.memref_slice %arg2[%multiple_of3A_44, %dma_wait3A_46] : memref<81920x128xf32, #tpu.memory_space<hbm>> -> memref<128x128xf32, #tpu.memory_space<hbm>>
        tpu.wait_dma2 semaphore(%arg16 : memref<!tpu.dma_semaphore, #tpu.memory_space<semaphore_mem>>) src(%dma_wait3A_47 : memref<128x128xf32, #tpu.memory_space<hbm>>) dst(%arg10 : memref<128x128xf32, #tpu.memory_space<vmem>>)
        %dma_wait3A_48 = arith.constant 0 : i32
        %dma_wait3A_49 = tpu.memref_slice %arg3[%dma_wait3A_48, %multiple_of3A_44] : memref<1x81920xf32, #tpu.memory_space<hbm>> -> memref<1x128xf32, #tpu.memory_space<hbm>>
        %dma_wait3A_50 = tpu.memref_squeeze %dma_wait3A_49 : memref<1x128xf32, #tpu.memory_space<hbm>> -> memref<128xf32, #tpu.memory_space<hbm>>
        %dma_wait3A_51 = tpu.memref_slice %arg3[%dma_wait3A_48, %multiple_of3A_44] : memref<1x81920xf32, #tpu.memory_space<hbm>> -> memref<1x128xf32, #tpu.memory_space<hbm>>
        %dma_wait3A_52 = tpu.memref_squeeze %dma_wait3A_51 : memref<1x128xf32, #tpu.memory_space<hbm>> -> memref<128xf32, #tpu.memory_space<hbm>>
        tpu.wait_dma2 semaphore(%arg16 : memref<!tpu.dma_semaphore, #tpu.memory_space<semaphore_mem>>) src(%dma_wait3A_52 : memref<128xf32, #tpu.memory_space<hbm>>) dst(%arg12 : memref<128xf32, #tpu.memory_space<vmem>>)
        %dma_start3A_53 = arith.constant 0 : i32
        %dma_start3A_54 = tpu.memref_slice %arg9[%add3A_40, %dma_start3A_53] : memref<40x128xi32, #tpu.memory_space<vmem>> -> memref<1x128xi32, #tpu.memory_space<vmem>>
        %dma_start3A_55 = tpu.memref_squeeze %dma_start3A_54 : memref<1x128xi32, #tpu.memory_space<vmem>> -> memref<128xi32, #tpu.memory_space<vmem>>
        %dma_start3A_56 = arith.constant 0 : i32
        %dma_start3A_57 = arith.constant 0 : i32
        %dma_start3A_58 = tpu.memref_slice %arg14[%dma_start3A_56, %dma_start3A_57] : memref<10240x128xf32, #tpu.memory_space<vmem_shared>> -> memref<10240x128xf32, #tpu.memory_space<vmem_shared>>
        tpu.enqueue_indirect_dma source(%arg10 : memref<128x128xf32, #tpu.memory_space<vmem>>) target(%dma_start3A_58 : memref<10240x128xf32, #tpu.memory_space<vmem_shared>>) offsets(%dma_start3A_55 : memref<128xi32, #tpu.memory_space<vmem>>) semaphore(%arg18 : memref<!tpu.dma_semaphore, #tpu.memory_space<semaphore_mem>>) {add = true}
        %dma_start3A_59 = arith.constant 0 : i32
        %dma_start3A_60 = tpu.memref_slice %arg9[%add3A_40, %dma_start3A_59] : memref<40x128xi32, #tpu.memory_space<vmem>> -> memref<1x128xi32, #tpu.memory_space<vmem>>
        %dma_start3A_61 = tpu.memref_squeeze %dma_start3A_60 : memref<1x128xi32, #tpu.memory_space<vmem>> -> memref<128xi32, #tpu.memory_space<vmem>>
        %dma_start3A_62 = arith.constant 0 : i32
        %dma_start3A_63 = tpu.memref_slice %arg15[%dma_start3A_62] : memref<10240xf32, #tpu.memory_space<vmem_shared>> -> memref<10240xf32, #tpu.memory_space<vmem_shared>>
        tpu.enqueue_indirect_dma source(%arg12 : memref<128xf32, #tpu.memory_space<vmem>>) target(%dma_start3A_63 : memref<10240xf32, #tpu.memory_space<vmem_shared>>) offsets(%dma_start3A_61 : memref<128xi32, #tpu.memory_space<vmem>>) semaphore(%arg18 : memref<!tpu.dma_semaphore, #tpu.memory_space<semaphore_mem>>) {add = true}
        %dma_wait3A_64 = arith.constant 0 : i32
        %dma_wait3A_65 = tpu.memref_slice %arg9[%add3A_40, %dma_wait3A_64] : memref<40x128xi32, #tpu.memory_space<vmem>> -> memref<1x128xi32, #tpu.memory_space<vmem>>
        %dma_wait3A_66 = tpu.memref_squeeze %dma_wait3A_65 : memref<1x128xi32, #tpu.memory_space<vmem>> -> memref<128xi32, #tpu.memory_space<vmem>>
        %dma_wait3A_67 = arith.constant 0 : i32
        %dma_wait3A_68 = arith.constant 0 : i32
        %dma_wait3A_69 = tpu.memref_slice %arg14[%dma_wait3A_67, %dma_wait3A_68] : memref<10240x128xf32, #tpu.memory_space<vmem_shared>> -> memref<10240x128xf32, #tpu.memory_space<vmem_shared>>
        tpu.wait_indirect_dma semaphore(%arg18 : memref<!tpu.dma_semaphore, #tpu.memory_space<semaphore_mem>>) src(%arg10 : memref<128x128xf32, #tpu.memory_space<vmem>>) dst(%dma_wait3A_69 : memref<10240x128xf32, #tpu.memory_space<vmem_shared>>)
        %dma_wait3A_70 = arith.constant 0 : i32
        %dma_wait3A_71 = tpu.memref_slice %arg9[%add3A_40, %dma_wait3A_70] : memref<40x128xi32, #tpu.memory_space<vmem>> -> memref<1x128xi32, #tpu.memory_space<vmem>>
        %dma_wait3A_72 = tpu.memref_squeeze %dma_wait3A_71 : memref<1x128xi32, #tpu.memory_space<vmem>> -> memref<128xi32, #tpu.memory_space<vmem>>
        %dma_wait3A_73 = arith.constant 0 : i32
        %dma_wait3A_74 = tpu.memref_slice %arg15[%dma_wait3A_73] : memref<10240xf32, #tpu.memory_space<vmem_shared>> -> memref<10240xf32, #tpu.memory_space<vmem_shared>>
        tpu.wait_indirect_dma semaphore(%arg18 : memref<!tpu.dma_semaphore, #tpu.memory_space<semaphore_mem>>) src(%arg12 : memref<128xf32, #tpu.memory_space<vmem>>) dst(%dma_wait3A_74 : memref<10240xf32, #tpu.memory_space<vmem_shared>>)
        %add3A_75 = arith.constant 2 : i32
        %add3A_76 = arith.addi %add3A_40, %add3A_75 : i32
        %lt3A = arith.constant 40 : i32
        %lt3A_77 = arith.cmpi slt, %add3A_76, %lt3A : i32
        %convert_element_type3A_78 = arith.extui %lt3A_77 : i1 to i32
        %cond3A_79 = arith.constant 0 : i32
        %cond3A_80 = arith.cmpi ne, %convert_element_type3A_78, %cond3A_79 : i32
        scf.if %cond3A_80 {
          %add3A_127 = arith.constant 2 : i32
          %add3A_128 = arith.addi %add3A_40, %add3A_127 : i32
          %mul3A_129 = arith.constant 128 : i32
          %mul3A_130 = arith.muli %add3A_128, %mul3A_129 : i32
          %add3A_131 = arith.addi %mul3A_0, %mul3A_130 : i32
          %multiple_of3A_132 = tpu.assume_multiple %add3A_131, 128 : i32
          %dma_start3A_133 = arith.constant 0 : i32
          %dma_start3A_134 = tpu.memref_slice %arg2[%multiple_of3A_132, %dma_start3A_133] : memref<81920x128xf32, #tpu.memory_space<hbm>> -> memref<128x128xf32, #tpu.memory_space<hbm>>
          %dma_start3A_135 = arith.constant 0 : i32
          %dma_start3A_136 = tpu.memref_slice %arg2[%multiple_of3A_132, %dma_start3A_135] : memref<81920x128xf32, #tpu.memory_space<hbm>> -> memref<128x128xf32, #tpu.memory_space<hbm>>
          tpu.enqueue_dma source(%dma_start3A_136 : memref<128x128xf32, #tpu.memory_space<hbm>>) target(%arg10 : memref<128x128xf32, #tpu.memory_space<vmem>>) target_semaphore(%arg16 : memref<!tpu.dma_semaphore, #tpu.memory_space<semaphore_mem>>)
          %dma_start3A_137 = arith.constant 0 : i32
          %dma_start3A_138 = tpu.memref_slice %arg3[%dma_start3A_137, %multiple_of3A_132] : memref<1x81920xf32, #tpu.memory_space<hbm>> -> memref<1x128xf32, #tpu.memory_space<hbm>>
          %dma_start3A_139 = tpu.memref_squeeze %dma_start3A_138 : memref<1x128xf32, #tpu.memory_space<hbm>> -> memref<128xf32, #tpu.memory_space<hbm>>
          %dma_start3A_140 = tpu.memref_slice %arg3[%dma_start3A_137, %multiple_of3A_132] : memref<1x81920xf32, #tpu.memory_space<hbm>> -> memref<1x128xf32, #tpu.memory_space<hbm>>
          %dma_start3A_141 = tpu.memref_squeeze %dma_start3A_140 : memref<1x128xf32, #tpu.memory_space<hbm>> -> memref<128xf32, #tpu.memory_space<hbm>>
          tpu.enqueue_dma source(%dma_start3A_141 : memref<128xf32, #tpu.memory_space<hbm>>) target(%arg12 : memref<128xf32, #tpu.memory_space<vmem>>) target_semaphore(%arg16 : memref<!tpu.dma_semaphore, #tpu.memory_space<semaphore_mem>>)
        } else {
        }
        %mul3A_81 = arith.constant 2 : i32
        %mul3A_82 = arith.muli %mul3A_81, %scan3A_36 : i32
        %add3A_83 = arith.constant 1 : i32
        %add3A_84 = arith.addi %mul3A_82, %add3A_83 : i32
        %mul3A_85 = arith.constant 128 : i32
        %mul3A_86 = arith.muli %add3A_84, %mul3A_85 : i32
        %add3A_87 = arith.addi %mul3A_0, %mul3A_86 : i32
        %multiple_of3A_88 = tpu.assume_multiple %add3A_87, 128 : i32
        %dma_wait3A_89 = arith.constant 0 : i32
        %dma_wait3A_90 = tpu.memref_slice %arg2[%multiple_of3A_88, %dma_wait3A_89] : memref<81920x128xf32, #tpu.memory_space<hbm>> -> memref<128x128xf32, #tpu.memory_space<hbm>>
        %dma_wait3A_91 = arith.constant 0 : i32
        %dma_wait3A_92 = tpu.memref_slice %arg2[%multiple_of3A_88, %dma_wait3A_91] : memref<81920x128xf32, #tpu.memory_space<hbm>> -> memref<128x128xf32, #tpu.memory_space<hbm>>
        tpu.wait_dma2 semaphore(%arg17 : memref<!tpu.dma_semaphore, #tpu.memory_space<semaphore_mem>>) src(%dma_wait3A_92 : memref<128x128xf32, #tpu.memory_space<hbm>>) dst(%arg11 : memref<128x128xf32, #tpu.memory_space<vmem>>)
        %dma_wait3A_93 = arith.constant 0 : i32
        %dma_wait3A_94 = tpu.memref_slice %arg3[%dma_wait3A_93, %multiple_of3A_88] : memref<1x81920xf32, #tpu.memory_space<hbm>> -> memref<1x128xf32, #tpu.memory_space<hbm>>
        %dma_wait3A_95 = tpu.memref_squeeze %dma_wait3A_94 : memref<1x128xf32, #tpu.memory_space<hbm>> -> memref<128xf32, #tpu.memory_space<hbm>>
        %dma_wait3A_96 = tpu.memref_slice %arg3[%dma_wait3A_93, %multiple_of3A_88] : memref<1x81920xf32, #tpu.memory_space<hbm>> -> memref<1x128xf32, #tpu.memory_space<hbm>>
        %dma_wait3A_97 = tpu.memref_squeeze %dma_wait3A_96 : memref<1x128xf32, #tpu.memory_space<hbm>> -> memref<128xf32, #tpu.memory_space<hbm>>
        tpu.wait_dma2 semaphore(%arg17 : memref<!tpu.dma_semaphore, #tpu.memory_space<semaphore_mem>>) src(%dma_wait3A_97 : memref<128xf32, #tpu.memory_space<hbm>>) dst(%arg13 : memref<128xf32, #tpu.memory_space<vmem>>)
        %dma_start3A_98 = arith.constant 0 : i32
        %dma_start3A_99 = tpu.memref_slice %arg9[%add3A_84, %dma_start3A_98] : memref<40x128xi32, #tpu.memory_space<vmem>> -> memref<1x128xi32, #tpu.memory_space<vmem>>
        %dma_start3A_100 = tpu.memref_squeeze %dma_start3A_99 : memref<1x128xi32, #tpu.memory_space<vmem>> -> memref<128xi32, #tpu.memory_space<vmem>>
        %dma_start3A_101 = arith.constant 0 : i32
        %dma_start3A_102 = arith.constant 0 : i32
        %dma_start3A_103 = tpu.memref_slice %arg14[%dma_start3A_101, %dma_start3A_102] : memref<10240x128xf32, #tpu.memory_space<vmem_shared>> -> memref<10240x128xf32, #tpu.memory_space<vmem_shared>>
        tpu.enqueue_indirect_dma source(%arg11 : memref<128x128xf32, #tpu.memory_space<vmem>>) target(%dma_start3A_103 : memref<10240x128xf32, #tpu.memory_space<vmem_shared>>) offsets(%dma_start3A_100 : memref<128xi32, #tpu.memory_space<vmem>>) semaphore(%arg19 : memref<!tpu.dma_semaphore, #tpu.memory_space<semaphore_mem>>) {add = true}
        %dma_start3A_104 = arith.constant 0 : i32
        %dma_start3A_105 = tpu.memref_slice %arg9[%add3A_84, %dma_start3A_104] : memref<40x128xi32, #tpu.memory_space<vmem>> -> memref<1x128xi32, #tpu.memory_space<vmem>>
        %dma_start3A_106 = tpu.memref_squeeze %dma_start3A_105 : memref<1x128xi32, #tpu.memory_space<vmem>> -> memref<128xi32, #tpu.memory_space<vmem>>
        %dma_start3A_107 = arith.constant 0 : i32
        %dma_start3A_108 = tpu.memref_slice %arg15[%dma_start3A_107] : memref<10240xf32, #tpu.memory_space<vmem_shared>> -> memref<10240xf32, #tpu.memory_space<vmem_shared>>
        tpu.enqueue_indirect_dma source(%arg13 : memref<128xf32, #tpu.memory_space<vmem>>) target(%dma_start3A_108 : memref<10240xf32, #tpu.memory_space<vmem_shared>>) offsets(%dma_start3A_106 : memref<128xi32, #tpu.memory_space<vmem>>) semaphore(%arg19 : memref<!tpu.dma_semaphore, #tpu.memory_space<semaphore_mem>>) {add = true}
        %dma_wait3A_109 = arith.constant 0 : i32
        %dma_wait3A_110 = tpu.memref_slice %arg9[%add3A_84, %dma_wait3A_109] : memref<40x128xi32, #tpu.memory_space<vmem>> -> memref<1x128xi32, #tpu.memory_space<vmem>>
        %dma_wait3A_111 = tpu.memref_squeeze %dma_wait3A_110 : memref<1x128xi32, #tpu.memory_space<vmem>> -> memref<128xi32, #tpu.memory_space<vmem>>
        %dma_wait3A_112 = arith.constant 0 : i32
        %dma_wait3A_113 = arith.constant 0 : i32
        %dma_wait3A_114 = tpu.memref_slice %arg14[%dma_wait3A_112, %dma_wait3A_113] : memref<10240x128xf32, #tpu.memory_space<vmem_shared>> -> memref<10240x128xf32, #tpu.memory_space<vmem_shared>>
        tpu.wait_indirect_dma semaphore(%arg19 : memref<!tpu.dma_semaphore, #tpu.memory_space<semaphore_mem>>) src(%arg11 : memref<128x128xf32, #tpu.memory_space<vmem>>) dst(%dma_wait3A_114 : memref<10240x128xf32, #tpu.memory_space<vmem_shared>>)
        %dma_wait3A_115 = arith.constant 0 : i32
        %dma_wait3A_116 = tpu.memref_slice %arg9[%add3A_84, %dma_wait3A_115] : memref<40x128xi32, #tpu.memory_space<vmem>> -> memref<1x128xi32, #tpu.memory_space<vmem>>
        %dma_wait3A_117 = tpu.memref_squeeze %dma_wait3A_116 : memref<1x128xi32, #tpu.memory_space<vmem>> -> memref<128xi32, #tpu.memory_space<vmem>>
        %dma_wait3A_118 = arith.constant 0 : i32
        %dma_wait3A_119 = tpu.memref_slice %arg15[%dma_wait3A_118] : memref<10240xf32, #tpu.memory_space<vmem_shared>> -> memref<10240xf32, #tpu.memory_space<vmem_shared>>
        tpu.wait_indirect_dma semaphore(%arg19 : memref<!tpu.dma_semaphore, #tpu.memory_space<semaphore_mem>>) src(%arg13 : memref<128xf32, #tpu.memory_space<vmem>>) dst(%dma_wait3A_119 : memref<10240xf32, #tpu.memory_space<vmem_shared>>)
        %add3A_120 = arith.constant 2 : i32
        %add3A_121 = arith.addi %add3A_84, %add3A_120 : i32
        %lt3A_122 = arith.constant 40 : i32
        %lt3A_123 = arith.cmpi slt, %add3A_121, %lt3A_122 : i32
        %convert_element_type3A_124 = arith.extui %lt3A_123 : i1 to i32
        %cond3A_125 = arith.constant 0 : i32
        %cond3A_126 = arith.cmpi ne, %convert_element_type3A_124, %cond3A_125 : i32
        scf.if %cond3A_126 {
          %add3A_127 = arith.constant 2 : i32
          %add3A_128 = arith.addi %add3A_84, %add3A_127 : i32
          %mul3A_129 = arith.constant 128 : i32
          %mul3A_130 = arith.muli %add3A_128, %mul3A_129 : i32
          %add3A_131 = arith.addi %mul3A_0, %mul3A_130 : i32
          %multiple_of3A_132 = tpu.assume_multiple %add3A_131, 128 : i32
          %dma_start3A_133 = arith.constant 0 : i32
          %dma_start3A_134 = tpu.memref_slice %arg2[%multiple_of3A_132, %dma_start3A_133] : memref<81920x128xf32, #tpu.memory_space<hbm>> -> memref<128x128xf32, #tpu.memory_space<hbm>>
          %dma_start3A_135 = arith.constant 0 : i32
          %dma_start3A_136 = tpu.memref_slice %arg2[%multiple_of3A_132, %dma_start3A_135] : memref<81920x128xf32, #tpu.memory_space<hbm>> -> memref<128x128xf32, #tpu.memory_space<hbm>>
          tpu.enqueue_dma source(%dma_start3A_136 : memref<128x128xf32, #tpu.memory_space<hbm>>) target(%arg11 : memref<128x128xf32, #tpu.memory_space<vmem>>) target_semaphore(%arg17 : memref<!tpu.dma_semaphore, #tpu.memory_space<semaphore_mem>>)
          %dma_start3A_137 = arith.constant 0 : i32
          %dma_start3A_138 = tpu.memref_slice %arg3[%dma_start3A_137, %multiple_of3A_132] : memref<1x81920xf32, #tpu.memory_space<hbm>> -> memref<1x128xf32, #tpu.memory_space<hbm>>
          %dma_start3A_139 = tpu.memref_squeeze %dma_start3A_138 : memref<1x128xf32, #tpu.memory_space<hbm>> -> memref<128xf32, #tpu.memory_space<hbm>>
          %dma_start3A_140 = tpu.memref_slice %arg3[%dma_start3A_137, %multiple_of3A_132] : memref<1x81920xf32, #tpu.memory_space<hbm>> -> memref<1x128xf32, #tpu.memory_space<hbm>>
          %dma_start3A_141 = tpu.memref_squeeze %dma_start3A_140 : memref<1x128xf32, #tpu.memory_space<hbm>> -> memref<128xf32, #tpu.memory_space<hbm>>
          tpu.enqueue_dma source(%dma_start3A_141 : memref<128xf32, #tpu.memory_space<hbm>>) target(%arg13 : memref<128xf32, #tpu.memory_space<vmem>>) target_semaphore(%arg17 : memref<!tpu.dma_semaphore, #tpu.memory_space<semaphore_mem>>)
        } else {
        }
      }
      %scan3A_34 = arith.constant 20 : i32
      %barrier3A_35 = arith.constant 0 : index
      tpu.barrier barrier_id(%barrier3A_35)
      "tpu.region"() ({
        %run_scoped3A = tpu.sem_alloc : memref<!tpu.dma_semaphore, #tpu.memory_space<semaphore_mem>>
        %dma_start3A_36 = arith.constant 0 : i32
        %dma_start3A_37 = tpu.memref_slice %arg7[%multiple_of3A, %dma_start3A_36] : memref<10240x128xf32, #tpu.memory_space<hbm>> -> memref<640x128xf32, #tpu.memory_space<hbm>>
        %dma_start3A_38 = arith.constant 0 : i32
        %dma_start3A_39 = tpu.memref_slice %arg14[%multiple_of3A, %dma_start3A_38] : memref<10240x128xf32, #tpu.memory_space<vmem_shared>> -> memref<640x128xf32, #tpu.memory_space<vmem_shared>>
        tpu.enqueue_dma source(%dma_start3A_39 : memref<640x128xf32, #tpu.memory_space<vmem_shared>>) target(%dma_start3A_37 : memref<640x128xf32, #tpu.memory_space<hbm>>) target_semaphore(%run_scoped3A : memref<!tpu.dma_semaphore, #tpu.memory_space<semaphore_mem>>)
        %dma_wait3A = arith.constant 0 : i32
        %dma_wait3A_40 = tpu.memref_slice %arg7[%multiple_of3A, %dma_wait3A] : memref<10240x128xf32, #tpu.memory_space<hbm>> -> memref<640x128xf32, #tpu.memory_space<hbm>>
        %dma_wait3A_41 = arith.constant 0 : i32
        %dma_wait3A_42 = tpu.memref_slice %arg14[%multiple_of3A, %dma_wait3A_41] : memref<10240x128xf32, #tpu.memory_space<vmem_shared>> -> memref<640x128xf32, #tpu.memory_space<vmem_shared>>
        tpu.wait_dma2 semaphore(%run_scoped3A : memref<!tpu.dma_semaphore, #tpu.memory_space<semaphore_mem>>) src(%dma_wait3A_42 : memref<640x128xf32, #tpu.memory_space<vmem_shared>>) dst(%dma_wait3A_40 : memref<640x128xf32, #tpu.memory_space<hbm>>)
        tpu.yield
      }) : () -> ()
      "tpu.region"() ({
        %run_scoped3A = tpu.sem_alloc : memref<!tpu.dma_semaphore, #tpu.memory_space<semaphore_mem>>
        %dma_start3A_36 = tpu.memref_slice %arg8[%multiple_of3A] : memref<10240xf32, #tpu.memory_space<hbm>> -> memref<640xf32, #tpu.memory_space<hbm>>
        %dma_start3A_37 = tpu.memref_slice %arg15[%multiple_of3A] : memref<10240xf32, #tpu.memory_space<vmem_shared>> -> memref<640xf32, #tpu.memory_space<vmem_shared>>
        tpu.enqueue_dma source(%dma_start3A_37 : memref<640xf32, #tpu.memory_space<vmem_shared>>) target(%dma_start3A_36 : memref<640xf32, #tpu.memory_space<hbm>>) target_semaphore(%run_scoped3A : memref<!tpu.dma_semaphore, #tpu.memory_space<semaphore_mem>>)
        %dma_wait3A = tpu.memref_slice %arg8[%multiple_of3A] : memref<10240xf32, #tpu.memory_space<hbm>> -> memref<640xf32, #tpu.memory_space<hbm>>
        %dma_wait3A_38 = tpu.memref_slice %arg15[%multiple_of3A] : memref<10240xf32, #tpu.memory_space<vmem_shared>> -> memref<640xf32, #tpu.memory_space<vmem_shared>>
        tpu.wait_dma2 semaphore(%run_scoped3A : memref<!tpu.dma_semaphore, #tpu.memory_space<semaphore_mem>>) src(%dma_wait3A_38 : memref<640xf32, #tpu.memory_space<vmem_shared>>) dst(%dma_wait3A : memref<640xf32, #tpu.memory_space<hbm>>)
        tpu.yield
      }) : () -> ()
    } else {
    }
    return
  }
}

module attributes {stable_mosaic.version = 14 : i64} {
  func.func @_ptab_body(%arg0: i32, %arg1: memref<1000x128xf32, #tpu.memory_space<vmem>>, %arg2: memref<128x128xf32, #tpu.memory_space<vmem>>, %arg3: memref<1000x128xf32, #tpu.memory_space<vmem>>) attributes {dimension_semantics = [#tpu.dimension_semantics<arbitrary>], iteration_bounds = array<i64: 10>, scalar_prefetch = 0 : i64, scratch_operands = 0 : i64, tpu.core_type = #tpu.core_type<tc>, window_params = [{transform_indices = @transform_0, window_bounds = array<i64: 1000, 128>}, {pipeline_mode = #tpu.pipeline_mode<synchronous>, transform_indices = @transform_1, window_bounds = array<i64: 128, 128>}, {transform_indices = @transform_2, window_bounds = array<i64: 1000, 128>}]} {
    %get3A = arith.constant 0 : index
    %get3A_0 = arith.constant 0 : index
    %get3A_1 = vector.load %arg1[%get3A, %get3A_0] : memref<1000x128xf32, #tpu.memory_space<vmem>>, vector<1000x128xf32>
    %get3A_2 = arith.constant 0 : index
    %get3A_3 = arith.constant 0 : index
    %get3A_4 = vector.load %arg2[%get3A_2, %get3A_3] : memref<128x128xf32, #tpu.memory_space<vmem>>, vector<128x128xf32>
    %dot_general3A = arith.constant dense<0.000000e+00> : vector<1000x128xf32>
    %dot_general3A_5 = tpu.matmul %get3A_1, %get3A_4, %dot_general3A {dimension_numbers = #tpu.dot_dimension_numbers<[1], [0], [0], [1], [0, 0, 1, 1], [], []>, transpose_lhs_hint = false} : vector<1000x128xf32>, vector<128x128xf32>, vector<1000x128xf32> -> vector<1000x128xf32>
    %swap3A = arith.constant 0 : index
    %swap3A_6 = arith.constant 0 : index
    %swap3A_7 = vector.load %arg3[%swap3A, %swap3A_6] : memref<1000x128xf32, #tpu.memory_space<vmem>>, vector<1000x128xf32>
    tpu.vector_store %arg3[%swap3A, %swap3A_6], %dot_general3A_5 {strides = array<i32>} : memref<1000x128xf32, #tpu.memory_space<vmem>>, vector<1000x128xf32>,
    return
  }
  func.func @transform_0(%arg0: i32) -> (i32, i32) {
    %c0_i32 = arith.constant 0 : i32
    %c0_i32_0 = arith.constant 0 : i32
    return %arg0, %c0_i32 : i32, i32
  }
  func.func @transform_1(%arg0: i32) -> (i32, i32) {
    %c0_i32 = arith.constant 0 : i32
    %c0_i32_0 = arith.constant 0 : i32
    %c0_i32_1 = arith.constant 0 : i32
    return %c0_i32, %c0_i32_0 : i32, i32
  }
  func.func @transform_2(%arg0: i32) -> (i32, i32) {
    %c0_i32 = arith.constant 0 : i32
    %c0_i32_0 = arith.constant 0 : i32
    return %arg0, %c0_i32 : i32, i32
  }
}

module attributes {stable_mosaic.version = 14 : i64} {
  func.func @_edge_body(%arg0: i32, %arg1: memref<1280x16xf32, #tpu.memory_space<vmem>>, %arg2: memref<1280x4xf32, #tpu.memory_space<vmem>>, %arg3: memref<1280x128xf32, #tpu.memory_space<vmem>>, %arg4: memref<1280x128xf32, #tpu.memory_space<vmem>>, %arg5: memref<16x16xf32, #tpu.memory_space<vmem>>, %arg6: memref<16x64xf32, #tpu.memory_space<vmem>>, %arg7: memref<4x64xf32, #tpu.memory_space<vmem>>, %arg8: memref<64x128xf32, #tpu.memory_space<vmem>>, %arg9: memref<64x128xf32, #tpu.memory_space<vmem>>, %arg10: memref<1280x128xf32, #tpu.memory_space<vmem>>, %arg11: memref<1x1280xf32, #tpu.memory_space<vmem>>) attributes {dimension_semantics = [#tpu.dimension_semantics<arbitrary>], iteration_bounds = array<i64: 64>, scalar_prefetch = 0 : i64, scratch_operands = 0 : i64, tpu.core_type = #tpu.core_type<tc>, window_params = [{transform_indices = @transform_0, window_bounds = array<i64: 1280, 16>}, {transform_indices = @transform_1, window_bounds = array<i64: 1280, 4>}, {transform_indices = @transform_2, window_bounds = array<i64: 1280, 128>}, {transform_indices = @transform_3, window_bounds = array<i64: 1280, 128>}, {pipeline_mode = #tpu.pipeline_mode<synchronous>, transform_indices = @transform_4, window_bounds = array<i64: 16, 16>}, {pipeline_mode = #tpu.pipeline_mode<synchronous>, transform_indices = @transform_5, window_bounds = array<i64: 16, 64>}, {pipeline_mode = #tpu.pipeline_mode<synchronous>, transform_indices = @transform_6, window_bounds = array<i64: 4, 64>}, {pipeline_mode = #tpu.pipeline_mode<synchronous>, transform_indices = @transform_7, window_bounds = array<i64: 64, 128>}, {pipeline_mode = #tpu.pipeline_mode<synchronous>, transform_indices = @transform_8, window_bounds = array<i64: 64, 128>}, {transform_indices = @transform_9, window_bounds = array<i64: 1280, 128>}, {transform_indices = @transform_10, window_bounds = array<i64: 1, 1280>}]} {
    %get3A = arith.constant 0 : index
    %get3A_0 = arith.constant 0 : index
    %get3A_1 = vector.load %arg1[%get3A, %get3A_0] : memref<1280x16xf32, #tpu.memory_space<vmem>>, vector<1280x16xf32>
    %get3A_2 = arith.constant 0 : index
    %get3A_3 = arith.constant 0 : index
    %get3A_4 = vector.load %arg2[%get3A_2, %get3A_3] : memref<1280x4xf32, #tpu.memory_space<vmem>>, vector<1280x4xf32>
    %get3A_5 = arith.constant 0 : index
    %get3A_6 = arith.constant 0 : index
    %get3A_7 = vector.load %arg5[%get3A_5, %get3A_6] : memref<16x16xf32, #tpu.memory_space<vmem>>, vector<16x16xf32>
    %dot_general3A = arith.constant dense<0.000000e+00> : vector<1280x16xf32>
    %dot_general3A_8 = tpu.matmul %get3A_1, %get3A_7, %dot_general3A {dimension_numbers = #tpu.dot_dimension_numbers<[1], [0], [0], [1], [0, 0, 1, 1], [], []>, transpose_lhs_hint = false} : vector<1280x16xf32>, vector<16x16xf32>, vector<1280x16xf32> -> vector<1280x16xf32>
    %custom_jvp_call3A = arith.constant 0.000000e+00 : f32
    %max3A = vector.broadcast %custom_jvp_call3A : f32 to vector<1280x16xf32>
    %max3A_9 = arith.maximumf %dot_general3A_8, %max3A : vector<1280x16xf32>
    %sub3A = vector.broadcast %custom_jvp_call3A : f32 to vector<1280x16xf32>
    %sub3A_10 = arith.subf %dot_general3A_8, %sub3A : vector<1280x16xf32>
    %ne3A = arith.cmpf one, %sub3A_10, %sub3A_10 : vector<1280x16xf32>
    %add3A = vector.broadcast %custom_jvp_call3A : f32 to vector<1280x16xf32>
    %add3A_11 = arith.addf %dot_general3A_8, %add3A : vector<1280x16xf32>
    %abs3A = math.absf %sub3A_10 : vector<1280x16xf32>
    %neg3A = arith.constant 0.000000e+00 : f32
    %neg3A_12 = vector.broadcast %neg3A : f32 to vector<1280x16xf32>
    %neg3A_13 = arith.subf %neg3A_12, %abs3A : vector<1280x16xf32>
    %exp3A = math.exp %neg3A_13 : vector<1280x16xf32>
    %log1p3A = math.log1p %exp3A : vector<1280x16xf32>
    %add3A_14 = arith.addf %max3A_9, %log1p3A : vector<1280x16xf32>
    %select_n3A = arith.select %ne3A, %add3A_11, %add3A_14 : vector<1280x16xi1>, vector<1280x16xf32>
    %sub3A_15 = arith.constant 0.693147182 : f32
    %sub3A_16 = vector.broadcast %sub3A_15 : f32 to vector<1280x16xf32>
    %sub3A_17 = arith.subf %select_n3A, %sub3A_16 : vector<1280x16xf32>
    %get3A_18 = arith.constant 0 : index
    %get3A_19 = arith.constant 0 : index
    %get3A_20 = vector.load %arg6[%get3A_18, %get3A_19] : memref<16x64xf32, #tpu.memory_space<vmem>>, vector<16x64xf32>
    %dot_general3A_21 = arith.constant dense<0.000000e+00> : vector<1280x64xf32>
    %dot_general3A_22 = tpu.matmul %sub3A_17, %get3A_20, %dot_general3A_21 {dimension_numbers = #tpu.dot_dimension_numbers<[1], [0], [0], [1], [0, 0, 1, 1], [], []>, transpose_lhs_hint = false} : vector<1280x16xf32>, vector<16x64xf32>, vector<1280x64xf32> -> vector<1280x64xf32>
    %get3A_23 = arith.constant 0 : index
    %get3A_24 = arith.constant 0 : index
    %get3A_25 = vector.load %arg7[%get3A_23, %get3A_24] : memref<4x64xf32, #tpu.memory_space<vmem>>, vector<4x64xf32>
    %dot_general3A_26 = arith.constant dense<0.000000e+00> : vector<1280x64xf32>
    %dot_general3A_27 = tpu.matmul %get3A_4, %get3A_25, %dot_general3A_26 {dimension_numbers = #tpu.dot_dimension_numbers<[1], [0], [0], [1], [0, 0, 1, 1], [], []>, transpose_lhs_hint = false} : vector<1280x4xf32>, vector<4x64xf32>, vector<1280x64xf32> -> vector<1280x64xf32>
    %mul3A = arith.mulf %dot_general3A_22, %dot_general3A_27 : vector<1280x64xf32>
    %get3A_28 = arith.constant 0 : index
    %get3A_29 = arith.constant 0 : index
    %get3A_30 = vector.load %arg8[%get3A_28, %get3A_29] : memref<64x128xf32, #tpu.memory_space<vmem>>, vector<64x128xf32>
    %dot_general3A_31 = arith.constant dense<0.000000e+00> : vector<1280x128xf32>
    %dot_general3A_32 = tpu.matmul %mul3A, %get3A_30, %dot_general3A_31 {dimension_numbers = #tpu.dot_dimension_numbers<[1], [0], [0], [1], [0, 0, 1, 1], [], []>, transpose_lhs_hint = false} : vector<1280x64xf32>, vector<64x128xf32>, vector<1280x128xf32> -> vector<1280x128xf32>
    %get3A_33 = arith.constant 0 : index
    %get3A_34 = arith.constant 0 : index
    %get3A_35 = vector.load %arg9[%get3A_33, %get3A_34] : memref<64x128xf32, #tpu.memory_space<vmem>>, vector<64x128xf32>
    %dot_general3A_36 = arith.constant dense<0.000000e+00> : vector<1280x128xf32>
    %dot_general3A_37 = tpu.matmul %mul3A, %get3A_35, %dot_general3A_36 {dimension_numbers = #tpu.dot_dimension_numbers<[1], [0], [0], [1], [0, 0, 1, 1], [], []>, transpose_lhs_hint = false} : vector<1280x64xf32>, vector<64x128xf32>, vector<1280x128xf32> -> vector<1280x128xf32>
    %get3A_38 = arith.constant 0 : index
    %get3A_39 = arith.constant 0 : index
    %get3A_40 = vector.load %arg3[%get3A_38, %get3A_39] : memref<1280x128xf32, #tpu.memory_space<vmem>>, vector<1280x128xf32>
    %mul3A_41 = arith.mulf %get3A_40, %dot_general3A_32 : vector<1280x128xf32>
    %get3A_42 = arith.constant 0 : index
    %get3A_43 = arith.constant 0 : index
    %get3A_44 = vector.load %arg4[%get3A_42, %get3A_43] : memref<1280x128xf32, #tpu.memory_space<vmem>>, vector<1280x128xf32>
    %mul3A_45 = arith.mulf %mul3A_41, %get3A_44 : vector<1280x128xf32>
    %reduce_sum3A = arith.constant dense<0.000000e+00> : vector<1280xf32>
    %reduce_sum3A_46 = vector.multi_reduction <add>, %mul3A_45, %reduce_sum3A [1] : vector<1280x128xf32> to vector<1280xf32>
    %broadcast_in_dim3A = vector.shape_cast %reduce_sum3A_46 : vector<1280xf32> to vector<1280x1xf32>
    %mul3A_47 = arith.mulf %get3A_40, %dot_general3A_37 : vector<1280x128xf32>
    %mul3A_48 = arith.constant 1280 : i32
    %mul3A_49 = arith.muli %arg0, %mul3A_48 : i32
    %add3A_50 = arith.constant 0 : i32
    %add3A_51 = arith.addi %add3A_50, %mul3A_49 : i32
    %iota3A = tpu.iota {dimensions = array<i32: 0>} : vector<1280x1xi32>
    %add3A_52 = vector.broadcast %add3A_51 : i32 to vector<1280x1xi32>
    %add3A_53 = arith.addi %add3A_52, %iota3A : vector<1280x1xi32>
    %lt3A = arith.constant 160000 : i32
    %lt3A_54 = vector.broadcast %lt3A : i32 to vector<1280x1xi32>
    %lt3A_55 = arith.cmpi slt, %add3A_53, %lt3A_54 : vector<1280x1xi32>
    %mul3A_56 = arith.constant 5.000000e-01 : f32
    %mul3A_57 = vector.broadcast %mul3A_56 : f32 to vector<1280x1xf32>
    %mul3A_58 = arith.mulf %mul3A_57, %broadcast_in_dim3A : vector<1280x1xf32>
    %add3A_59 = arith.constant -0.0500000082 : f32
    %add3A_60 = vector.broadcast %add3A_59 : f32 to vector<1280x1xf32>
    %add3A_61 = arith.addf %mul3A_58, %add3A_60 : vector<1280x1xf32>
    %exp3A_62 = math.exp %add3A_61 : vector<1280x1xf32>
    %jit3A = arith.constant 0.000000e+00 : f32
    %broadcast_in_dim3A_63 = vector.broadcast %jit3A : f32 to vector<1280x1xf32>
    %select_n3A_64 = arith.select %lt3A_55, %exp3A_62, %broadcast_in_dim3A_63 : vector<1280x1xi1>, vector<1280x1xf32>
    %mul3A_65 = vector.broadcast %select_n3A_64 : vector<1280x1xf32> to vector<1280x128xf32>
    %mul3A_66 = arith.mulf %mul3A_65, %mul3A_47 : vector<1280x128xf32>
    %swap3A = arith.constant 0 : index
    %swap3A_67 = arith.constant 0 : index
    %swap3A_68 = vector.load %arg10[%swap3A, %swap3A_67] : memref<1280x128xf32, #tpu.memory_space<vmem>>, vector<1280x128xf32>
    tpu.vector_store %arg10[%swap3A, %swap3A_67], %mul3A_66 {strides = array<i32>} : memref<1280x128xf32, #tpu.memory_space<vmem>>, vector<1280x128xf32>,
    %mul3A_69 = arith.mulf %select_n3A_64, %select_n3A_64 : vector<1280x1xf32>
    %transpose3A = tpu.transpose %mul3A_69, [1, 0] : vector<1280x1xf32> -> vector<1x1280xf32>
    %swap3A_70 = arith.constant 0 : index
    %swap3A_71 = arith.constant 0 : index
    %swap3A_72 = vector.load %arg11[%swap3A_70, %swap3A_71] : memref<1x1280xf32, #tpu.memory_space<vmem>>, vector<1x1280xf32>
    tpu.vector_store %arg11[%swap3A_70, %swap3A_71], %transpose3A {strides = array<i32>} : memref<1x1280xf32, #tpu.memory_space<vmem>>, vector<1x1280xf32>,
    return
  }
  func.func @transform_0(%arg0: i32) -> (i32, i32) {
    %add3A = arith.constant 0 : i32
    %add3A_0 = arith.addi %arg0, %add3A : i32
    %min3A = arith.constant 124 : i32
    %min3A_1 = arith.minsi %add3A_0, %min3A : i32
    %c0_i32 = arith.constant 0 : i32
    %c0_i32_2 = arith.constant 0 : i32
    return %min3A_1, %c0_i32 : i32, i32
  }
  func.func @transform_1(%arg0: i32) -> (i32, i32) {
    %add3A = arith.constant 0 : i32
    %add3A_0 = arith.addi %arg0, %add3A : i32
    %min3A = arith.constant 124 : i32
    %min3A_1 = arith.minsi %add3A_0, %min3A : i32
    %c0_i32 = arith.constant 0 : i32
    %c0_i32_2 = arith.constant 0 : i32
    return %min3A_1, %c0_i32 : i32, i32
  }
  func.func @transform_2(%arg0: i32) -> (i32, i32) {
    %c0_i32 = arith.constant 0 : i32
    %c0_i32_0 = arith.constant 0 : i32
    return %arg0, %c0_i32 : i32, i32
  }
  func.func @transform_3(%arg0: i32) -> (i32, i32) {
    %c0_i32 = arith.constant 0 : i32
    %c0_i32_0 = arith.constant 0 : i32
    return %arg0, %c0_i32 : i32, i32
  }
  func.func @transform_4(%arg0: i32) -> (i32, i32) {
    %c0_i32 = arith.constant 0 : i32
    %c0_i32_0 = arith.constant 0 : i32
    %c0_i32_1 = arith.constant 0 : i32
    return %c0_i32, %c0_i32_0 : i32, i32
  }
  func.func @transform_5(%arg0: i32) -> (i32, i32) {
    %c0_i32 = arith.constant 0 : i32
    %c0_i32_0 = arith.constant 0 : i32
    %c0_i32_1 = arith.constant 0 : i32
    return %c0_i32, %c0_i32_0 : i32, i32
  }
  func.func @transform_6(%arg0: i32) -> (i32, i32) {
    %c0_i32 = arith.constant 0 : i32
    %c0_i32_0 = arith.constant 0 : i32
    %c0_i32_1 = arith.constant 0 : i32
    return %c0_i32, %c0_i32_0 : i32, i32
  }
  func.func @transform_7(%arg0: i32) -> (i32, i32) {
    %c0_i32 = arith.constant 0 : i32
    %c0_i32_0 = arith.constant 0 : i32
    %c0_i32_1 = arith.constant 0 : i32
    return %c0_i32, %c0_i32_0 : i32, i32
  }
  func.func @transform_8(%arg0: i32) -> (i32, i32) {
    %c0_i32 = arith.constant 0 : i32
    %c0_i32_0 = arith.constant 0 : i32
    %c0_i32_1 = arith.constant 0 : i32
    return %c0_i32, %c0_i32_0 : i32, i32
  }
  func.func @transform_9(%arg0: i32) -> (i32, i32) {
    %c0_i32 = arith.constant 0 : i32
    %c0_i32_0 = arith.constant 0 : i32
    return %arg0, %c0_i32 : i32, i32
  }
  func.func @transform_10(%arg0: i32) -> (i32, i32) {
    %c0_i32 = arith.constant 0 : i32
    %c0_i32_0 = arith.constant 0 : i32
    return %c0_i32, %arg0 : i32, i32
  }
}

module attributes {stable_mosaic.version = 14 : i64} {
  func.func @_edge_body(%arg0: i32, %arg1: memref<1280x16xf32, #tpu.memory_space<vmem>>, %arg2: memref<1280x4xf32, #tpu.memory_space<vmem>>, %arg3: memref<1280x128xf32, #tpu.memory_space<vmem>>, %arg4: memref<1280x128xf32, #tpu.memory_space<vmem>>, %arg5: memref<16x16xf32, #tpu.memory_space<vmem>>, %arg6: memref<16x64xf32, #tpu.memory_space<vmem>>, %arg7: memref<4x64xf32, #tpu.memory_space<vmem>>, %arg8: memref<64x128xf32, #tpu.memory_space<vmem>>, %arg9: memref<64x128xf32, #tpu.memory_space<vmem>>, %arg10: memref<1280x128xf32, #tpu.memory_space<vmem>>, %arg11: memref<1x1280xf32, #tpu.memory_space<vmem>>) attributes {dimension_semantics = [#tpu.dimension_semantics<arbitrary>], iteration_bounds = array<i64: 64>, scalar_prefetch = 0 : i64, scratch_operands = 0 : i64, tpu.core_type = #tpu.core_type<tc>, window_params = [{transform_indices = @transform_0, window_bounds = array<i64: 1280, 16>}, {transform_indices = @transform_1, window_bounds = array<i64: 1280, 4>}, {transform_indices = @transform_2, window_bounds = array<i64: 1280, 128>}, {transform_indices = @transform_3, window_bounds = array<i64: 1280, 128>}, {pipeline_mode = #tpu.pipeline_mode<synchronous>, transform_indices = @transform_4, window_bounds = array<i64: 16, 16>}, {pipeline_mode = #tpu.pipeline_mode<synchronous>, transform_indices = @transform_5, window_bounds = array<i64: 16, 64>}, {pipeline_mode = #tpu.pipeline_mode<synchronous>, transform_indices = @transform_6, window_bounds = array<i64: 4, 64>}, {pipeline_mode = #tpu.pipeline_mode<synchronous>, transform_indices = @transform_7, window_bounds = array<i64: 64, 128>}, {pipeline_mode = #tpu.pipeline_mode<synchronous>, transform_indices = @transform_8, window_bounds = array<i64: 64, 128>}, {transform_indices = @transform_9, window_bounds = array<i64: 1280, 128>}, {transform_indices = @transform_10, window_bounds = array<i64: 1, 1280>}]} {
    %get3A = arith.constant 0 : index
    %get3A_0 = arith.constant 0 : index
    %get3A_1 = vector.load %arg1[%get3A, %get3A_0] : memref<1280x16xf32, #tpu.memory_space<vmem>>, vector<1280x16xf32>
    %get3A_2 = arith.constant 0 : index
    %get3A_3 = arith.constant 0 : index
    %get3A_4 = vector.load %arg2[%get3A_2, %get3A_3] : memref<1280x4xf32, #tpu.memory_space<vmem>>, vector<1280x4xf32>
    %get3A_5 = arith.constant 0 : index
    %get3A_6 = arith.constant 0 : index
    %get3A_7 = vector.load %arg5[%get3A_5, %get3A_6] : memref<16x16xf32, #tpu.memory_space<vmem>>, vector<16x16xf32>
    %dot_general3A = arith.constant dense<0.000000e+00> : vector<1280x16xf32>
    %dot_general3A_8 = tpu.matmul %get3A_1, %get3A_7, %dot_general3A {dimension_numbers = #tpu.dot_dimension_numbers<[1], [0], [0], [1], [0, 0, 1, 1], [], []>, transpose_lhs_hint = false} : vector<1280x16xf32>, vector<16x16xf32>, vector<1280x16xf32> -> vector<1280x16xf32>
    %custom_jvp_call3A = arith.constant 0.000000e+00 : f32
    %max3A = vector.broadcast %custom_jvp_call3A : f32 to vector<1280x16xf32>
    %max3A_9 = arith.maximumf %dot_general3A_8, %max3A : vector<1280x16xf32>
    %sub3A = vector.broadcast %custom_jvp_call3A : f32 to vector<1280x16xf32>
    %sub3A_10 = arith.subf %dot_general3A_8, %sub3A : vector<1280x16xf32>
    %ne3A = arith.cmpf one, %sub3A_10, %sub3A_10 : vector<1280x16xf32>
    %add3A = vector.broadcast %custom_jvp_call3A : f32 to vector<1280x16xf32>
    %add3A_11 = arith.addf %dot_general3A_8, %add3A : vector<1280x16xf32>
    %abs3A = math.absf %sub3A_10 : vector<1280x16xf32>
    %neg3A = arith.constant 0.000000e+00 : f32
    %neg3A_12 = vector.broadcast %neg3A : f32 to vector<1280x16xf32>
    %neg3A_13 = arith.subf %neg3A_12, %abs3A : vector<1280x16xf32>
    %exp3A = math.exp %neg3A_13 : vector<1280x16xf32>
    %log1p3A = math.log1p %exp3A : vector<1280x16xf32>
    %add3A_14 = arith.addf %max3A_9, %log1p3A : vector<1280x16xf32>
    %select_n3A = arith.select %ne3A, %add3A_11, %add3A_14 : vector<1280x16xi1>, vector<1280x16xf32>
    %sub3A_15 = arith.constant 0.693147182 : f32
    %sub3A_16 = vector.broadcast %sub3A_15 : f32 to vector<1280x16xf32>
    %sub3A_17 = arith.subf %select_n3A, %sub3A_16 : vector<1280x16xf32>
    %get3A_18 = arith.constant 0 : index
    %get3A_19 = arith.constant 0 : index
    %get3A_20 = vector.load %arg6[%get3A_18, %get3A_19] : memref<16x64xf32, #tpu.memory_space<vmem>>, vector<16x64xf32>
    %dot_general3A_21 = arith.constant dense<0.000000e+00> : vector<1280x64xf32>
    %dot_general3A_22 = tpu.matmul %sub3A_17, %get3A_20, %dot_general3A_21 {dimension_numbers = #tpu.dot_dimension_numbers<[1], [0], [0], [1], [0, 0, 1, 1], [], []>, transpose_lhs_hint = false} : vector<1280x16xf32>, vector<16x64xf32>, vector<1280x64xf32> -> vector<1280x64xf32>
    %get3A_23 = arith.constant 0 : index
    %get3A_24 = arith.constant 0 : index
    %get3A_25 = vector.load %arg7[%get3A_23, %get3A_24] : memref<4x64xf32, #tpu.memory_space<vmem>>, vector<4x64xf32>
    %dot_general3A_26 = arith.constant dense<0.000000e+00> : vector<1280x64xf32>
    %dot_general3A_27 = tpu.matmul %get3A_4, %get3A_25, %dot_general3A_26 {dimension_numbers = #tpu.dot_dimension_numbers<[1], [0], [0], [1], [0, 0, 1, 1], [], []>, transpose_lhs_hint = false} : vector<1280x4xf32>, vector<4x64xf32>, vector<1280x64xf32> -> vector<1280x64xf32>
    %mul3A = arith.mulf %dot_general3A_22, %dot_general3A_27 : vector<1280x64xf32>
    %get3A_28 = arith.constant 0 : index
    %get3A_29 = arith.constant 0 : index
    %get3A_30 = vector.load %arg8[%get3A_28, %get3A_29] : memref<64x128xf32, #tpu.memory_space<vmem>>, vector<64x128xf32>
    %dot_general3A_31 = arith.constant dense<0.000000e+00> : vector<1280x128xf32>
    %dot_general3A_32 = tpu.matmul %mul3A, %get3A_30, %dot_general3A_31 {dimension_numbers = #tpu.dot_dimension_numbers<[1], [0], [0], [1], [0, 0, 1, 1], [], []>, transpose_lhs_hint = false} : vector<1280x64xf32>, vector<64x128xf32>, vector<1280x128xf32> -> vector<1280x128xf32>
    %get3A_33 = arith.constant 0 : index
    %get3A_34 = arith.constant 0 : index
    %get3A_35 = vector.load %arg9[%get3A_33, %get3A_34] : memref<64x128xf32, #tpu.memory_space<vmem>>, vector<64x128xf32>
    %dot_general3A_36 = arith.constant dense<0.000000e+00> : vector<1280x128xf32>
    %dot_general3A_37 = tpu.matmul %mul3A, %get3A_35, %dot_general3A_36 {dimension_numbers = #tpu.dot_dimension_numbers<[1], [0], [0], [1], [0, 0, 1, 1], [], []>, transpose_lhs_hint = false} : vector<1280x64xf32>, vector<64x128xf32>, vector<1280x128xf32> -> vector<1280x128xf32>
    %get3A_38 = arith.constant 0 : index
    %get3A_39 = arith.constant 0 : index
    %get3A_40 = vector.load %arg3[%get3A_38, %get3A_39] : memref<1280x128xf32, #tpu.memory_space<vmem>>, vector<1280x128xf32>
    %mul3A_41 = arith.mulf %get3A_40, %dot_general3A_32 : vector<1280x128xf32>
    %get3A_42 = arith.constant 0 : index
    %get3A_43 = arith.constant 0 : index
    %get3A_44 = vector.load %arg4[%get3A_42, %get3A_43] : memref<1280x128xf32, #tpu.memory_space<vmem>>, vector<1280x128xf32>
    %mul3A_45 = arith.mulf %mul3A_41, %get3A_44 : vector<1280x128xf32>
    %reduce_sum3A = arith.constant dense<0.000000e+00> : vector<1280xf32>
    %reduce_sum3A_46 = vector.multi_reduction <add>, %mul3A_45, %reduce_sum3A [1] : vector<1280x128xf32> to vector<1280xf32>
    %broadcast_in_dim3A = vector.shape_cast %reduce_sum3A_46 : vector<1280xf32> to vector<1280x1xf32>
    %mul3A_47 = arith.mulf %get3A_40, %dot_general3A_37 : vector<1280x128xf32>
    %mul3A_48 = arith.constant 1280 : i32
    %mul3A_49 = arith.muli %arg0, %mul3A_48 : i32
    %add3A_50 = arith.constant 81920 : i32
    %add3A_51 = arith.addi %add3A_50, %mul3A_49 : i32
    %iota3A = tpu.iota {dimensions = array<i32: 0>} : vector<1280x1xi32>
    %add3A_52 = vector.broadcast %add3A_51 : i32 to vector<1280x1xi32>
    %add3A_53 = arith.addi %add3A_52, %iota3A : vector<1280x1xi32>
    %lt3A = arith.constant 160000 : i32
    %lt3A_54 = vector.broadcast %lt3A : i32 to vector<1280x1xi32>
    %lt3A_55 = arith.cmpi slt, %add3A_53, %lt3A_54 : vector<1280x1xi32>
    %mul3A_56 = arith.constant 5.000000e-01 : f32
    %mul3A_57 = vector.broadcast %mul3A_56 : f32 to vector<1280x1xf32>
    %mul3A_58 = arith.mulf %mul3A_57, %broadcast_in_dim3A : vector<1280x1xf32>
    %add3A_59 = arith.constant -0.0500000082 : f32
    %add3A_60 = vector.broadcast %add3A_59 : f32 to vector<1280x1xf32>
    %add3A_61 = arith.addf %mul3A_58, %add3A_60 : vector<1280x1xf32>
    %exp3A_62 = math.exp %add3A_61 : vector<1280x1xf32>
    %jit3A = arith.constant 0.000000e+00 : f32
    %broadcast_in_dim3A_63 = vector.broadcast %jit3A : f32 to vector<1280x1xf32>
    %select_n3A_64 = arith.select %lt3A_55, %exp3A_62, %broadcast_in_dim3A_63 : vector<1280x1xi1>, vector<1280x1xf32>
    %mul3A_65 = vector.broadcast %select_n3A_64 : vector<1280x1xf32> to vector<1280x128xf32>
    %mul3A_66 = arith.mulf %mul3A_65, %mul3A_47 : vector<1280x128xf32>
    %swap3A = arith.constant 0 : index
    %swap3A_67 = arith.constant 0 : index
    %swap3A_68 = vector.load %arg10[%swap3A, %swap3A_67] : memref<1280x128xf32, #tpu.memory_space<vmem>>, vector<1280x128xf32>
    tpu.vector_store %arg10[%swap3A, %swap3A_67], %mul3A_66 {strides = array<i32>} : memref<1280x128xf32, #tpu.memory_space<vmem>>, vector<1280x128xf32>,
    %mul3A_69 = arith.mulf %select_n3A_64, %select_n3A_64 : vector<1280x1xf32>
    %transpose3A = tpu.transpose %mul3A_69, [1, 0] : vector<1280x1xf32> -> vector<1x1280xf32>
    %swap3A_70 = arith.constant 0 : index
    %swap3A_71 = arith.constant 0 : index
    %swap3A_72 = vector.load %arg11[%swap3A_70, %swap3A_71] : memref<1x1280xf32, #tpu.memory_space<vmem>>, vector<1x1280xf32>
    tpu.vector_store %arg11[%swap3A_70, %swap3A_71], %transpose3A {strides = array<i32>} : memref<1x1280xf32, #tpu.memory_space<vmem>>, vector<1x1280xf32>,
    return
  }
  func.func @transform_0(%arg0: i32) -> (i32, i32) {
    %add3A = arith.constant 64 : i32
    %add3A_0 = arith.addi %arg0, %add3A : i32
    %min3A = arith.constant 124 : i32
    %min3A_1 = arith.minsi %add3A_0, %min3A : i32
    %c0_i32 = arith.constant 0 : i32
    %c0_i32_2 = arith.constant 0 : i32
    return %min3A_1, %c0_i32 : i32, i32
  }
  func.func @transform_1(%arg0: i32) -> (i32, i32) {
    %add3A = arith.constant 64 : i32
    %add3A_0 = arith.addi %arg0, %add3A : i32
    %min3A = arith.constant 124 : i32
    %min3A_1 = arith.minsi %add3A_0, %min3A : i32
    %c0_i32 = arith.constant 0 : i32
    %c0_i32_2 = arith.constant 0 : i32
    return %min3A_1, %c0_i32 : i32, i32
  }
  func.func @transform_2(%arg0: i32) -> (i32, i32) {
    %c0_i32 = arith.constant 0 : i32
    %c0_i32_0 = arith.constant 0 : i32
    return %arg0, %c0_i32 : i32, i32
  }
  func.func @transform_3(%arg0: i32) -> (i32, i32) {
    %c0_i32 = arith.constant 0 : i32
    %c0_i32_0 = arith.constant 0 : i32
    return %arg0, %c0_i32 : i32, i32
  }
  func.func @transform_4(%arg0: i32) -> (i32, i32) {
    %c0_i32 = arith.constant 0 : i32
    %c0_i32_0 = arith.constant 0 : i32
    %c0_i32_1 = arith.constant 0 : i32
    return %c0_i32, %c0_i32_0 : i32, i32
  }
  func.func @transform_5(%arg0: i32) -> (i32, i32) {
    %c0_i32 = arith.constant 0 : i32
    %c0_i32_0 = arith.constant 0 : i32
    %c0_i32_1 = arith.constant 0 : i32
    return %c0_i32, %c0_i32_0 : i32, i32
  }
  func.func @transform_6(%arg0: i32) -> (i32, i32) {
    %c0_i32 = arith.constant 0 : i32
    %c0_i32_0 = arith.constant 0 : i32
    %c0_i32_1 = arith.constant 0 : i32
    return %c0_i32, %c0_i32_0 : i32, i32
  }
  func.func @transform_7(%arg0: i32) -> (i32, i32) {
    %c0_i32 = arith.constant 0 : i32
    %c0_i32_0 = arith.constant 0 : i32
    %c0_i32_1 = arith.constant 0 : i32
    return %c0_i32, %c0_i32_0 : i32, i32
  }
  func.func @transform_8(%arg0: i32) -> (i32, i32) {
    %c0_i32 = arith.constant 0 : i32
    %c0_i32_0 = arith.constant 0 : i32
    %c0_i32_1 = arith.constant 0 : i32
    return %c0_i32, %c0_i32_0 : i32, i32
  }
  func.func @transform_9(%arg0: i32) -> (i32, i32) {
    %c0_i32 = arith.constant 0 : i32
    %c0_i32_0 = arith.constant 0 : i32
    return %arg0, %c0_i32 : i32, i32
  }
  func.func @transform_10(%arg0: i32) -> (i32, i32) {
    %c0_i32 = arith.constant 0 : i32
    %c0_i32_0 = arith.constant 0 : i32
    return %c0_i32, %arg0 : i32, i32
  }
}

module attributes {stable_mosaic.version = 14 : i64} {
  func.func @_sconn_body(%arg0: i32, %arg1: memref<1000x128xf32, #tpu.memory_space<vmem>>, %arg2: memref<1000x16xf32, #tpu.memory_space<vmem>>, %arg3: memref<128x16x128xf32, #tpu.memory_space<vmem>>, %arg4: memref<1000x128xf32, #tpu.memory_space<vmem>>) attributes {dimension_semantics = [#tpu.dimension_semantics<arbitrary>], iteration_bounds = array<i64: 10>, scalar_prefetch = 0 : i64, scratch_operands = 0 : i64, tpu.core_type = #tpu.core_type<tc>, window_params = [{transform_indices = @transform_0, window_bounds = array<i64: 1000, 128>}, {transform_indices = @transform_1, window_bounds = array<i64: 1000, 16>}, {pipeline_mode = #tpu.pipeline_mode<synchronous>, transform_indices = @transform_2, window_bounds = array<i64: 128, 16, 128>}, {transform_indices = @transform_3, window_bounds = array<i64: 1000, 128>}]} {
    %get3A = arith.constant 0 : index
    %get3A_0 = arith.constant 0 : index
    %get3A_1 = vector.load %arg1[%get3A, %get3A_0] : memref<1000x128xf32, #tpu.memory_space<vmem>>, vector<1000x128xf32>
    %get3A_2 = arith.constant 0 : index
    %get3A_3 = arith.constant 0 : index
    %get3A_4 = vector.load %arg2[%get3A_2, %get3A_3] : memref<1000x16xf32, #tpu.memory_space<vmem>>, vector<1000x16xf32>
    %broadcast_in_dim3A = arith.constant 0.000000e+00 : f32
    %broadcast_in_dim3A_5 = vector.broadcast %broadcast_in_dim3A : f32 to vector<1000x128xf32>
    %slice3A = vector.extract_strided_slice %get3A_4 {offsets = [0, 0], sizes = [1000, 1], strides = [1, 1]} : vector<1000x16xf32> to vector<1000x1xf32>
    %mul3A = vector.broadcast %slice3A : vector<1000x1xf32> to vector<1000x128xf32>
    %mul3A_6 = arith.mulf %mul3A, %get3A_1 : vector<1000x128xf32>
    %get3A_7 = arith.constant 0 : index
    %get3A_8 = arith.constant 0 : index
    %get3A_9 = arith.constant 0 : index
    %get3A_10 = vector.load %arg3[%get3A_7, %get3A_8, %get3A_9] : memref<128x16x128xf32, #tpu.memory_space<vmem>>, vector<128x1x128xf32>
    %get3A_11 = vector.shape_cast %get3A_10 : vector<128x1x128xf32> to vector<128x128xf32>
    %dot_general3A = arith.constant dense<0.000000e+00> : vector<1000x128xf32>
    %dot_general3A_12 = tpu.matmul %mul3A_6, %get3A_11, %dot_general3A {dimension_numbers = #tpu.dot_dimension_numbers<[1], [0], [0], [1], [0, 0, 1, 1], [], []>, transpose_lhs_hint = false} : vector<1000x128xf32>, vector<128x128xf32>, vector<1000x128xf32> -> vector<1000x128xf32>
    %add3A = arith.addf %broadcast_in_dim3A_5, %dot_general3A_12 : vector<1000x128xf32>
    %slice3A_13 = vector.extract_strided_slice %get3A_4 {offsets = [0, 1], sizes = [1000, 1], strides = [1, 1]} : vector<1000x16xf32> to vector<1000x1xf32>
    %mul3A_14 = vector.broadcast %slice3A_13 : vector<1000x1xf32> to vector<1000x128xf32>
    %mul3A_15 = arith.mulf %mul3A_14, %get3A_1 : vector<1000x128xf32>
    %get3A_16 = arith.constant 0 : index
    %get3A_17 = arith.constant 1 : index
    %get3A_18 = arith.constant 0 : index
    %get3A_19 = vector.load %arg3[%get3A_16, %get3A_17, %get3A_18] : memref<128x16x128xf32, #tpu.memory_space<vmem>>, vector<128x1x128xf32>
    %get3A_20 = vector.shape_cast %get3A_19 : vector<128x1x128xf32> to vector<128x128xf32>
    %dot_general3A_21 = arith.constant dense<0.000000e+00> : vector<1000x128xf32>
    %dot_general3A_22 = tpu.matmul %mul3A_15, %get3A_20, %dot_general3A_21 {dimension_numbers = #tpu.dot_dimension_numbers<[1], [0], [0], [1], [0, 0, 1, 1], [], []>, transpose_lhs_hint = false} : vector<1000x128xf32>, vector<128x128xf32>, vector<1000x128xf32> -> vector<1000x128xf32>
    %add3A_23 = arith.addf %add3A, %dot_general3A_22 : vector<1000x128xf32>
    %slice3A_24 = vector.extract_strided_slice %get3A_4 {offsets = [0, 2], sizes = [1000, 1], strides = [1, 1]} : vector<1000x16xf32> to vector<1000x1xf32>
    %mul3A_25 = vector.broadcast %slice3A_24 : vector<1000x1xf32> to vector<1000x128xf32>
    %mul3A_26 = arith.mulf %mul3A_25, %get3A_1 : vector<1000x128xf32>
    %get3A_27 = arith.constant 0 : index
    %get3A_28 = arith.constant 2 : index
    %get3A_29 = arith.constant 0 : index
    %get3A_30 = vector.load %arg3[%get3A_27, %get3A_28, %get3A_29] : memref<128x16x128xf32, #tpu.memory_space<vmem>>, vector<128x1x128xf32>
    %get3A_31 = vector.shape_cast %get3A_30 : vector<128x1x128xf32> to vector<128x128xf32>
    %dot_general3A_32 = arith.constant dense<0.000000e+00> : vector<1000x128xf32>
    %dot_general3A_33 = tpu.matmul %mul3A_26, %get3A_31, %dot_general3A_32 {dimension_numbers = #tpu.dot_dimension_numbers<[1], [0], [0], [1], [0, 0, 1, 1], [], []>, transpose_lhs_hint = false} : vector<1000x128xf32>, vector<128x128xf32>, vector<1000x128xf32> -> vector<1000x128xf32>
    %add3A_34 = arith.addf %add3A_23, %dot_general3A_33 : vector<1000x128xf32>
    %slice3A_35 = vector.extract_strided_slice %get3A_4 {offsets = [0, 3], sizes = [1000, 1], strides = [1, 1]} : vector<1000x16xf32> to vector<1000x1xf32>
    %mul3A_36 = vector.broadcast %slice3A_35 : vector<1000x1xf32> to vector<1000x128xf32>
    %mul3A_37 = arith.mulf %mul3A_36, %get3A_1 : vector<1000x128xf32>
    %get3A_38 = arith.constant 0 : index
    %get3A_39 = arith.constant 3 : index
    %get3A_40 = arith.constant 0 : index
    %get3A_41 = vector.load %arg3[%get3A_38, %get3A_39, %get3A_40] : memref<128x16x128xf32, #tpu.memory_space<vmem>>, vector<128x1x128xf32>
    %get3A_42 = vector.shape_cast %get3A_41 : vector<128x1x128xf32> to vector<128x128xf32>
    %dot_general3A_43 = arith.constant dense<0.000000e+00> : vector<1000x128xf32>
    %dot_general3A_44 = tpu.matmul %mul3A_37, %get3A_42, %dot_general3A_43 {dimension_numbers = #tpu.dot_dimension_numbers<[1], [0], [0], [1], [0, 0, 1, 1], [], []>, transpose_lhs_hint = false} : vector<1000x128xf32>, vector<128x128xf32>, vector<1000x128xf32> -> vector<1000x128xf32>
    %add3A_45 = arith.addf %add3A_34, %dot_general3A_44 : vector<1000x128xf32>
    %slice3A_46 = vector.extract_strided_slice %get3A_4 {offsets = [0, 4], sizes = [1000, 1], strides = [1, 1]} : vector<1000x16xf32> to vector<1000x1xf32>
    %mul3A_47 = vector.broadcast %slice3A_46 : vector<1000x1xf32> to vector<1000x128xf32>
    %mul3A_48 = arith.mulf %mul3A_47, %get3A_1 : vector<1000x128xf32>
    %get3A_49 = arith.constant 0 : index
    %get3A_50 = arith.constant 4 : index
    %get3A_51 = arith.constant 0 : index
    %get3A_52 = vector.load %arg3[%get3A_49, %get3A_50, %get3A_51] : memref<128x16x128xf32, #tpu.memory_space<vmem>>, vector<128x1x128xf32>
    %get3A_53 = vector.shape_cast %get3A_52 : vector<128x1x128xf32> to vector<128x128xf32>
    %dot_general3A_54 = arith.constant dense<0.000000e+00> : vector<1000x128xf32>
    %dot_general3A_55 = tpu.matmul %mul3A_48, %get3A_53, %dot_general3A_54 {dimension_numbers = #tpu.dot_dimension_numbers<[1], [0], [0], [1], [0, 0, 1, 1], [], []>, transpose_lhs_hint = false} : vector<1000x128xf32>, vector<128x128xf32>, vector<1000x128xf32> -> vector<1000x128xf32>
    %add3A_56 = arith.addf %add3A_45, %dot_general3A_55 : vector<1000x128xf32>
    %slice3A_57 = vector.extract_strided_slice %get3A_4 {offsets = [0, 5], sizes = [1000, 1], strides = [1, 1]} : vector<1000x16xf32> to vector<1000x1xf32>
    %mul3A_58 = vector.broadcast %slice3A_57 : vector<1000x1xf32> to vector<1000x128xf32>
    %mul3A_59 = arith.mulf %mul3A_58, %get3A_1 : vector<1000x128xf32>
    %get3A_60 = arith.constant 0 : index
    %get3A_61 = arith.constant 5 : index
    %get3A_62 = arith.constant 0 : index
    %get3A_63 = vector.load %arg3[%get3A_60, %get3A_61, %get3A_62] : memref<128x16x128xf32, #tpu.memory_space<vmem>>, vector<128x1x128xf32>
    %get3A_64 = vector.shape_cast %get3A_63 : vector<128x1x128xf32> to vector<128x128xf32>
    %dot_general3A_65 = arith.constant dense<0.000000e+00> : vector<1000x128xf32>
    %dot_general3A_66 = tpu.matmul %mul3A_59, %get3A_64, %dot_general3A_65 {dimension_numbers = #tpu.dot_dimension_numbers<[1], [0], [0], [1], [0, 0, 1, 1], [], []>, transpose_lhs_hint = false} : vector<1000x128xf32>, vector<128x128xf32>, vector<1000x128xf32> -> vector<1000x128xf32>
    %add3A_67 = arith.addf %add3A_56, %dot_general3A_66 : vector<1000x128xf32>
    %slice3A_68 = vector.extract_strided_slice %get3A_4 {offsets = [0, 6], sizes = [1000, 1], strides = [1, 1]} : vector<1000x16xf32> to vector<1000x1xf32>
    %mul3A_69 = vector.broadcast %slice3A_68 : vector<1000x1xf32> to vector<1000x128xf32>
    %mul3A_70 = arith.mulf %mul3A_69, %get3A_1 : vector<1000x128xf32>
    %get3A_71 = arith.constant 0 : index
    %get3A_72 = arith.constant 6 : index
    %get3A_73 = arith.constant 0 : index
    %get3A_74 = vector.load %arg3[%get3A_71, %get3A_72, %get3A_73] : memref<128x16x128xf32, #tpu.memory_space<vmem>>, vector<128x1x128xf32>
    %get3A_75 = vector.shape_cast %get3A_74 : vector<128x1x128xf32> to vector<128x128xf32>
    %dot_general3A_76 = arith.constant dense<0.000000e+00> : vector<1000x128xf32>
    %dot_general3A_77 = tpu.matmul %mul3A_70, %get3A_75, %dot_general3A_76 {dimension_numbers = #tpu.dot_dimension_numbers<[1], [0], [0], [1], [0, 0, 1, 1], [], []>, transpose_lhs_hint = false} : vector<1000x128xf32>, vector<128x128xf32>, vector<1000x128xf32> -> vector<1000x128xf32>
    %add3A_78 = arith.addf %add3A_67, %dot_general3A_77 : vector<1000x128xf32>
    %slice3A_79 = vector.extract_strided_slice %get3A_4 {offsets = [0, 7], sizes = [1000, 1], strides = [1, 1]} : vector<1000x16xf32> to vector<1000x1xf32>
    %mul3A_80 = vector.broadcast %slice3A_79 : vector<1000x1xf32> to vector<1000x128xf32>
    %mul3A_81 = arith.mulf %mul3A_80, %get3A_1 : vector<1000x128xf32>
    %get3A_82 = arith.constant 0 : index
    %get3A_83 = arith.constant 7 : index
    %get3A_84 = arith.constant 0 : index
    %get3A_85 = vector.load %arg3[%get3A_82, %get3A_83, %get3A_84] : memref<128x16x128xf32, #tpu.memory_space<vmem>>, vector<128x1x128xf32>
    %get3A_86 = vector.shape_cast %get3A_85 : vector<128x1x128xf32> to vector<128x128xf32>
    %dot_general3A_87 = arith.constant dense<0.000000e+00> : vector<1000x128xf32>
    %dot_general3A_88 = tpu.matmul %mul3A_81, %get3A_86, %dot_general3A_87 {dimension_numbers = #tpu.dot_dimension_numbers<[1], [0], [0], [1], [0, 0, 1, 1], [], []>, transpose_lhs_hint = false} : vector<1000x128xf32>, vector<128x128xf32>, vector<1000x128xf32> -> vector<1000x128xf32>
    %add3A_89 = arith.addf %add3A_78, %dot_general3A_88 : vector<1000x128xf32>
    %slice3A_90 = vector.extract_strided_slice %get3A_4 {offsets = [0, 8], sizes = [1000, 1], strides = [1, 1]} : vector<1000x16xf32> to vector<1000x1xf32>
    %mul3A_91 = vector.broadcast %slice3A_90 : vector<1000x1xf32> to vector<1000x128xf32>
    %mul3A_92 = arith.mulf %mul3A_91, %get3A_1 : vector<1000x128xf32>
    %get3A_93 = arith.constant 0 : index
    %get3A_94 = arith.constant 8 : index
    %get3A_95 = arith.constant 0 : index
    %get3A_96 = vector.load %arg3[%get3A_93, %get3A_94, %get3A_95] : memref<128x16x128xf32, #tpu.memory_space<vmem>>, vector<128x1x128xf32>
    %get3A_97 = vector.shape_cast %get3A_96 : vector<128x1x128xf32> to vector<128x128xf32>
    %dot_general3A_98 = arith.constant dense<0.000000e+00> : vector<1000x128xf32>
    %dot_general3A_99 = tpu.matmul %mul3A_92, %get3A_97, %dot_general3A_98 {dimension_numbers = #tpu.dot_dimension_numbers<[1], [0], [0], [1], [0, 0, 1, 1], [], []>, transpose_lhs_hint = false} : vector<1000x128xf32>, vector<128x128xf32>, vector<1000x128xf32> -> vector<1000x128xf32>
    %add3A_100 = arith.addf %add3A_89, %dot_general3A_99 : vector<1000x128xf32>
    %slice3A_101 = vector.extract_strided_slice %get3A_4 {offsets = [0, 9], sizes = [1000, 1], strides = [1, 1]} : vector<1000x16xf32> to vector<1000x1xf32>
    %mul3A_102 = vector.broadcast %slice3A_101 : vector<1000x1xf32> to vector<1000x128xf32>
    %mul3A_103 = arith.mulf %mul3A_102, %get3A_1 : vector<1000x128xf32>
    %get3A_104 = arith.constant 0 : index
    %get3A_105 = arith.constant 9 : index
    %get3A_106 = arith.constant 0 : index
    %get3A_107 = vector.load %arg3[%get3A_104, %get3A_105, %get3A_106] : memref<128x16x128xf32, #tpu.memory_space<vmem>>, vector<128x1x128xf32>
    %get3A_108 = vector.shape_cast %get3A_107 : vector<128x1x128xf32> to vector<128x128xf32>
    %dot_general3A_109 = arith.constant dense<0.000000e+00> : vector<1000x128xf32>
    %dot_general3A_110 = tpu.matmul %mul3A_103, %get3A_108, %dot_general3A_109 {dimension_numbers = #tpu.dot_dimension_numbers<[1], [0], [0], [1], [0, 0, 1, 1], [], []>, transpose_lhs_hint = false} : vector<1000x128xf32>, vector<128x128xf32>, vector<1000x128xf32> -> vector<1000x128xf32>
    %add3A_111 = arith.addf %add3A_100, %dot_general3A_110 : vector<1000x128xf32>
    %slice3A_112 = vector.extract_strided_slice %get3A_4 {offsets = [0, 10], sizes = [1000, 1], strides = [1, 1]} : vector<1000x16xf32> to vector<1000x1xf32>
    %mul3A_113 = vector.broadcast %slice3A_112 : vector<1000x1xf32> to vector<1000x128xf32>
    %mul3A_114 = arith.mulf %mul3A_113, %get3A_1 : vector<1000x128xf32>
    %get3A_115 = arith.constant 0 : index
    %get3A_116 = arith.constant 10 : index
    %get3A_117 = arith.constant 0 : index
    %get3A_118 = vector.load %arg3[%get3A_115, %get3A_116, %get3A_117] : memref<128x16x128xf32, #tpu.memory_space<vmem>>, vector<128x1x128xf32>
    %get3A_119 = vector.shape_cast %get3A_118 : vector<128x1x128xf32> to vector<128x128xf32>
    %dot_general3A_120 = arith.constant dense<0.000000e+00> : vector<1000x128xf32>
    %dot_general3A_121 = tpu.matmul %mul3A_114, %get3A_119, %dot_general3A_120 {dimension_numbers = #tpu.dot_dimension_numbers<[1], [0], [0], [1], [0, 0, 1, 1], [], []>, transpose_lhs_hint = false} : vector<1000x128xf32>, vector<128x128xf32>, vector<1000x128xf32> -> vector<1000x128xf32>
    %add3A_122 = arith.addf %add3A_111, %dot_general3A_121 : vector<1000x128xf32>
    %slice3A_123 = vector.extract_strided_slice %get3A_4 {offsets = [0, 11], sizes = [1000, 1], strides = [1, 1]} : vector<1000x16xf32> to vector<1000x1xf32>
    %mul3A_124 = vector.broadcast %slice3A_123 : vector<1000x1xf32> to vector<1000x128xf32>
    %mul3A_125 = arith.mulf %mul3A_124, %get3A_1 : vector<1000x128xf32>
    %get3A_126 = arith.constant 0 : index
    %get3A_127 = arith.constant 11 : index
    %get3A_128 = arith.constant 0 : index
    %get3A_129 = vector.load %arg3[%get3A_126, %get3A_127, %get3A_128] : memref<128x16x128xf32, #tpu.memory_space<vmem>>, vector<128x1x128xf32>
    %get3A_130 = vector.shape_cast %get3A_129 : vector<128x1x128xf32> to vector<128x128xf32>
    %dot_general3A_131 = arith.constant dense<0.000000e+00> : vector<1000x128xf32>
    %dot_general3A_132 = tpu.matmul %mul3A_125, %get3A_130, %dot_general3A_131 {dimension_numbers = #tpu.dot_dimension_numbers<[1], [0], [0], [1], [0, 0, 1, 1], [], []>, transpose_lhs_hint = false} : vector<1000x128xf32>, vector<128x128xf32>, vector<1000x128xf32> -> vector<1000x128xf32>
    %add3A_133 = arith.addf %add3A_122, %dot_general3A_132 : vector<1000x128xf32>
    %slice3A_134 = vector.extract_strided_slice %get3A_4 {offsets = [0, 12], sizes = [1000, 1], strides = [1, 1]} : vector<1000x16xf32> to vector<1000x1xf32>
    %mul3A_135 = vector.broadcast %slice3A_134 : vector<1000x1xf32> to vector<1000x128xf32>
    %mul3A_136 = arith.mulf %mul3A_135, %get3A_1 : vector<1000x128xf32>
    %get3A_137 = arith.constant 0 : index
    %get3A_138 = arith.constant 12 : index
    %get3A_139 = arith.constant 0 : index
    %get3A_140 = vector.load %arg3[%get3A_137, %get3A_138, %get3A_139] : memref<128x16x128xf32, #tpu.memory_space<vmem>>, vector<128x1x128xf32>
    %get3A_141 = vector.shape_cast %get3A_140 : vector<128x1x128xf32> to vector<128x128xf32>
    %dot_general3A_142 = arith.constant dense<0.000000e+00> : vector<1000x128xf32>
    %dot_general3A_143 = tpu.matmul %mul3A_136, %get3A_141, %dot_general3A_142 {dimension_numbers = #tpu.dot_dimension_numbers<[1], [0], [0], [1], [0, 0, 1, 1], [], []>, transpose_lhs_hint = false} : vector<1000x128xf32>, vector<128x128xf32>, vector<1000x128xf32> -> vector<1000x128xf32>
    %add3A_144 = arith.addf %add3A_133, %dot_general3A_143 : vector<1000x128xf32>
    %slice3A_145 = vector.extract_strided_slice %get3A_4 {offsets = [0, 13], sizes = [1000, 1], strides = [1, 1]} : vector<1000x16xf32> to vector<1000x1xf32>
    %mul3A_146 = vector.broadcast %slice3A_145 : vector<1000x1xf32> to vector<1000x128xf32>
    %mul3A_147 = arith.mulf %mul3A_146, %get3A_1 : vector<1000x128xf32>
    %get3A_148 = arith.constant 0 : index
    %get3A_149 = arith.constant 13 : index
    %get3A_150 = arith.constant 0 : index
    %get3A_151 = vector.load %arg3[%get3A_148, %get3A_149, %get3A_150] : memref<128x16x128xf32, #tpu.memory_space<vmem>>, vector<128x1x128xf32>
    %get3A_152 = vector.shape_cast %get3A_151 : vector<128x1x128xf32> to vector<128x128xf32>
    %dot_general3A_153 = arith.constant dense<0.000000e+00> : vector<1000x128xf32>
    %dot_general3A_154 = tpu.matmul %mul3A_147, %get3A_152, %dot_general3A_153 {dimension_numbers = #tpu.dot_dimension_numbers<[1], [0], [0], [1], [0, 0, 1, 1], [], []>, transpose_lhs_hint = false} : vector<1000x128xf32>, vector<128x128xf32>, vector<1000x128xf32> -> vector<1000x128xf32>
    %add3A_155 = arith.addf %add3A_144, %dot_general3A_154 : vector<1000x128xf32>
    %slice3A_156 = vector.extract_strided_slice %get3A_4 {offsets = [0, 14], sizes = [1000, 1], strides = [1, 1]} : vector<1000x16xf32> to vector<1000x1xf32>
    %mul3A_157 = vector.broadcast %slice3A_156 : vector<1000x1xf32> to vector<1000x128xf32>
    %mul3A_158 = arith.mulf %mul3A_157, %get3A_1 : vector<1000x128xf32>
    %get3A_159 = arith.constant 0 : index
    %get3A_160 = arith.constant 14 : index
    %get3A_161 = arith.constant 0 : index
    %get3A_162 = vector.load %arg3[%get3A_159, %get3A_160, %get3A_161] : memref<128x16x128xf32, #tpu.memory_space<vmem>>, vector<128x1x128xf32>
    %get3A_163 = vector.shape_cast %get3A_162 : vector<128x1x128xf32> to vector<128x128xf32>
    %dot_general3A_164 = arith.constant dense<0.000000e+00> : vector<1000x128xf32>
    %dot_general3A_165 = tpu.matmul %mul3A_158, %get3A_163, %dot_general3A_164 {dimension_numbers = #tpu.dot_dimension_numbers<[1], [0], [0], [1], [0, 0, 1, 1], [], []>, transpose_lhs_hint = false} : vector<1000x128xf32>, vector<128x128xf32>, vector<1000x128xf32> -> vector<1000x128xf32>
    %add3A_166 = arith.addf %add3A_155, %dot_general3A_165 : vector<1000x128xf32>
    %slice3A_167 = vector.extract_strided_slice %get3A_4 {offsets = [0, 15], sizes = [1000, 1], strides = [1, 1]} : vector<1000x16xf32> to vector<1000x1xf32>
    %mul3A_168 = vector.broadcast %slice3A_167 : vector<1000x1xf32> to vector<1000x128xf32>
    %mul3A_169 = arith.mulf %mul3A_168, %get3A_1 : vector<1000x128xf32>
    %get3A_170 = arith.constant 0 : index
    %get3A_171 = arith.constant 15 : index
    %get3A_172 = arith.constant 0 : index
    %get3A_173 = vector.load %arg3[%get3A_170, %get3A_171, %get3A_172] : memref<128x16x128xf32, #tpu.memory_space<vmem>>, vector<128x1x128xf32>
    %get3A_174 = vector.shape_cast %get3A_173 : vector<128x1x128xf32> to vector<128x128xf32>
    %dot_general3A_175 = arith.constant dense<0.000000e+00> : vector<1000x128xf32>
    %dot_general3A_176 = tpu.matmul %mul3A_169, %get3A_174, %dot_general3A_175 {dimension_numbers = #tpu.dot_dimension_numbers<[1], [0], [0], [1], [0, 0, 1, 1], [], []>, transpose_lhs_hint = false} : vector<1000x128xf32>, vector<128x128xf32>, vector<1000x128xf32> -> vector<1000x128xf32>
    %add3A_177 = arith.addf %add3A_166, %dot_general3A_176 : vector<1000x128xf32>
    %swap3A = arith.constant 0 : index
    %swap3A_178 = arith.constant 0 : index
    %swap3A_179 = vector.load %arg4[%swap3A, %swap3A_178] : memref<1000x128xf32, #tpu.memory_space<vmem>>, vector<1000x128xf32>
    tpu.vector_store %arg4[%swap3A, %swap3A_178], %add3A_177 {strides = array<i32>} : memref<1000x128xf32, #tpu.memory_space<vmem>>, vector<1000x128xf32>,
    return
  }
  func.func @transform_0(%arg0: i32) -> (i32, i32) {
    %c0_i32 = arith.constant 0 : i32
    %c0_i32_0 = arith.constant 0 : i32
    return %arg0, %c0_i32 : i32, i32
  }
  func.func @transform_1(%arg0: i32) -> (i32, i32) {
    %c0_i32 = arith.constant 0 : i32
    %c0_i32_0 = arith.constant 0 : i32
    return %arg0, %c0_i32 : i32, i32
  }
  func.func @transform_2(%arg0: i32) -> (i32, i32, i32) {
    %c0_i32 = arith.constant 0 : i32
    %c0_i32_0 = arith.constant 0 : i32
    %c0_i32_1 = arith.constant 0 : i32
    %c0_i32_2 = arith.constant 0 : i32
    return %c0_i32, %c0_i32_0, %c0_i32_1 : i32, i32, i32
  }
  func.func @transform_3(%arg0: i32) -> (i32, i32) {
    %c0_i32 = arith.constant 0 : i32
    %c0_i32_0 = arith.constant 0 : i32
    return %arg0, %c0_i32 : i32, i32
  }
}

module attributes {stable_mosaic.version = 14 : i64} {
  func.func @_post_body(%arg0: i32, %arg1: memref<1000x128xf32, #tpu.memory_space<vmem>>, %arg2: memref<1000x128xf32, #tpu.memory_space<vmem>>, %arg3: memref<1000x1xf32, #tpu.memory_space<vmem>>, %arg4: memref<1000x1xf32, #tpu.memory_space<vmem>>, %arg5: memref<1000x128xf32, #tpu.memory_space<vmem>>, %arg6: memref<128x128xf32, #tpu.memory_space<vmem>>, %arg7: memref<1000x128xf32, #tpu.memory_space<vmem>>) attributes {dimension_semantics = [#tpu.dimension_semantics<arbitrary>], iteration_bounds = array<i64: 10>, scalar_prefetch = 0 : i64, scratch_operands = 0 : i64, tpu.core_type = #tpu.core_type<tc>, window_params = [{transform_indices = @transform_0, window_bounds = array<i64: 1000, 128>}, {transform_indices = @transform_1, window_bounds = array<i64: 1000, 128>}, {transform_indices = @transform_2, window_bounds = array<i64: 1000, 1>}, {transform_indices = @transform_3, window_bounds = array<i64: 1000, 1>}, {transform_indices = @transform_4, window_bounds = array<i64: 1000, 128>}, {pipeline_mode = #tpu.pipeline_mode<synchronous>, transform_indices = @transform_5, window_bounds = array<i64: 128, 128>}, {transform_indices = @transform_6, window_bounds = array<i64: 1000, 128>}]} {
    %get3A = arith.constant 0 : index
    %get3A_0 = arith.constant 0 : index
    %get3A_1 = vector.load %arg1[%get3A, %get3A_0] : memref<1000x128xf32, #tpu.memory_space<vmem>>, vector<1000x128xf32>
    %get3A_2 = arith.constant 0 : index
    %get3A_3 = arith.constant 0 : index
    %get3A_4 = vector.load %arg2[%get3A_2, %get3A_3] : memref<1000x128xf32, #tpu.memory_space<vmem>>, vector<1000x128xf32>
    %add3A = arith.addf %get3A_1, %get3A_4 : vector<1000x128xf32>
    %get3A_5 = arith.constant 0 : index
    %get3A_6 = arith.constant 0 : index
    %get3A_7 = vector.load %arg6[%get3A_5, %get3A_6] : memref<128x128xf32, #tpu.memory_space<vmem>>, vector<128x128xf32>
    %dot_general3A = arith.constant dense<0.000000e+00> : vector<1000x128xf32>
    %dot_general3A_8 = tpu.matmul %add3A, %get3A_7, %dot_general3A {dimension_numbers = #tpu.dot_dimension_numbers<[1], [0], [0], [1], [0, 0, 1, 1], [], []>, transpose_lhs_hint = false} : vector<1000x128xf32>, vector<128x128xf32>, vector<1000x128xf32> -> vector<1000x128xf32>
    %get3A_9 = arith.constant 0 : index
    %get3A_10 = arith.constant 0 : index
    %get3A_11 = vector.load %arg3[%get3A_9, %get3A_10] : memref<1000x1xf32, #tpu.memory_space<vmem>>, vector<1000x1xf32>
    %get3A_12 = arith.constant 0 : index
    %get3A_13 = arith.constant 0 : index
    %get3A_14 = vector.load %arg4[%get3A_12, %get3A_13] : memref<1000x1xf32, #tpu.memory_space<vmem>>, vector<1000x1xf32>
    %add3A_15 = arith.addf %get3A_11, %get3A_14 : vector<1000x1xf32>
    %eq3A = arith.constant 0.000000e+00 : f32
    %eq3A_16 = vector.broadcast %eq3A : f32 to vector<1000x1xf32>
    %eq3A_17 = arith.cmpf oeq, %add3A_15, %eq3A_16 : vector<1000x1xf32>
    %jit3A = arith.constant 1.000000e+00 : f32
    %broadcast_in_dim3A = vector.broadcast %jit3A : f32 to vector<1000x1xf32>
    %select_n3A = arith.select %eq3A_17, %broadcast_in_dim3A, %add3A_15 : vector<1000x1xi1>, vector<1000x1xf32>
    %sqrt3A = math.sqrt %select_n3A : vector<1000x1xf32>
    %div3A = vector.broadcast %sqrt3A : vector<1000x1xf32> to vector<1000x128xf32>
    %div3A_18 = arith.divf %dot_general3A_8, %div3A : vector<1000x128xf32>
    %get3A_19 = arith.constant 0 : index
    %get3A_20 = arith.constant 0 : index
    %get3A_21 = vector.load %arg5[%get3A_19, %get3A_20] : memref<1000x128xf32, #tpu.memory_space<vmem>>, vector<1000x128xf32>
    %add3A_22 = arith.addf %div3A_18, %get3A_21 : vector<1000x128xf32>
    %swap3A = arith.constant 0 : index
    %swap3A_23 = arith.constant 0 : index
    %swap3A_24 = vector.load %arg7[%swap3A, %swap3A_23] : memref<1000x128xf32, #tpu.memory_space<vmem>>, vector<1000x128xf32>
    tpu.vector_store %arg7[%swap3A, %swap3A_23], %add3A_22 {strides = array<i32>} : memref<1000x128xf32, #tpu.memory_space<vmem>>, vector<1000x128xf32>,
    return
  }
  func.func @transform_0(%arg0: i32) -> (i32, i32) {
    %c0_i32 = arith.constant 0 : i32
    %c0_i32_0 = arith.constant 0 : i32
    return %arg0, %c0_i32 : i32, i32
  }
  func.func @transform_1(%arg0: i32) -> (i32, i32) {
    %c0_i32 = arith.constant 0 : i32
    %c0_i32_0 = arith.constant 0 : i32
    return %arg0, %c0_i32 : i32, i32
  }
  func.func @transform_2(%arg0: i32) -> (i32, i32) {
    %c0_i32 = arith.constant 0 : i32
    %c0_i32_0 = arith.constant 0 : i32
    return %arg0, %c0_i32 : i32, i32
  }
  func.func @transform_3(%arg0: i32) -> (i32, i32) {
    %c0_i32 = arith.constant 0 : i32
    %c0_i32_0 = arith.constant 0 : i32
    return %arg0, %c0_i32 : i32, i32
  }
  func.func @transform_4(%arg0: i32) -> (i32, i32) {
    %c0_i32 = arith.constant 0 : i32
    %c0_i32_0 = arith.constant 0 : i32
    return %arg0, %c0_i32 : i32, i32
  }
  func.func @transform_5(%arg0: i32) -> (i32, i32) {
    %c0_i32 = arith.constant 0 : i32
    %c0_i32_0 = arith.constant 0 : i32
    %c0_i32_1 = arith.constant 0 : i32
    return %c0_i32, %c0_i32_0 : i32, i32
  }
  func.func @transform_6(%arg0: i32) -> (i32, i32) {
    %c0_i32 = arith.constant 0 : i32
    %c0_i32_0 = arith.constant 0 : i32
    return %arg0, %c0_i32 : i32, i32
  }
}

</mosaic_0001>

<sc_bundles>
// kernel: kernel.11.cloned.1.call-start
scs
__scs_entry_jumppad:
0x0: {  	(pc) =	sbr.rel $0x88, $3  }
0x1: {  	(tag) =	ssettag $0x0;
	lr =	simm.s32 $0x1  }
0x2: {  	[smem:$0x3F93] =	sst lr;
	_ =	strace $0xD0000000  }
0x3: {  	_ = 	snop  }
0x4: {  	_ = 	snop  }
0x5: {  	_ = 	snop  }
0x6: {  	_ = 	snop  }
0x7: {  	_ = 	snop  }
__scs_overlays_trampoline_lowered:
0x8: {  	[smem:$0x3FA2] =	sst s0  }
0x9: {  	[smem:$0x3FA3] =	sst s1  }
0xa: {  	[smem:$0x3FA4] =	sst s2  }
0xb: {  	[smem:$0x3FA5] =	sst s3  }
0xc: {  	[smem:$0x3FA6] =	sst s4  }
0xd: {  	[smem:$0x3FA7] =	sst s5  }
0xe: {  	[smem:$0x3FA8] =	sst s6  }
0xf: {  	[smem:$0x3FA9] =	sst s7  }
0x10: {  	[smem:$0x3FAA] =	sst s8  }
0x11: {  	[smem:$0x3FAB] =	sst s9;
	s0 =	simm.s32 @!p0 $0x0  }
0x12: {  	s1 =	sld [smem:$0x3F91];
	s0 =	simm.s32 @p0 $0x1  }
0x13: {  	[smem:$0x3FAC] =	sst s0;
	s0 =	simm.s32 @!p1 $0x0  }
0x14: {  	s2 =	sld [smem:$0x3F90];
	s0 =	simm.s32 @p1 $0x1  }
0x15: {  	[smem:$0x3FAD] =	sst s0;
	s0 =	simm.s32 @!p2 $0x0  }
0x16: {  	s3 =	sld [smem:$0x3FDB];
	s0 =	simm.s32 @p2 $0x1  }
0x17: {  	s4 =	simm.s32 $0x1BF5;
	[smem:$0x3FAF] =	sst s0  }
0x18: {  	s0 =	sld [smem:$0x3F92];
	_ =	swait.ge [sflag:s4], $0x0  }
0x19: {  	s7 =	sld [smem:$0x3F93]  }
0x1a: {  	s8 =	sadd.s32 $0xFFFFE003, lr  }
0x1b: {  	s9 =	sadd.s32 $0xFFFFFEF7, lr;
	s5 =	simm.s32 $0xFFFFFFFF;
	p2 =	slt.u32 s8, $0xFFFFF086  }
0x1c: {  	p1 =	slt.u32 s9, $0xF7A;
	s5 =	simm.s32 @!p2 $0x0  }
0x1d: {  	s5 =	simm.s32 @p1 $0x1;
	p0 =	seq.s32 s7, s2  }
0x1e: {  	s7 =	smul.u32 @!p0 $0xF7A, s2;
	p2 =	seq.s32 @!p0 s5, $0x0  }
0x1f: {  	s9 =	smul.u32 $0xF7A, s1;
	s8 =	simm.s32 @!p0 $0x1BF5;
	p2 =	por !p2, p0  }
0x20: {  	[sflag:s8] =	ssyncset.s32 @!p0 $0xFFFFF086;
	s6 =	sadd.s32 @!p0 s3, s7;
	s7 =	simm.s32 @!p0 $0x108  }
0x21: {  	s3 =	sadd.s32 s3, s9;
	s6 =	sadd.s32 @!p0 $0x88, s6;
	s7 =	simm.s32 @p2 $0x1082  }
0x22: {  	[simem:s7], [sflag:s8] =	dma.local @!p0 [hbm:s6], $0xF7A  }
0x23: {  	s9 =	sor.u32 $0xD0000000, s2;
	s6 =	simm.s32 $0x108;
	_ =	swait.ge @!p0 [sflag:s8], $0x0  }
0x24: {  	s3 =	sadd.s32 $0x88, s3;
	s6 =	simm.s32 @!p1 $0x1082;
	[sflag:s4] =	ssyncset.s32 $0xFFFFF086  }
0x25: {  	[simem:s6], [sflag:s4] =	dma.local [hbm:s3], $0xF7A  }
0x26: {  	[smem:$0x3F93] =	sst s1;
	(tag) =	ssettag s2;
	_ =	strace s9  }
0x27: {  	s1 =	sld [smem:$0x3FA3]  }
0x28: {  	s2 =	sld [smem:$0x3FA4]  }
0x29: {  	s4 =	sld [smem:$0x3FA6]  }
0x2a: {  	p0 =	seq.s32 s5, $0x0;
	s5 =	sld [smem:$0x3FA7]  }
0x2b: {  	s6 =	sld [smem:$0x3FA8]  }
0x2c: {  	s7 =	sld [smem:$0x3FA9]  }
0x2d: {  	s3 =	simm.s32 $0x108;
	s8 =	sld [smem:$0x3FAA]  }
0x2e: {  	s3 =	simm.s32 @!p0 $0x1082;
	s9 =	sld [smem:$0x3FAB]  }
0x2f: {  	lr =	sadd.s32 s0, s3;
	s0 =	sld [smem:$0x3FA2]  }
0x30: {  	s3 =	sld [smem:$0x3FA5]  }
0x31: {  	[smem:$0x3FAE] =	sst s10  }
0x32: {  	s10 =	sld [smem:$0x3FAC];
	_ =	sdelay $0x3  }
0x33: {  	p0 =	seq.s32 s10, $0x1;
	s10 =	sld [smem:$0x3FAE];
	_ =	sdelay $0x3  }
0x34: {  	[smem:$0x3FAE] =	sst s10  }
0x35: {  	s10 =	sld [smem:$0x3FAD];
	_ =	sdelay $0x3  }
0x36: {  	p1 =	seq.s32 s10, $0x1;
	s10 =	sld [smem:$0x3FAE];
	_ =	sdelay $0x3  }
0x37: {  	[smem:$0x3FAE] =	sst s10  }
0x38: {  	s10 =	sld [smem:$0x3FAF]  }
0x39: {  	_ = 	snop;
	(pc) =	sbr.ind lr, $3  }
0x3a: {  	_ = 	snop  }
0x3b: {  	_ = 	snop  }
0x3c: {  	p2 =	seq.s32 s10, $0x1;
	s10 =	sld [smem:$0x3FAE]  }
0x3d: {  	_ =	shalt  }
0x3e: {  	_ =	shalt  }
0x3f: {  	_ =	shalt  }
0x40: {  	_ =	shalt  }
0x41: {  	_ =	shalt  }
0x42: {  	_ =	shalt  }
0x43: {  	_ =	shalt  }
0x44: {  	_ =	shalt  }
0x45: {  	_ =	shalt  }
0x46: {  	_ =	shalt  }
0x47: {  	_ =	shalt  }
0x48: {  	_ =	shalt  }
0x49: {  	_ =	shalt  }
0x4a: {  	_ =	shalt  }
0x4b: {  	_ =	shalt  }
0x4c: {  	_ =	shalt  }
0x4d: {  	_ =	shalt  }
0x4e: {  	_ =	shalt  }
0x4f: {  	_ =	shalt  }
0x50: {  	_ =	shalt  }
0x51: {  	_ =	shalt  }
0x52: {  	_ =	shalt  }
0x53: {  	_ =	shalt  }
0x54: {  	_ =	shalt  }
0x55: {  	_ =	shalt  }
0x56: {  	_ =	shalt  }
0x57: {  	_ =	shalt  }
0x58: {  	_ =	shalt  }
0x59: {  	_ =	shalt  }
0x5a: {  	_ =	shalt  }
0x5b: {  	_ =	shalt  }
0x5c: {  	_ =	shalt  }
0x5d: {  	_ =	shalt  }
0x5e: {  	_ =	shalt  }
0x5f: {  	_ =	shalt  }
0x60: {  	_ =	shalt  }
0x61: {  	_ =	shalt  }
0x62: {  	_ =	shalt  }
0x63: {  	_ =	shalt  }
0x64: {  	_ =	shalt  }
0x65: {  	_ =	shalt  }
0x66: {  	_ =	shalt  }
0x67: {  	_ =	shalt  }
0x68: {  	_ =	shalt  }
0x69: {  	_ =	shalt  }
0x6a: {  	_ =	shalt  }
0x6b: {  	_ =	shalt  }
0x6c: {  	_ =	shalt  }
0x6d: {  	_ =	shalt  }
0x6e: {  	_ =	shalt  }
0x6f: {  	_ =	shalt  }
0x70: {  	_ =	shalt  }
0x71: {  	_ =	shalt  }
0x72: {  	_ =	shalt  }
0x73: {  	_ =	shalt  }
0x74: {  	_ =	shalt  }
0x75: {  	_ =	shalt  }
0x76: {  	_ =	shalt  }
0x77: {  	_ =	shalt  }
0x78: {  	_ =	shalt  }
0x79: {  	_ =	shalt  }
0x7a: {  	_ =	shalt  }
0x7b: {  	_ =	shalt  }
0x7c: {  	_ =	shalt  }
0x7d: {  	_ =	shalt  }
0x7e: {  	_ =	shalt  }
0x7f: {  	_ =	shalt  }
0x80: {  	_ =	shalt  }
0x81: {  	_ =	shalt  }
0x82: {  	_ =	shalt  }
0x83: {  	_ =	shalt  }
0x84: {  	_ =	shalt  }
0x85: {  	_ =	shalt  }
0x86: {  	_ =	shalt  }
0x87: {  	_ =	shalt  }
.Lfunc_end0:
.L_simem_size_0:
called_computation_lowered:
.L_overlay_start_0:
0x88: {  	s2 =	sld [smem:$0x3FD9]  }
0x89: {  	s3 =	sld [smem:$0x3FFE];
	_ =	sdelay $0x1  }
0x8a: {  	s1 =	srdreg.scid  }
0x8b: {  	s0 =	sand.u32 $0x1, s1  }
0x8c: {  	s17 =	sshll.u32 s0, $0xA;
	s2 =	sadd.s32 s3, s2  }
0x8d: {  	s2 =	sadd.s32 s2, s17  }
0x8e: {  	[smem:$0x3FBA] =	sst s2  }
0x8f: {  	_ = 	snop  }
0x90: {  	s2 =	sld [smem:$0x3FC9]  }
0x91: {  	s18 =	sld [smem:$0x3FD0];
	(tm) =	ssettm $0x1  }
0x92: {  	s4 =	sld [smem:$0x3FFB];
	_ =	sdelay $0x3  }
0x93: {  	_ =	strace s4  }
0x94: {  	s4 =	sld [smem:$0x3FFC];
	_ =	sdelay $0x3  }
0x95: {  	_ =	strace s4  }
0x96: {  	s4 =	sld [smem:$0x3FFD];
	_ =	sdelay $0x3  }
0x97: {  	_ =	strace s4  }
0x98: {  	_ =	strace $0x8FFFFFFF  }
0x99: {  	s19 =	sld [smem:$0x3FDB];
	_ =	sdelay $0x1  }
0x9a: {  	s5 =	simm.s32 $_scs_section_size  }
0x9b: {  	s6 =	simm.s32 $_size__tile_overlayer_lowered;
	s7 =	simm.s32 $_tile_overlayer_lowered  }
0x9c: {  	s22 =	simm.s32 $0x1BFF;
	s21 =	sshll.u32 s7, $0x1;
	s4 =	sadd.s32 s5, s19  }
0x9d: {  	s8 =	simm.s32 $0x0;
	s20 =	sshll.u32 s6, $0x1;
	s6 =	sadd.s32 s21, s4  }
0x9e: {  	[timem:s8], [sflag:s22] =	dma.local [hbm:s6], s20  }
0x9f: {  	_ =	swait.ge [sflag:s22], s20  }
0xa0: {  	s5 =	ssub.s32 $0x0, s20;
	[sflag:s22] =	ssyncset.done $0x0  }
0xa1: {  	[sflag:s22] =	ssyncadd.s32 s5;
	_ =	sdelay $0x1  }
0xa2: {  	s23 =	simm.s32 $0x1B8B  }
0xa3: {  	_ =	swait.ge [sflag:s23], $0x1  }
0xa4: {  	[sflag:s23] =	ssyncset.done $0x0  }
0xa5: {  	s25 =	simm.s32 $0x1B8E;
	s24 =	sld [smem:$0x3FFE];
	[sflag:s23] =	ssyncadd.s32 $0xFFFFFFFF  }
0xa6: {  	s26 =	simm.s32 $execute0_lowered;
	[smem:$0x3FD2] =	sst s25  }
0xa7: {  	s6 =	sshll.u32 s26, $0x1;
	_ =	strace $0x80000046;
	[dreg:$0x1] =	wrdreg $0xFFFFFFFF  }
0xa8: {  	s28 =	simm.s32 $_size_execute0_lowered;
	s4 =	sadd.s32 s4, s6;
	[dreg:$0x0] =	wrdreg $0x0  }
0xa9: {  	s6 =	sshll.u32 s28, $0x1;
	[dreg:$0x2] =	wrdreg s4  }
0xaa: {  	[dreg:$0x3] =	wrdreg s6  }
0xab: {  	[dreg:$0x4] =	wrdreg $0xC0  }
0xac: {  	_ =	task [dreg:s8], $0x5FFFF  }
0xad: {  	[dreg:$0x1] =	wrdreg $0xFFFFFFFF  }
0xae: {  	[dreg:$0x0] =	wrdreg $0x60  }
0xaf: {  	[dreg:$0x2] =	wrdreg s2  }
0xb0: {  	[dreg:$0x3] =	wrdreg s18  }
0xb1: {  	[dreg:$0x4] =	wrdreg s24  }
0xb2: {  	[dreg:$0x5] =	wrdreg $0x94000  }
0xb3: {  	[dreg:$0x6] =	wrdreg $0xA  }
0xb4: {  	_ =	task.clear_ibuf [dreg:s8], $0x7FFFF;
	_ =	strace $0x90000046  }
0xb5: {  	s29 =	simm.s32 $0xA;
	_ =	strace $0x80000048  }
0xb6: {  	_ =	swait.ge [sflag:s29], $0x1  }
0xb7: {  	[sflag:s29] =	ssyncadd.s32 $0xFFFFFFFF  }
0xb8: {  	_ =	strace $0x90000048  }
0xb9: {  	_ =	sfence  }
0xba: {  	s30 =	sld [smem:$0x0];
	_ =	sdelay $0x2  }
0xbb: {  	s31 =	sshll.u32 s1, $0xD;
	s1 =	sshrl.u32 s1, $0x2  }
0xbc: {  	s3 =	sand.u32 $0x4000, s31;
	s1 =	sadd.s32 s1, s30  }
0xbd: {  	s0 =	sor.u32 s3, s0;
	s1 =	sshll.u32 s1, $0x11  }
0xbe: {  	s0 =	sor.u32 s1, s0  }
0xbf: {  	s0 =	sadd.s32 $0x8F2B, s0  }
0xc0: {  	[sflag:s0] =	ssyncadd.remote.s32 $0x1  }
0xc1: {  	_ =	sfence.sel $0xFFFF  }
0xc2: {  	[dreg:$0x0] =	wrdreg $0xFFFFFFFF;
	(pc) =	sbr.abs _section_cstart, $3  }
0xc3: {  	[dreg:$0x1] =	wrdreg $0xFFFFFFFF  }
0xc4: {  	_ =	task.clear_ibuf [dreg:s8], $0x2FFFF;
	_ =	strace $0x9FFFFFFF  }
0xc5: {  	(tm) =	ssettm $0x7FFFFFFF  }
tec
execute0_lowered:
.L_overlay_start_1:
0x0: {  	(tag) =	ssettag $0x1  }
0x1: {  	s0 =	rddreg [dreg:$0x0]  }
0x2: {  	s1 =	rddreg [dreg:$0x1]  }
0x3: {  	s5 =	rddreg [dreg:$0x2]  }
0x4: {  	s2 =	rddreg [dreg:$0x3];
	s3 =	simm.s32 $0x0;
	s21 =	stileid.u32  }
0x5: {  	s6 =	srdreg.scid;
	s22 =	simm.s32 $0x80;
	s23 =	simm.s32 $0x1400  }
0x6: {  	s24 =	simm.s32 $0x5400;
	s28 =	simm.s32 $0x2;
	s4 =	smul.u32 $0x280, s21  }
0x7: {  	s29 =	simm.s32 $0x4;
	s30 =	simm.s32 $0x0;
	s25 =	smul.u32 $0x50000, s21  }
0x8: {  	[smem:$0x7FF] =	sst s3;
	s19 =	sand.u32 $0x1, s6;
	s10 =	smul.u32 $0x2800, s21  }
0x9: {  	s20 =	sadd.s32 $0x12C000, s2;
	s14 =	smul.u32 $0xA0000, s21;
	s11 =	sadd.s32 $0x25800, s0  }
0xa: {  	p0 =	seq.s32 s21, $0xF;
	_ =	strace $0x80000047;
	s7 =	ssub.s32 $0x2, s19  }
0xb: {  	p1 =	sne.s32 s19, $0x0;
	s19 =	sshrl.u32 @p0 s20, $0x3;
	s12 =	sadd.s32 s4, s5  }
0xc: {  	s4 =	sadd.s32 $0x14400, s5;
	s8 =	sshrl.u32 s7, $0x1;
	s6 =	sshrl.u32 s25, $0x2  }
0xd: {  	s5 =	sadd.s32 $0x154400, s5;
	s26 =	sadd.s32 s1, s10;
	s1 =	sadd.s32 $0x25800, s1  }
0xe: {  	s10 =	sadd.s32 s0, s10;
	s31 =	sshrl.u32 s14, $0x3;
	s14 =	smul.u32 $0x14000, s21  }
0xf: {  	s25 =	simm.s32 $0x1;
	s13 =	ssub.s32 s7, s8;
	[dreg:$0x5] =	wrdreg s26  }
.Ltmp0:
0x10: {  	s6 =	sadd.s32 s6, s2;
	[dreg:$0x6] =	wrdreg s1;
	(pc) =	sbr.rel .LBB2_1-.Ltmp0, $4  }
0x11: {  	s9 =	sadd.s32 $0x5400, s12;
	s12 =	sadd.s32 $0xF400, s12;
	s0 =	sadd.s32 $0x13000, s31  }
0x12: {  	s26 =	simm.s32 $0x3;
	s13 =	smax.u32 s13, $0x1;
	s15 =	sadd.s32 s5, s0  }
0x13: {  	s16 =	sadd.s32 s4, s0;
	s17 =	sadd.s32 s14, s5;
	s0 =	sshll.u32 @!p0 s21, $0x6  }
0x14: {  	s18 =	sadd.s32 s14, s4;
	s21 =	simm.s32 $0x5;
	s20 =	sor.u32 @!p0 $0x1C05, s0  }
.LBB2_7:
0x15: {  	[tilespmem:s24], [sflag:$0x2] =	stream.indirect.gather [spmem:s2], $0x80, s31, s22, $0xb8;
	[tilespmem:$0x1CC80] =	vst v63  }
0x16: {  	_ =	swait.ge [sflag:s25], $0x4000  }
0x17: {  	[sflag:s25] =	ssyncset.done $0x0  }
0x18: {  	[sflag:s25] =	ssyncadd.s32 $0xFFFFC000  }
0x19: {  	[hbm4b:s15+s3] =	stream.linear.scatter [tilespmem:s23], [sflag:$0x3], $0x4000, $0x38;
	[tilespmem:$0x1CC80] =	vst v63  }
0x1a: {  	_ =	swait.ge [sflag:s26], $0x4000  }
0x1b: {  	[sflag:s26] =	ssyncset.done $0x0  }
0x1c: {  	[sflag:s26] =	ssyncadd.s32 $0xFFFFC000  }
0x1d: {  	_ =	swait.ge [sflag:s28], $0x4000  }
0x1e: {  	[sflag:s28] =	ssyncset.done $0x0  }
0x1f: {  	s0 =	smov.u32 s5;
	[sflag:s28] =	ssyncadd.s32 $0xFFFFC000  }
.LBB2_8:
0x20: {  	s30 =	sadd.s32 $0x1, s30  }
0x21: {  	s0 =	sadd.s32 s14, s0;
	p2 =	sne.s32 s30, s13  }
.Ltmp1:
0x22: {  	s0 =	sadd.s32 $0x13800, s0;
	(pc) =	sbr.rel @!p2 .LBB2_9-.Ltmp1, $4  }
0x23: {  	[hbm4b:s0+s3] =	stream.linear.scatter [tilespmem:s24], [sflag:$0x4], $0x4000, $0x38;
	[tilespmem:$0x1CC80] =	vst v63  }
0x24: {  	_ =	swait.ge [sflag:s29], $0x4000  }
0x25: {  	[sflag:s29] =	ssyncset.done $0x0  }
0x26: {  	[sflag:s29] =	ssyncadd.s32 $0xFFFFC000  }
.LBB2_1:
.Ltmp2:
0x27: {  	(pc) =	sbr.rel @p1 .LBB2_5-.Ltmp2, $2  }
0x28: {  	_ =	sdelay $0x2  }
0x29: {  	s0 =	sshrl.u32 @!p0 s6, $0x3  }
0x2a: {  	s1 =	simm.s32 @p0 $0x1FC5  }
0x2b: {  	[spmem:s19], [sflag:s1] =	dma.local @p0 [hbm:s11], $0x1900  }
0x2c: {  	s1 =	simm.s32 @p0 $0x5  }
0x2d: {  	_ =	swait.ge @p0 [sflag:s1], $0x1900  }
0x2e: {  	[sflag:s1] =	ssyncset.done @p0 $0x0  }
0x2f: {  	[sflag:s1] =	ssyncadd.s32 @p0 $0xFFFFE700  }
0x30: {  	[spmem:s0], [sflag:s20] =	dma.local @!p0 [hbm:s10], $0x2800  }
0x31: {  	s0 =	simm.s32 @!p0 $0x5  }
0x32: {  	_ =	swait.ge @!p0 [sflag:s0], $0x2800  }
0x33: {  	[sflag:s0] =	ssyncset.done @!p0 $0x0  }
0x34: {  	[sflag:s0] =	ssyncadd.s32 @!p0 $0xFFFFD800  }
0x35: {  	s1 =	simm.s32 $0x0;
	[bflag:$0x0] =	sbarrier.arrive $0xFFFF  }
0x36: {  	[tilespmem:s1], [sflag:$0x5] =	stream.linear.gather [hbm4b:s12+s1], $0x1400, $0x38;
	[tilespmem:$0x1CC80] =	vst v63  }
0x37: {  	_ =	swait.ge [sflag:s21], $0x1400  }
0x38: {  	[sflag:s21] =	ssyncset.done $0x0  }
0x39: {  	[sflag:s21] =	ssyncadd.s32 $0xFFFFEC00  }
0x3a: {  	[tilespmem:s23], [sflag:$0x1] =	stream.indirect.gather [spmem:s2], $0x80, s1, s22, $0xb8;
	[tilespmem:$0x1CC80] =	vst v63  }
0x3b: {  	_ = 	snop  }
0x3c: {  	[tilespmem:s24], [sflag:$0x2] =	stream.indirect.gather [spmem:s2], $0x80, s22, s22, $0xb8;
	[tilespmem:$0x1CC80] =	vst v63  }
0x3d: {  	_ =	swait.ge [sflag:s25], $0x4000  }
0x3e: {  	[sflag:s25] =	ssyncset.done $0x0  }
0x3f: {  	s7 =	sadd.s32 $0x0, s18;
	[sflag:s25] =	ssyncadd.s32 $0xFFFFC000  }
0x40: {  	[hbm4b:s7+s3] =	stream.linear.scatter [tilespmem:s23], [sflag:$0x3], $0x4000, $0x38;
	[tilespmem:$0x1CC80] =	vst v63  }
0x41: {  	_ =	swait.ge [sflag:s26], $0x4000  }
0x42: {  	[sflag:s26] =	ssyncset.done $0x0  }
0x43: {  	s8 =	simm.s32 $0x100;
	[sflag:s26] =	ssyncadd.s32 $0xFFFFC000  }
0x44: {  	[tilespmem:s23], [sflag:$0x1] =	stream.indirect.gather [spmem:s2], $0x80, s8, s22, $0xb8;
	[tilespmem:$0x1CC80] =	vst v63  }
0x45: {  	_ =	swait.ge [sflag:s28], $0x4000  }
0x46: {  	[sflag:s28] =	ssyncset.done $0x0  }
0x47: {  	s0 =	sadd.s32 $0x800, s7;
	[sflag:s28] =	ssyncadd.s32 $0xFFFFC000  }
0x48: {  	[hbm4b:s0+s3] =	stream.linear.scatter [tilespmem:s24], [sflag:$0x4], $0x4000, $0x38;
	[tilespmem:$0x1CC80] =	vst v63  }
0x49: {  	_ =	swait.ge [sflag:s29], $0x4000  }
0x4a: {  	s31 =	simm.s32 $0x180;
	[sflag:s29] =	ssyncset.done $0x0  }
0x4b: {  	s1 =	simm.s32 $0x280;
	s0 =	simm.s32 $0x1000;
	[sflag:s29] =	ssyncadd.s32 $0xFFFFC000  }
.LBB2_3:
0x4c: {  	[tilespmem:s24], [sflag:$0x2] =	stream.indirect.gather [spmem:s2], $0x80, s31, s22, $0xb8;
	[tilespmem:$0x1CC80] =	vst v63  }
0x4d: {  	s7 =	smov.u32 s0;
	s31 =	smov.u32 s1  }
0x4e: {  	p2 =	seq.s32 s0, $0x12000;
	s0 =	sadd.s32 $0x1000, s0;
	_ =	swait.ge [sflag:s25], $0x4000  }
0x4f: {  	[sflag:s25] =	ssyncset.done $0x0  }
0x50: {  	s7 =	sadd.s32 s7, s18;
	[sflag:s25] =	ssyncadd.s32 $0xFFFFC000  }
0x51: {  	[hbm4b:s7+s3] =	stream.linear.scatter [tilespmem:s23], [sflag:$0x3], $0x4000, $0x38;
	[tilespmem:$0x1CC80] =	vst v63  }
0x52: {  	_ =	swait.ge [sflag:s26], $0x4000  }
0x53: {  	[sflag:s26] =	ssyncset.done $0x0  }
0x54: {  	s8 =	sadd.s32 $0xFFFFFF80, s1;
	[sflag:s26] =	ssyncadd.s32 $0xFFFFC000  }
0x55: {  	[tilespmem:s23], [sflag:$0x1] =	stream.indirect.gather [spmem:s2], $0x80, s8, s22, $0xb8;
	[tilespmem:$0x1CC80] =	vst v63  }
0x56: {  	_ =	swait.ge [sflag:s28], $0x4000  }
0x57: {  	[sflag:s28] =	ssyncset.done $0x0  }
.Ltmp3:
0x58: {  	s7 =	sadd.s32 $0x800, s7;
	[sflag:s28] =	ssyncadd.s32 $0xFFFFC000;
	(pc) =	sbr.rel @!p2 .LBB2_3-.Ltmp3, $4  }
0x59: {  	[hbm4b:s7+s3] =	stream.linear.scatter [tilespmem:s24], [sflag:$0x4], $0x4000, $0x38;
	[tilespmem:$0x1CC80] =	vst v63  }
0x5a: {  	_ =	swait.ge [sflag:s29], $0x4000  }
0x5b: {  	[sflag:s29] =	ssyncset.done $0x0  }
0x5c: {  	s1 =	sadd.s32 $0x100, s1;
	[sflag:s29] =	ssyncadd.s32 $0xFFFFC000  }
0x5d: {  	[tilespmem:s24], [sflag:$0x2] =	stream.indirect.gather [spmem:s2], $0x80, s31, s22, $0xb8;
	[tilespmem:$0x1CC80] =	vst v63  }
0x5e: {  	_ =	swait.ge [sflag:s25], $0x4000  }
0x5f: {  	[sflag:s25] =	ssyncset.done $0x0  }
0x60: {  	[sflag:s25] =	ssyncadd.s32 $0xFFFFC000  }
0x61: {  	[hbm4b:s16+s3] =	stream.linear.scatter [tilespmem:s23], [sflag:$0x3], $0x4000, $0x38;
	[tilespmem:$0x1CC80] =	vst v63  }
0x62: {  	_ =	swait.ge [sflag:s26], $0x4000  }
.Ltmp4:
0x63: {  	[sflag:s26] =	ssyncset.done $0x0;
	(pc) =	sbr.rel .LBB2_8-.Ltmp4, $4  }
0x64: {  	[sflag:s26] =	ssyncadd.s32 $0xFFFFC000  }
0x65: {  	_ =	swait.ge [sflag:s28], $0x4000  }
0x66: {  	[sflag:s28] =	ssyncset.done $0x0  }
0x67: {  	s0 =	smov.u32 s4;
	[sflag:s28] =	ssyncadd.s32 $0xFFFFC000  }
.LBB2_5:
0x68: {  	s1 =	simm.s32 @p0 $0x1FC5;
	s7 =	rddreg [dreg:$0x6]  }
0x69: {  	[spmem:s19], [sflag:s1] =	dma.local @p0 [hbm:s7], $0x1900  }
0x6a: {  	s1 =	simm.s32 @p0 $0x5  }
0x6b: {  	_ =	swait.ge @p0 [sflag:s1], $0x1900  }
0x6c: {  	[sflag:s1] =	ssyncset.done @p0 $0x0  }
0x6d: {  	[sflag:s1] =	ssyncadd.s32 @p0 $0xFFFFE700;
	s1 =	rddreg [dreg:$0x5]  }
0x6e: {  	[spmem:s0], [sflag:s20] =	dma.local @!p0 [hbm:s1], $0x2800  }
0x6f: {  	s0 =	simm.s32 @!p0 $0x5  }
0x70: {  	_ =	swait.ge @!p0 [sflag:s0], $0x2800  }
0x71: {  	[sflag:s0] =	ssyncset.done @!p0 $0x0  }
0x72: {  	[sflag:s0] =	ssyncadd.s32 @!p0 $0xFFFFD800  }
0x73: {  	s1 =	simm.s32 $0x0;
	[bflag:$0x0] =	sbarrier.arrive $0xFFFF  }
0x74: {  	[tilespmem:s1], [sflag:$0x5] =	stream.linear.gather [hbm4b:s9+s1], $0x1400, $0x38;
	[tilespmem:$0x1CC80] =	vst v63  }
0x75: {  	_ =	swait.ge [sflag:s21], $0x1400  }
0x76: {  	[sflag:s21] =	ssyncset.done $0x0  }
0x77: {  	[sflag:s21] =	ssyncadd.s32 $0xFFFFEC00  }
0x78: {  	[tilespmem:s23], [sflag:$0x1] =	stream.indirect.gather [spmem:s2], $0x80, s1, s22, $0xb8;
	[tilespmem:$0x1CC80] =	vst v63  }
0x79: {  	_ = 	snop  }
0x7a: {  	[tilespmem:s24], [sflag:$0x2] =	stream.indirect.gather [spmem:s2], $0x80, s22, s22, $0xb8;
	[tilespmem:$0x1CC80] =	vst v63  }
0x7b: {  	_ =	swait.ge [sflag:s25], $0x4000  }
0x7c: {  	[sflag:s25] =	ssyncset.done $0x0  }
0x7d: {  	s7 =	sadd.s32 $0x0, s17;
	[sflag:s25] =	ssyncadd.s32 $0xFFFFC000  }
0x7e: {  	[hbm4b:s7+s3] =	stream.linear.scatter [tilespmem:s23], [sflag:$0x3], $0x4000, $0x38;
	[tilespmem:$0x1CC80] =	vst v63  }
0x7f: {  	_ =	swait.ge [sflag:s26], $0x4000  }
0x80: {  	[sflag:s26] =	ssyncset.done $0x0  }
0x81: {  	s8 =	simm.s32 $0x100;
	[sflag:s26] =	ssyncadd.s32 $0xFFFFC000  }
0x82: {  	[tilespmem:s23], [sflag:$0x1] =	stream.indirect.gather [spmem:s2], $0x80, s8, s22, $0xb8;
	[tilespmem:$0x1CC80] =	vst v63  }
0x83: {  	_ =	swait.ge [sflag:s28], $0x4000  }
0x84: {  	[sflag:s28] =	ssyncset.done $0x0  }
0x85: {  	s0 =	sadd.s32 $0x800, s7;
	[sflag:s28] =	ssyncadd.s32 $0xFFFFC000  }
0x86: {  	[hbm4b:s0+s3] =	stream.linear.scatter [tilespmem:s24], [sflag:$0x4], $0x4000, $0x38;
	[tilespmem:$0x1CC80] =	vst v63  }
0x87: {  	_ =	swait.ge [sflag:s29], $0x4000  }
0x88: {  	s31 =	simm.s32 $0x180;
	[sflag:s29] =	ssyncset.done $0x0  }
0x89: {  	s1 =	simm.s32 $0x280;
	s0 =	simm.s32 $0x1000;
	[sflag:s29] =	ssyncadd.s32 $0xFFFFC000  }
.LBB2_6:
0x8a: {  	[tilespmem:s24], [sflag:$0x2] =	stream.indirect.gather [spmem:s2], $0x80, s31, s22, $0xb8;
	[tilespmem:$0x1CC80] =	vst v63  }
0x8b: {  	s7 =	smov.u32 s0;
	s31 =	smov.u32 s1  }
0x8c: {  	p2 =	seq.s32 s0, $0x12000;
	s0 =	sadd.s32 $0x1000, s0;
	_ =	swait.ge [sflag:s25], $0x4000  }
0x8d: {  	[sflag:s25] =	ssyncset.done $0x0  }
0x8e: {  	s7 =	sadd.s32 s7, s17;
	[sflag:s25] =	ssyncadd.s32 $0xFFFFC000  }
0x8f: {  	[hbm4b:s7+s3] =	stream.linear.scatter [tilespmem:s23], [sflag:$0x3], $0x4000, $0x38;
	[tilespmem:$0x1CC80] =	vst v63  }
0x90: {  	_ =	swait.ge [sflag:s26], $0x4000  }
0x91: {  	[sflag:s26] =	ssyncset.done $0x0  }
0x92: {  	s8 =	sadd.s32 $0xFFFFFF80, s1;
	[sflag:s26] =	ssyncadd.s32 $0xFFFFC000  }
0x93: {  	[tilespmem:s23], [sflag:$0x1] =	stream.indirect.gather [spmem:s2], $0x80, s8, s22, $0xb8;
	[tilespmem:$0x1CC80] =	vst v63  }
0x94: {  	_ =	swait.ge [sflag:s28], $0x4000  }
0x95: {  	[sflag:s28] =	ssyncset.done $0x0  }
.Ltmp5:
0x96: {  	s7 =	sadd.s32 $0x800, s7;
	[sflag:s28] =	ssyncadd.s32 $0xFFFFC000;
	(pc) =	sbr.rel @!p2 .LBB2_6-.Ltmp5, $4  }
0x97: {  	[hbm4b:s7+s3] =	stream.linear.scatter [tilespmem:s24], [sflag:$0x4], $0x4000, $0x38;
	[tilespmem:$0x1CC80] =	vst v63  }
0x98: {  	_ =	swait.ge [sflag:s29], $0x4000  }
0x99: {  	[sflag:s29] =	ssyncset.done $0x0  }
0x9a: {  	s1 =	sadd.s32 $0x100, s1;
	[sflag:s29] =	ssyncadd.s32 $0xFFFFC000  }
.Ltmp6:
0x9b: {  	_ = 	snop;
	(pc) =	sbr.rel .LBB2_7-.Ltmp6, $1  }
0x9c: {  	_ =	sdelay $0x3  }
.LBB2_9:
0x9d: {  	_ =	sfence.sel $0x180000  }
0x9e: {  	[bflag:$0x0] =	sbarrier.arrive $0xFFFF  }
0x9f: {  	_ =	strace $0x90000047  }
0xa0: {  	s0 =	stileid.u32;
	[bflag:$0x2] =	sbarrier.arrive $0xFFFF  }
0xa1: {  	p0 =	sne.s32 s0, $0x0;
	s0 =	rddreg [dreg:$0x4]  }
0xa2: {  	s0 =	sadd.s32 @!p0 $0x100000, s0  }
0xa3: {  	[sflag:s0] =	ssyncadd.tile.s32 @!p0 $0x1;
	_ =	shalt  }
.Lfunc_end2:
_tile_overlayer_lowered:
.L_overlay_start_2:
0xa4: {  	(tag) =	ssettag $0x2  }
0xa5: {  	s0 =	rddreg [dreg:$0x0];
	s2 =	stileid.u32  }
0xa6: {  	s1 =	rddreg [dreg:$0x1];
	p0 =	sne.s32 s2, $0x0  }
0xa7: {  	s3 =	rddreg [dreg:$0x2];
	[bflag:$0x3] =	sbarrier.arrive $0xFFFF;
	s2 =	simm.s32 @!p0 $0x1C05  }
0xa8: {  	[timem:s3], [sflag:s2] =	dma.local @!p0 [hbm:s0], s1  }
0xa9: {  	s0 =	simm.s32 @!p0 $0x5  }
0xaa: {  	_ =	swait.ge @!p0 [sflag:s0], s1  }
0xab: {  	s1 =	ssub.s32 @!p0 $0x0, s1;
	[sflag:s0] =	ssyncset.done @!p0 $0x0  }
0xac: {  	[sflag:s0] =	ssyncadd.s32 @!p0 s1  }
0xad: {  	[bflag:$0x3] =	sbarrier.arrive $0xFFFF  }
0xae: {  	_ =	shalt  }

// kernel: kernel.14.cloned.1.call-start
scs
__scs_entry_jumppad:
0x0: {  	(pc) =	sbr.rel $0x88, $3  }
0x1: {  	(tag) =	ssettag $0x0;
	lr =	simm.s32 $0x1  }
0x2: {  	[smem:$0x3F93] =	sst lr;
	_ =	strace $0xD0000000  }
0x3: {  	_ = 	snop  }
0x4: {  	_ = 	snop  }
0x5: {  	_ = 	snop  }
0x6: {  	_ = 	snop  }
0x7: {  	_ = 	snop  }
__scs_overlays_trampoline_lowered:
0x8: {  	[smem:$0x3FA2] =	sst s0  }
0x9: {  	[smem:$0x3FA3] =	sst s1  }
0xa: {  	[smem:$0x3FA4] =	sst s2  }
0xb: {  	[smem:$0x3FA5] =	sst s3  }
0xc: {  	[smem:$0x3FA6] =	sst s4  }
0xd: {  	[smem:$0x3FA7] =	sst s5  }
0xe: {  	[smem:$0x3FA8] =	sst s6  }
0xf: {  	[smem:$0x3FA9] =	sst s7  }
0x10: {  	[smem:$0x3FAA] =	sst s8  }
0x11: {  	[smem:$0x3FAB] =	sst s9;
	s0 =	simm.s32 @!p0 $0x0  }
0x12: {  	s1 =	sld [smem:$0x3F91];
	s0 =	simm.s32 @p0 $0x1  }
0x13: {  	[smem:$0x3FAC] =	sst s0;
	s0 =	simm.s32 @!p1 $0x0  }
0x14: {  	s2 =	sld [smem:$0x3F90];
	s0 =	simm.s32 @p1 $0x1  }
0x15: {  	[smem:$0x3FAD] =	sst s0;
	s0 =	simm.s32 @!p2 $0x0  }
0x16: {  	s3 =	sld [smem:$0x3FDB];
	s0 =	simm.s32 @p2 $0x1  }
0x17: {  	s4 =	simm.s32 $0x1BF5;
	[smem:$0x3FAF] =	sst s0  }
0x18: {  	s0 =	sld [smem:$0x3F92];
	_ =	swait.ge [sflag:s4], $0x0  }
0x19: {  	s7 =	sld [smem:$0x3F93]  }
0x1a: {  	s8 =	sadd.s32 $0xFFFFE003, lr  }
0x1b: {  	s9 =	sadd.s32 $0xFFFFFEF7, lr;
	s5 =	simm.s32 $0xFFFFFFFF;
	p2 =	slt.u32 s8, $0xFFFFF086  }
0x1c: {  	p1 =	slt.u32 s9, $0xF7A;
	s5 =	simm.s32 @!p2 $0x0  }
0x1d: {  	s5 =	simm.s32 @p1 $0x1;
	p0 =	seq.s32 s7, s2  }
0x1e: {  	s7 =	smul.u32 @!p0 $0xF7A, s2;
	p2 =	seq.s32 @!p0 s5, $0x0  }
0x1f: {  	s9 =	smul.u32 $0xF7A, s1;
	s8 =	simm.s32 @!p0 $0x1BF5;
	p2 =	por !p2, p0  }
0x20: {  	[sflag:s8] =	ssyncset.s32 @!p0 $0xFFFFF086;
	s6 =	sadd.s32 @!p0 s3, s7;
	s7 =	simm.s32 @!p0 $0x108  }
0x21: {  	s3 =	sadd.s32 s3, s9;
	s6 =	sadd.s32 @!p0 $0x88, s6;
	s7 =	simm.s32 @p2 $0x1082  }
0x22: {  	[simem:s7], [sflag:s8] =	dma.local @!p0 [hbm:s6], $0xF7A  }
0x23: {  	s9 =	sor.u32 $0xD0000000, s2;
	s6 =	simm.s32 $0x108;
	_ =	swait.ge @!p0 [sflag:s8], $0x0  }
0x24: {  	s3 =	sadd.s32 $0x88, s3;
	s6 =	simm.s32 @!p1 $0x1082;
	[sflag:s4] =	ssyncset.s32 $0xFFFFF086  }
0x25: {  	[simem:s6], [sflag:s4] =	dma.local [hbm:s3], $0xF7A  }
0x26: {  	[smem:$0x3F93] =	sst s1;
	(tag) =	ssettag s2;
	_ =	strace s9  }
0x27: {  	s1 =	sld [smem:$0x3FA3]  }
0x28: {  	s2 =	sld [smem:$0x3FA4]  }
0x29: {  	s4 =	sld [smem:$0x3FA6]  }
0x2a: {  	p0 =	seq.s32 s5, $0x0;
	s5 =	sld [smem:$0x3FA7]  }
0x2b: {  	s6 =	sld [smem:$0x3FA8]  }
0x2c: {  	s7 =	sld [smem:$0x3FA9]  }
0x2d: {  	s3 =	simm.s32 $0x108;
	s8 =	sld [smem:$0x3FAA]  }
0x2e: {  	s3 =	simm.s32 @!p0 $0x1082;
	s9 =	sld [smem:$0x3FAB]  }
0x2f: {  	lr =	sadd.s32 s0, s3;
	s0 =	sld [smem:$0x3FA2]  }
0x30: {  	s3 =	sld [smem:$0x3FA5]  }
0x31: {  	[smem:$0x3FAE] =	sst s10  }
0x32: {  	s10 =	sld [smem:$0x3FAC];
	_ =	sdelay $0x3  }
0x33: {  	p0 =	seq.s32 s10, $0x1;
	s10 =	sld [smem:$0x3FAE];
	_ =	sdelay $0x3  }
0x34: {  	[smem:$0x3FAE] =	sst s10  }
0x35: {  	s10 =	sld [smem:$0x3FAD];
	_ =	sdelay $0x3  }
0x36: {  	p1 =	seq.s32 s10, $0x1;
	s10 =	sld [smem:$0x3FAE];
	_ =	sdelay $0x3  }
0x37: {  	[smem:$0x3FAE] =	sst s10  }
0x38: {  	s10 =	sld [smem:$0x3FAF]  }
0x39: {  	_ = 	snop;
	(pc) =	sbr.ind lr, $3  }
0x3a: {  	_ = 	snop  }
0x3b: {  	_ = 	snop  }
0x3c: {  	p2 =	seq.s32 s10, $0x1;
	s10 =	sld [smem:$0x3FAE]  }
0x3d: {  	_ =	shalt  }
0x3e: {  	_ =	shalt  }
0x3f: {  	_ =	shalt  }
0x40: {  	_ =	shalt  }
0x41: {  	_ =	shalt  }
0x42: {  	_ =	shalt  }
0x43: {  	_ =	shalt  }
0x44: {  	_ =	shalt  }
0x45: {  	_ =	shalt  }
0x46: {  	_ =	shalt  }
0x47: {  	_ =	shalt  }
0x48: {  	_ =	shalt  }
0x49: {  	_ =	shalt  }
0x4a: {  	_ =	shalt  }
0x4b: {  	_ =	shalt  }
0x4c: {  	_ =	shalt  }
0x4d: {  	_ =	shalt  }
0x4e: {  	_ =	shalt  }
0x4f: {  	_ =	shalt  }
0x50: {  	_ =	shalt  }
0x51: {  	_ =	shalt  }
0x52: {  	_ =	shalt  }
0x53: {  	_ =	shalt  }
0x54: {  	_ =	shalt  }
0x55: {  	_ =	shalt  }
0x56: {  	_ =	shalt  }
0x57: {  	_ =	shalt  }
0x58: {  	_ =	shalt  }
0x59: {  	_ =	shalt  }
0x5a: {  	_ =	shalt  }
0x5b: {  	_ =	shalt  }
0x5c: {  	_ =	shalt  }
0x5d: {  	_ =	shalt  }
0x5e: {  	_ =	shalt  }
0x5f: {  	_ =	shalt  }
0x60: {  	_ =	shalt  }
0x61: {  	_ =	shalt  }
0x62: {  	_ =	shalt  }
0x63: {  	_ =	shalt  }
0x64: {  	_ =	shalt  }
0x65: {  	_ =	shalt  }
0x66: {  	_ =	shalt  }
0x67: {  	_ =	shalt  }
0x68: {  	_ =	shalt  }
0x69: {  	_ =	shalt  }
0x6a: {  	_ =	shalt  }
0x6b: {  	_ =	shalt  }
0x6c: {  	_ =	shalt  }
0x6d: {  	_ =	shalt  }
0x6e: {  	_ =	shalt  }
0x6f: {  	_ =	shalt  }
0x70: {  	_ =	shalt  }
0x71: {  	_ =	shalt  }
0x72: {  	_ =	shalt  }
0x73: {  	_ =	shalt  }
0x74: {  	_ =	shalt  }
0x75: {  	_ =	shalt  }
0x76: {  	_ =	shalt  }
0x77: {  	_ =	shalt  }
0x78: {  	_ =	shalt  }
0x79: {  	_ =	shalt  }
0x7a: {  	_ =	shalt  }
0x7b: {  	_ =	shalt  }
0x7c: {  	_ =	shalt  }
0x7d: {  	_ =	shalt  }
0x7e: {  	_ =	shalt  }
0x7f: {  	_ =	shalt  }
0x80: {  	_ =	shalt  }
0x81: {  	_ =	shalt  }
0x82: {  	_ =	shalt  }
0x83: {  	_ =	shalt  }
0x84: {  	_ =	shalt  }
0x85: {  	_ =	shalt  }
0x86: {  	_ =	shalt  }
0x87: {  	_ =	shalt  }
.Lfunc_end0:
.L_simem_size_0:
called_computation.1_lowered:
.L_overlay_start_0:
0x88: {  	s2 =	sld [smem:$0x3FD9]  }
0x89: {  	s3 =	sld [smem:$0x3FFE];
	_ =	sdelay $0x1  }
0x8a: {  	s1 =	srdreg.scid  }
0x8b: {  	s0 =	sand.u32 $0x1, s1  }
0x8c: {  	s17 =	sshll.u32 s0, $0xA;
	s2 =	sadd.s32 s3, s2  }
0x8d: {  	s2 =	sadd.s32 s2, s17  }
0x8e: {  	[smem:$0x3FBA] =	sst s2  }
0x8f: {  	_ = 	snop  }
0x90: {  	s18 =	sld [smem:$0x3FC9]  }
0x91: {  	s4 =	sld [smem:$0x3FD0];
	(tm) =	ssettm $0x1  }
0x92: {  	s19 =	sld [smem:$0x3FFB];
	_ =	sdelay $0x3  }
0x93: {  	_ =	strace s19  }
0x94: {  	s2 =	sld [smem:$0x3FFC];
	_ =	sdelay $0x3  }
0x95: {  	_ =	strace s2  }
0x96: {  	s2 =	sld [smem:$0x3FFD];
	_ =	sdelay $0x3  }
0x97: {  	_ =	strace s2  }
0x98: {  	_ =	strace $0x8FFFFFFF  }
0x99: {  	s20 =	sld [smem:$0x3FDB];
	_ =	sdelay $0x1  }
0x9a: {  	s5 =	simm.s32 $_scs_section_size  }
0x9b: {  	s6 =	simm.s32 $_size__tile_overlayer_lowered;
	s7 =	simm.s32 $_tile_overlayer_lowered  }
0x9c: {  	s8 =	simm.s32 $0x1BFF;
	s21 =	sshll.u32 s7, $0x1;
	s5 =	sadd.s32 s5, s20  }
0x9d: {  	s22 =	simm.s32 $0x0;
	s6 =	sshll.u32 s6, $0x1;
	s7 =	sadd.s32 s21, s5  }
0x9e: {  	[timem:s22], [sflag:s8] =	dma.local [hbm:s7], s6  }
0x9f: {  	_ =	swait.ge [sflag:s8], s6  }
0xa0: {  	s6 =	ssub.s32 $0x0, s6;
	[sflag:s8] =	ssyncset.done $0x0  }
0xa1: {  	[sflag:s8] =	ssyncadd.s32 s6;
	_ =	sdelay $0x1  }
0xa2: {  	s23 =	simm.s32 $0x1B8B  }
0xa3: {  	_ =	swait.ge [sflag:s23], $0x1  }
0xa4: {  	[sflag:s23] =	ssyncset.done $0x0  }
0xa5: {  	[sflag:s23] =	ssyncadd.s32 $0xFFFFFFFF  }
0xa6: {  	s6 =	sld [smem:$0x0]  }
0xa7: {  	s7 =	sand.u32 $0xFFFFFFFE, s1  }
0xa8: {  	p0 =	sne.s32 s1, s7  }
0xa9: {  	s7 =	sshll.u32 @p0 s7, $0xE  }
0xaa: {  	s7 =	sadd.s32 @p0 $0x11B8D, s7;
	s8 =	sshll.u32 @p0 s6, $0x11  }
0xab: {  	s7 =	sor.u32 @p0 s8, s7  }
0xac: {  	[sflag:s7] =	ssyncadd.remote.s32 @p0 $0x1;
	_ =	sdelay $0x1  }
0xad: {  	s7 =	simm.s32 @p0 $0x1B8D  }
0xae: {  	_ =	swait.eq @p0 [sflag:s7], $0x1  }
0xaf: {  	[sflag:s7] =	ssyncadd.s32 @p0 $0xFFFFFFFF  }
0xb0: {  	s8 =	sshll.u32 @!p0 s1, $0xE  }
0xb1: {  	s8 =	sor.u32 @!p0 $0x4000, s8;
	s7 =	simm.s32 @!p0 $0x1B8D  }
0xb2: {  	s6 =	sshll.u32 @!p0 s6, $0x11;
	s8 =	sadd.s32 @!p0 $0x11B8D, s8;
	_ =	swait.eq @!p0 [sflag:s7], $0x1  }
0xb3: {  	s6 =	sor.u32 @!p0 s6, s8;
	[sflag:s7] =	ssyncadd.s32 @!p0 $0xFFFFFFFF  }
0xb4: {  	s25 =	simm.s32 $0x1B8E;
	s24 =	sld [smem:$0x3FFE];
	[sflag:s6] =	ssyncadd.remote.s32 @!p0 $0x1  }
0xb5: {  	s26 =	simm.s32 $execute0_lowered;
	[smem:$0x3FD2] =	sst s25  }
0xb6: {  	s7 =	sshll.u32 s26, $0x1;
	_ =	strace $0x80000049;
	[dreg:$0x1] =	wrdreg $0xFFFFFFFF  }
0xb7: {  	s28 =	simm.s32 $_size_execute0_lowered;
	s5 =	sadd.s32 s5, s7;
	[dreg:$0x0] =	wrdreg $0x0  }
0xb8: {  	s7 =	sshll.u32 s28, $0x1;
	[dreg:$0x2] =	wrdreg s5  }
0xb9: {  	[dreg:$0x3] =	wrdreg s7  }
0xba: {  	[dreg:$0x4] =	wrdreg $0xC0  }
0xbb: {  	_ =	task [dreg:s22], $0x5FFFF  }
0xbc: {  	[dreg:$0x1] =	wrdreg $0xFFFFFFFF  }
0xbd: {  	[dreg:$0x0] =	wrdreg $0x60  }
0xbe: {  	[dreg:$0x2] =	wrdreg s18  }
0xbf: {  	[dreg:$0x3] =	wrdreg s4  }
0xc0: {  	[dreg:$0x4] =	wrdreg s24  }
0xc1: {  	[dreg:$0x5] =	wrdreg $0x94000  }
0xc2: {  	[dreg:$0x6] =	wrdreg $0x9  }
0xc3: {  	_ =	task.clear_ibuf [dreg:s22], $0x7FFFF;
	_ =	strace $0x90000049  }
0xc4: {  	s29 =	simm.s32 $0x9;
	_ =	strace $0x8000004B  }
0xc5: {  	_ =	swait.ge [sflag:s29], $0x1  }
0xc6: {  	[sflag:s29] =	ssyncadd.s32 $0xFFFFFFFF  }
0xc7: {  	_ =	strace $0x9000004B  }
0xc8: {  	_ =	sfence  }
0xc9: {  	s30 =	sld [smem:$0x0];
	_ =	sdelay $0x2  }
0xca: {  	s31 =	sshll.u32 s1, $0xD;
	s1 =	sshrl.u32 s1, $0x2  }
0xcb: {  	s4 =	sand.u32 $0x4000, s31;
	s1 =	sadd.s32 s1, s30  }
0xcc: {  	s0 =	sor.u32 s4, s0;
	s1 =	sshll.u32 s1, $0x11  }
0xcd: {  	s0 =	sor.u32 s1, s0  }
0xce: {  	s0 =	sadd.s32 $0x8F2B, s0  }
0xcf: {  	[sflag:s0] =	ssyncadd.remote.s32 $0x1  }
0xd0: {  	_ =	sfence.sel $0xFFFF  }
0xd1: {  	[dreg:$0x0] =	wrdreg $0xFFFFFFFF;
	(pc) =	sbr.abs _section_cstart, $3  }
0xd2: {  	[dreg:$0x1] =	wrdreg $0xFFFFFFFF  }
0xd3: {  	_ =	task.clear_ibuf [dreg:s22], $0x2FFFF;
	_ =	strace $0x9FFFFFFF  }
0xd4: {  	(tm) =	ssettm $0x7FFFFFFF  }
0xd5: {  	_ =	shalt  }
tec
execute0_lowered:
.L_overlay_start_1:
0x0: {  	(tag) =	ssettag $0x1  }
0x1: {  	s0 =	rddreg [dreg:$0x0]  }
0x2: {  	s1 =	rddreg [dreg:$0x1]  }
0x3: {  	s8 =	rddreg [dreg:$0x2]  }
0x4: {  	s2 =	rddreg [dreg:$0x3]  }
0x5: {  	s3 =	simm.s32 $0x0;
	s4 =	srdreg.scid;
	s21 =	stileid.u32  }
0x6: {  	s22 =	simm.s32 $0x80;
	s23 =	simm.s32 $0x1400;
	s24 =	simm.s32 $0x5400  }
0x7: {  	s28 =	simm.s32 $0x2;
	s29 =	simm.s32 $0x4;
	s6 =	smul.u32 $0x50000, s21  }
0x8: {  	s30 =	simm.s32 $0x0;
	[smem:$0x7FF] =	sst s3;
	s10 =	smul.u32 $0x2800, s21  }
0x9: {  	s19 =	sand.u32 $0x1, s4;
	s4 =	sadd.s32 $0x294400, s8;
	s11 =	smul.u32 $0x1400, s21  }
0xa: {  	s5 =	sadd.s32 $0x3D4400, s8;
	s20 =	sadd.s32 $0x12C000, s2;
	s14 =	smul.u32 $0xA0000, s21  }
0xb: {  	p0 =	seq.s32 s21, $0xF;
	_ =	strace $0x8000004A;
	s7 =	ssub.s32 $0x2, s19  }
0xc: {  	p1 =	sne.s32 s19, $0x0;
	s19 =	sshrl.u32 @p0 s20, $0x3;
	s9 =	sshrl.u32 s7, $0x1  }
0xd: {  	s6 =	sshrl.u32 s6, $0x2;
	s25 =	sadd.s32 s1, s10;
	s26 =	sshrl.u32 s11, $0x3  }
0xe: {  	s1 =	sadd.s32 $0x25800, s1;
	s10 =	sadd.s32 s0, s10;
	s11 =	sadd.s32 $0x25800, s0  }
0xf: {  	s31 =	sshrl.u32 s14, $0x3;
	s14 =	smul.u32 $0x14000, s21;
	s13 =	ssub.s32 s7, s9  }
0x10: {  	s6 =	sadd.s32 s6, s2;
	[dreg:$0x5] =	wrdreg s25;
	s12 =	sadd.s32 s8, s26  }
.Ltmp0:
0x11: {  	[dreg:$0x6] =	wrdreg s1;
	s0 =	sadd.s32 $0x13000, s31;
	(pc) =	sbr.rel .LBB2_1-.Ltmp0, $4  }
0x12: {  	s25 =	simm.s32 $0x1;
	s26 =	simm.s32 $0x3;
	s9 =	sadd.s32 $0x7C00, s12  }
0x13: {  	s12 =	sadd.s32 $0x11C00, s12;
	s13 =	smax.u32 s13, $0x1;
	s15 =	sadd.s32 s5, s0  }
0x14: {  	s16 =	sadd.s32 s4, s0;
	s17 =	sadd.s32 s14, s5;
	s0 =	sshll.u32 @!p0 s21, $0x6  }
0x15: {  	s18 =	sadd.s32 s14, s4;
	s21 =	simm.s32 $0x5;
	s20 =	sor.u32 @!p0 $0x1C05, s0  }
.LBB2_7:
0x16: {  	[tilespmem:s24], [sflag:$0x2] =	stream.indirect.gather [spmem:s2], $0x80, s31, s22, $0xb8;
	[tilespmem:$0x1CC80] =	vst v63  }
0x17: {  	_ =	swait.ge [sflag:s25], $0x4000  }
0x18: {  	[sflag:s25] =	ssyncset.done $0x0  }
0x19: {  	[sflag:s25] =	ssyncadd.s32 $0xFFFFC000  }
0x1a: {  	[hbm4b:s15+s3] =	stream.linear.scatter [tilespmem:s23], [sflag:$0x3], $0x4000, $0x38;
	[tilespmem:$0x1CC80] =	vst v63  }
0x1b: {  	_ =	swait.ge [sflag:s26], $0x4000  }
0x1c: {  	[sflag:s26] =	ssyncset.done $0x0  }
0x1d: {  	[sflag:s26] =	ssyncadd.s32 $0xFFFFC000  }
0x1e: {  	_ =	swait.ge [sflag:s28], $0x4000  }
0x1f: {  	[sflag:s28] =	ssyncset.done $0x0  }
0x20: {  	s0 =	smov.u32 s5;
	[sflag:s28] =	ssyncadd.s32 $0xFFFFC000  }
.LBB2_8:
0x21: {  	s30 =	sadd.s32 $0x1, s30  }
0x22: {  	s0 =	sadd.s32 s14, s0;
	p2 =	sne.s32 s30, s13  }
.Ltmp1:
0x23: {  	s0 =	sadd.s32 $0x13800, s0;
	(pc) =	sbr.rel @!p2 .LBB2_9-.Ltmp1, $4  }
0x24: {  	[hbm4b:s0+s3] =	stream.linear.scatter [tilespmem:s24], [sflag:$0x4], $0x4000, $0x38;
	[tilespmem:$0x1CC80] =	vst v63  }
0x25: {  	_ =	swait.ge [sflag:s29], $0x4000  }
0x26: {  	[sflag:s29] =	ssyncset.done $0x0  }
0x27: {  	[sflag:s29] =	ssyncadd.s32 $0xFFFFC000  }
.LBB2_1:
.Ltmp2:
0x28: {  	(pc) =	sbr.rel @p1 .LBB2_5-.Ltmp2, $2  }
0x29: {  	_ =	sdelay $0x2  }
0x2a: {  	s0 =	sshrl.u32 @!p0 s6, $0x3  }
0x2b: {  	s1 =	simm.s32 @p0 $0x1FC5  }
0x2c: {  	[spmem:s19], [sflag:s1] =	dma.local @p0 [hbm:s11], $0x1900  }
0x2d: {  	s1 =	simm.s32 @p0 $0x5  }
0x2e: {  	_ =	swait.ge @p0 [sflag:s1], $0x1900  }
0x2f: {  	[sflag:s1] =	ssyncset.done @p0 $0x0  }
0x30: {  	[sflag:s1] =	ssyncadd.s32 @p0 $0xFFFFE700  }
0x31: {  	[spmem:s0], [sflag:s20] =	dma.local @!p0 [hbm:s10], $0x2800  }
0x32: {  	s0 =	simm.s32 @!p0 $0x5  }
0x33: {  	_ =	swait.ge @!p0 [sflag:s0], $0x2800  }
0x34: {  	[sflag:s0] =	ssyncset.done @!p0 $0x0  }
0x35: {  	[sflag:s0] =	ssyncadd.s32 @!p0 $0xFFFFD800  }
0x36: {  	s1 =	simm.s32 $0x0;
	[bflag:$0x0] =	sbarrier.arrive $0xFFFF  }
0x37: {  	[tilespmem:s1], [sflag:$0x5] =	stream.linear.gather [hbm4b:s12+s1], $0x1400, $0x38;
	[tilespmem:$0x1CC80] =	vst v63  }
0x38: {  	_ =	swait.ge [sflag:s21], $0x1400  }
0x39: {  	[sflag:s21] =	ssyncset.done $0x0  }
0x3a: {  	[sflag:s21] =	ssyncadd.s32 $0xFFFFEC00  }
0x3b: {  	[tilespmem:s23], [sflag:$0x1] =	stream.indirect.gather [spmem:s2], $0x80, s1, s22, $0xb8;
	[tilespmem:$0x1CC80] =	vst v63  }
0x3c: {  	_ = 	snop  }
0x3d: {  	[tilespmem:s24], [sflag:$0x2] =	stream.indirect.gather [spmem:s2], $0x80, s22, s22, $0xb8;
	[tilespmem:$0x1CC80] =	vst v63  }
0x3e: {  	_ =	swait.ge [sflag:s25], $0x4000  }
0x3f: {  	[sflag:s25] =	ssyncset.done $0x0  }
0x40: {  	s7 =	sadd.s32 $0x0, s18;
	[sflag:s25] =	ssyncadd.s32 $0xFFFFC000  }
0x41: {  	[hbm4b:s7+s3] =	stream.linear.scatter [tilespmem:s23], [sflag:$0x3], $0x4000, $0x38;
	[tilespmem:$0x1CC80] =	vst v63  }
0x42: {  	_ =	swait.ge [sflag:s26], $0x4000  }
0x43: {  	[sflag:s26] =	ssyncset.done $0x0  }
0x44: {  	s8 =	simm.s32 $0x100;
	[sflag:s26] =	ssyncadd.s32 $0xFFFFC000  }
0x45: {  	[tilespmem:s23], [sflag:$0x1] =	stream.indirect.gather [spmem:s2], $0x80, s8, s22, $0xb8;
	[tilespmem:$0x1CC80] =	vst v63  }
0x46: {  	_ =	swait.ge [sflag:s28], $0x4000  }
0x47: {  	[sflag:s28] =	ssyncset.done $0x0  }
0x48: {  	s0 =	sadd.s32 $0x800, s7;
	[sflag:s28] =	ssyncadd.s32 $0xFFFFC000  }
0x49: {  	[hbm4b:s0+s3] =	stream.linear.scatter [tilespmem:s24], [sflag:$0x4], $0x4000, $0x38;
	[tilespmem:$0x1CC80] =	vst v63  }
0x4a: {  	_ =	swait.ge [sflag:s29], $0x4000  }
0x4b: {  	s31 =	simm.s32 $0x180;
	[sflag:s29] =	ssyncset.done $0x0  }
0x4c: {  	s1 =	simm.s32 $0x280;
	s0 =	simm.s32 $0x1000;
	[sflag:s29] =	ssyncadd.s32 $0xFFFFC000  }
.LBB2_3:
0x4d: {  	[tilespmem:s24], [sflag:$0x2] =	stream.indirect.gather [spmem:s2], $0x80, s31, s22, $0xb8;
	[tilespmem:$0x1CC80] =	vst v63  }
0x4e: {  	s7 =	smov.u32 s0;
	s31 =	smov.u32 s1  }
0x4f: {  	p2 =	seq.s32 s0, $0x12000;
	s0 =	sadd.s32 $0x1000, s0;
	_ =	swait.ge [sflag:s25], $0x4000  }
0x50: {  	[sflag:s25] =	ssyncset.done $0x0  }
0x51: {  	s7 =	sadd.s32 s7, s18;
	[sflag:s25] =	ssyncadd.s32 $0xFFFFC000  }
0x52: {  	[hbm4b:s7+s3] =	stream.linear.scatter [tilespmem:s23], [sflag:$0x3], $0x4000, $0x38;
	[tilespmem:$0x1CC80] =	vst v63  }
0x53: {  	_ =	swait.ge [sflag:s26], $0x4000  }
0x54: {  	[sflag:s26] =	ssyncset.done $0x0  }
0x55: {  	s8 =	sadd.s32 $0xFFFFFF80, s1;
	[sflag:s26] =	ssyncadd.s32 $0xFFFFC000  }
0x56: {  	[tilespmem:s23], [sflag:$0x1] =	stream.indirect.gather [spmem:s2], $0x80, s8, s22, $0xb8;
	[tilespmem:$0x1CC80] =	vst v63  }
0x57: {  	_ =	swait.ge [sflag:s28], $0x4000  }
0x58: {  	[sflag:s28] =	ssyncset.done $0x0  }
.Ltmp3:
0x59: {  	s7 =	sadd.s32 $0x800, s7;
	[sflag:s28] =	ssyncadd.s32 $0xFFFFC000;
	(pc) =	sbr.rel @!p2 .LBB2_3-.Ltmp3, $4  }
0x5a: {  	[hbm4b:s7+s3] =	stream.linear.scatter [tilespmem:s24], [sflag:$0x4], $0x4000, $0x38;
	[tilespmem:$0x1CC80] =	vst v63  }
0x5b: {  	_ =	swait.ge [sflag:s29], $0x4000  }
0x5c: {  	[sflag:s29] =	ssyncset.done $0x0  }
0x5d: {  	s1 =	sadd.s32 $0x100, s1;
	[sflag:s29] =	ssyncadd.s32 $0xFFFFC000  }
0x5e: {  	[tilespmem:s24], [sflag:$0x2] =	stream.indirect.gather [spmem:s2], $0x80, s31, s22, $0xb8;
	[tilespmem:$0x1CC80] =	vst v63  }
0x5f: {  	_ =	swait.ge [sflag:s25], $0x4000  }
0x60: {  	[sflag:s25] =	ssyncset.done $0x0  }
0x61: {  	[sflag:s25] =	ssyncadd.s32 $0xFFFFC000  }
0x62: {  	[hbm4b:s16+s3] =	stream.linear.scatter [tilespmem:s23], [sflag:$0x3], $0x4000, $0x38;
	[tilespmem:$0x1CC80] =	vst v63  }
0x63: {  	_ =	swait.ge [sflag:s26], $0x4000  }
.Ltmp4:
0x64: {  	[sflag:s26] =	ssyncset.done $0x0;
	(pc) =	sbr.rel .LBB2_8-.Ltmp4, $4  }
0x65: {  	[sflag:s26] =	ssyncadd.s32 $0xFFFFC000  }
0x66: {  	_ =	swait.ge [sflag:s28], $0x4000  }
0x67: {  	[sflag:s28] =	ssyncset.done $0x0  }
0x68: {  	s0 =	smov.u32 s4;
	[sflag:s28] =	ssyncadd.s32 $0xFFFFC000  }
.LBB2_5:
0x69: {  	s1 =	simm.s32 @p0 $0x1FC5;
	s7 =	rddreg [dreg:$0x6]  }
0x6a: {  	[spmem:s19], [sflag:s1] =	dma.local @p0 [hbm:s7], $0x1900  }
0x6b: {  	s1 =	simm.s32 @p0 $0x5  }
0x6c: {  	_ =	swait.ge @p0 [sflag:s1], $0x1900  }
0x6d: {  	[sflag:s1] =	ssyncset.done @p0 $0x0  }
0x6e: {  	[sflag:s1] =	ssyncadd.s32 @p0 $0xFFFFE700;
	s1 =	rddreg [dreg:$0x5]  }
0x6f: {  	[spmem:s0], [sflag:s20] =	dma.local @!p0 [hbm:s1], $0x2800  }
0x70: {  	s0 =	simm.s32 @!p0 $0x5  }
0x71: {  	_ =	swait.ge @!p0 [sflag:s0], $0x2800  }
0x72: {  	[sflag:s0] =	ssyncset.done @!p0 $0x0  }
0x73: {  	[sflag:s0] =	ssyncadd.s32 @!p0 $0xFFFFD800  }
0x74: {  	s1 =	simm.s32 $0x0;
	[bflag:$0x0] =	sbarrier.arrive $0xFFFF  }
0x75: {  	[tilespmem:s1], [sflag:$0x5] =	stream.linear.gather [hbm4b:s9+s1], $0x1400, $0x38;
	[tilespmem:$0x1CC80] =	vst v63  }
0x76: {  	_ =	swait.ge [sflag:s21], $0x1400  }
0x77: {  	[sflag:s21] =	ssyncset.done $0x0  }
0x78: {  	[sflag:s21] =	ssyncadd.s32 $0xFFFFEC00  }
0x79: {  	[tilespmem:s23], [sflag:$0x1] =	stream.indirect.gather [spmem:s2], $0x80, s1, s22, $0xb8;
	[tilespmem:$0x1CC80] =	vst v63  }
0x7a: {  	_ = 	snop  }
0x7b: {  	[tilespmem:s24], [sflag:$0x2] =	stream.indirect.gather [spmem:s2], $0x80, s22, s22, $0xb8;
	[tilespmem:$0x1CC80] =	vst v63  }
0x7c: {  	_ =	swait.ge [sflag:s25], $0x4000  }
0x7d: {  	[sflag:s25] =	ssyncset.done $0x0  }
0x7e: {  	s7 =	sadd.s32 $0x0, s17;
	[sflag:s25] =	ssyncadd.s32 $0xFFFFC000  }
0x7f: {  	[hbm4b:s7+s3] =	stream.linear.scatter [tilespmem:s23], [sflag:$0x3], $0x4000, $0x38;
	[tilespmem:$0x1CC80] =	vst v63  }
0x80: {  	_ =	swait.ge [sflag:s26], $0x4000  }
0x81: {  	[sflag:s26] =	ssyncset.done $0x0  }
0x82: {  	s8 =	simm.s32 $0x100;
	[sflag:s26] =	ssyncadd.s32 $0xFFFFC000  }
0x83: {  	[tilespmem:s23], [sflag:$0x1] =	stream.indirect.gather [spmem:s2], $0x80, s8, s22, $0xb8;
	[tilespmem:$0x1CC80] =	vst v63  }
0x84: {  	_ =	swait.ge [sflag:s28], $0x4000  }
0x85: {  	[sflag:s28] =	ssyncset.done $0x0  }
0x86: {  	s0 =	sadd.s32 $0x800, s7;
	[sflag:s28] =	ssyncadd.s32 $0xFFFFC000  }
0x87: {  	[hbm4b:s0+s3] =	stream.linear.scatter [tilespmem:s24], [sflag:$0x4], $0x4000, $0x38;
	[tilespmem:$0x1CC80] =	vst v63  }
0x88: {  	_ =	swait.ge [sflag:s29], $0x4000  }
0x89: {  	s31 =	simm.s32 $0x180;
	[sflag:s29] =	ssyncset.done $0x0  }
0x8a: {  	s1 =	simm.s32 $0x280;
	s0 =	simm.s32 $0x1000;
	[sflag:s29] =	ssyncadd.s32 $0xFFFFC000  }
.LBB2_6:
0x8b: {  	[tilespmem:s24], [sflag:$0x2] =	stream.indirect.gather [spmem:s2], $0x80, s31, s22, $0xb8;
	[tilespmem:$0x1CC80] =	vst v63  }
0x8c: {  	s7 =	smov.u32 s0;
	s31 =	smov.u32 s1  }
0x8d: {  	p2 =	seq.s32 s0, $0x12000;
	s0 =	sadd.s32 $0x1000, s0;
	_ =	swait.ge [sflag:s25], $0x4000  }
0x8e: {  	[sflag:s25] =	ssyncset.done $0x0  }
0x8f: {  	s7 =	sadd.s32 s7, s17;
	[sflag:s25] =	ssyncadd.s32 $0xFFFFC000  }
0x90: {  	[hbm4b:s7+s3] =	stream.linear.scatter [tilespmem:s23], [sflag:$0x3], $0x4000, $0x38;
	[tilespmem:$0x1CC80] =	vst v63  }
0x91: {  	_ =	swait.ge [sflag:s26], $0x4000  }
0x92: {  	[sflag:s26] =	ssyncset.done $0x0  }
0x93: {  	s8 =	sadd.s32 $0xFFFFFF80, s1;
	[sflag:s26] =	ssyncadd.s32 $0xFFFFC000  }
0x94: {  	[tilespmem:s23], [sflag:$0x1] =	stream.indirect.gather [spmem:s2], $0x80, s8, s22, $0xb8;
	[tilespmem:$0x1CC80] =	vst v63  }
0x95: {  	_ =	swait.ge [sflag:s28], $0x4000  }
0x96: {  	[sflag:s28] =	ssyncset.done $0x0  }
.Ltmp5:
0x97: {  	s7 =	sadd.s32 $0x800, s7;
	[sflag:s28] =	ssyncadd.s32 $0xFFFFC000;
	(pc) =	sbr.rel @!p2 .LBB2_6-.Ltmp5, $4  }
0x98: {  	[hbm4b:s7+s3] =	stream.linear.scatter [tilespmem:s24], [sflag:$0x4], $0x4000, $0x38;
	[tilespmem:$0x1CC80] =	vst v63  }
0x99: {  	_ =	swait.ge [sflag:s29], $0x4000  }
0x9a: {  	[sflag:s29] =	ssyncset.done $0x0  }
0x9b: {  	s1 =	sadd.s32 $0x100, s1;
	[sflag:s29] =	ssyncadd.s32 $0xFFFFC000  }
.Ltmp6:
0x9c: {  	_ = 	snop;
	(pc) =	sbr.rel .LBB2_7-.Ltmp6, $1  }
0x9d: {  	_ =	sdelay $0x3  }
.LBB2_9:
0x9e: {  	_ =	sfence.sel $0x180000  }
0x9f: {  	[bflag:$0x0] =	sbarrier.arrive $0xFFFF  }
0xa0: {  	_ =	strace $0x9000004A  }
0xa1: {  	s0 =	stileid.u32;
	[bflag:$0x2] =	sbarrier.arrive $0xFFFF  }
0xa2: {  	p0 =	sne.s32 s0, $0x0;
	s0 =	rddreg [dreg:$0x4]  }
0xa3: {  	s0 =	sadd.s32 @!p0 $0x100000, s0  }
0xa4: {  	[sflag:s0] =	ssyncadd.tile.s32 @!p0 $0x1;
	_ =	shalt  }
.Lfunc_end2:
_tile_overlayer_lowered:
.L_overlay_start_2:
0xa5: {  	(tag) =	ssettag $0x2  }
0xa6: {  	s0 =	rddreg [dreg:$0x0];
	s2 =	stileid.u32  }
0xa7: {  	s1 =	rddreg [dreg:$0x1];
	p0 =	sne.s32 s2, $0x0  }
0xa8: {  	s3 =	rddreg [dreg:$0x2];
	[bflag:$0x3] =	sbarrier.arrive $0xFFFF;
	s2 =	simm.s32 @!p0 $0x1C05  }
0xa9: {  	[timem:s3], [sflag:s2] =	dma.local @!p0 [hbm:s0], s1  }
0xaa: {  	s0 =	simm.s32 @!p0 $0x5  }
0xab: {  	_ =	swait.ge @!p0 [sflag:s0], s1  }
0xac: {  	s1 =	ssub.s32 @!p0 $0x0, s1;
	[sflag:s0] =	ssyncset.done @!p0 $0x0  }
0xad: {  	[sflag:s0] =	ssyncadd.s32 @!p0 s1  }
0xae: {  	[bflag:$0x3] =	sbarrier.arrive $0xFFFF  }
0xaf: {  	_ =	shalt  }

// kernel: kernel.17.cloned.1.call-start
scs
__scs_entry_jumppad:
0x0: {  	(pc) =	sbr.rel $0x88, $3  }
0x1: {  	(tag) =	ssettag $0x0;
	lr =	simm.s32 $0x1  }
0x2: {  	[smem:$0x3F93] =	sst lr;
	_ =	strace $0xD0000000  }
0x3: {  	_ = 	snop  }
0x4: {  	_ = 	snop  }
0x5: {  	_ = 	snop  }
0x6: {  	_ = 	snop  }
0x7: {  	_ = 	snop  }
__scs_overlays_trampoline_lowered:
0x8: {  	[smem:$0x3FA2] =	sst s0  }
0x9: {  	[smem:$0x3FA3] =	sst s1  }
0xa: {  	[smem:$0x3FA4] =	sst s2  }
0xb: {  	[smem:$0x3FA5] =	sst s3  }
0xc: {  	[smem:$0x3FA6] =	sst s4  }
0xd: {  	[smem:$0x3FA7] =	sst s5  }
0xe: {  	[smem:$0x3FA8] =	sst s6  }
0xf: {  	[smem:$0x3FA9] =	sst s7  }
0x10: {  	[smem:$0x3FAA] =	sst s8  }
0x11: {  	[smem:$0x3FAB] =	sst s9;
	s0 =	simm.s32 @!p0 $0x0  }
0x12: {  	s1 =	sld [smem:$0x3F91];
	s0 =	simm.s32 @p0 $0x1  }
0x13: {  	[smem:$0x3FAC] =	sst s0;
	s0 =	simm.s32 @!p1 $0x0  }
0x14: {  	s2 =	sld [smem:$0x3F90];
	s0 =	simm.s32 @p1 $0x1  }
0x15: {  	[smem:$0x3FAD] =	sst s0;
	s0 =	simm.s32 @!p2 $0x0  }
0x16: {  	s3 =	sld [smem:$0x3FDB];
	s0 =	simm.s32 @p2 $0x1  }
0x17: {  	s4 =	simm.s32 $0x1BF5;
	[smem:$0x3FAF] =	sst s0  }
0x18: {  	s0 =	sld [smem:$0x3F92];
	_ =	swait.ge [sflag:s4], $0x0  }
0x19: {  	s7 =	sld [smem:$0x3F93]  }
0x1a: {  	s8 =	sadd.s32 $0xFFFFE003, lr  }
0x1b: {  	s9 =	sadd.s32 $0xFFFFFEF7, lr;
	s5 =	simm.s32 $0xFFFFFFFF;
	p2 =	slt.u32 s8, $0xFFFFF086  }
0x1c: {  	p1 =	slt.u32 s9, $0xF7A;
	s5 =	simm.s32 @!p2 $0x0  }
0x1d: {  	s5 =	simm.s32 @p1 $0x1;
	p0 =	seq.s32 s7, s2  }
0x1e: {  	s7 =	smul.u32 @!p0 $0xF7A, s2;
	p2 =	seq.s32 @!p0 s5, $0x0  }
0x1f: {  	s9 =	smul.u32 $0xF7A, s1;
	s8 =	simm.s32 @!p0 $0x1BF5;
	p2 =	por !p2, p0  }
0x20: {  	[sflag:s8] =	ssyncset.s32 @!p0 $0xFFFFF086;
	s6 =	sadd.s32 @!p0 s3, s7;
	s7 =	simm.s32 @!p0 $0x108  }
0x21: {  	s3 =	sadd.s32 s3, s9;
	s6 =	sadd.s32 @!p0 $0x88, s6;
	s7 =	simm.s32 @p2 $0x1082  }
0x22: {  	[simem:s7], [sflag:s8] =	dma.local @!p0 [hbm:s6], $0xF7A  }
0x23: {  	s9 =	sor.u32 $0xD0000000, s2;
	s6 =	simm.s32 $0x108;
	_ =	swait.ge @!p0 [sflag:s8], $0x0  }
0x24: {  	s3 =	sadd.s32 $0x88, s3;
	s6 =	simm.s32 @!p1 $0x1082;
	[sflag:s4] =	ssyncset.s32 $0xFFFFF086  }
0x25: {  	[simem:s6], [sflag:s4] =	dma.local [hbm:s3], $0xF7A  }
0x26: {  	[smem:$0x3F93] =	sst s1;
	(tag) =	ssettag s2;
	_ =	strace s9  }
0x27: {  	s1 =	sld [smem:$0x3FA3]  }
0x28: {  	s2 =	sld [smem:$0x3FA4]  }
0x29: {  	s4 =	sld [smem:$0x3FA6]  }
0x2a: {  	p0 =	seq.s32 s5, $0x0;
	s5 =	sld [smem:$0x3FA7]  }
0x2b: {  	s6 =	sld [smem:$0x3FA8]  }
0x2c: {  	s7 =	sld [smem:$0x3FA9]  }
0x2d: {  	s3 =	simm.s32 $0x108;
	s8 =	sld [smem:$0x3FAA]  }
0x2e: {  	s3 =	simm.s32 @!p0 $0x1082;
	s9 =	sld [smem:$0x3FAB]  }
0x2f: {  	lr =	sadd.s32 s0, s3;
	s0 =	sld [smem:$0x3FA2]  }
0x30: {  	s3 =	sld [smem:$0x3FA5]  }
0x31: {  	[smem:$0x3FAE] =	sst s10  }
0x32: {  	s10 =	sld [smem:$0x3FAC];
	_ =	sdelay $0x3  }
0x33: {  	p0 =	seq.s32 s10, $0x1;
	s10 =	sld [smem:$0x3FAE];
	_ =	sdelay $0x3  }
0x34: {  	[smem:$0x3FAE] =	sst s10  }
0x35: {  	s10 =	sld [smem:$0x3FAD];
	_ =	sdelay $0x3  }
0x36: {  	p1 =	seq.s32 s10, $0x1;
	s10 =	sld [smem:$0x3FAE];
	_ =	sdelay $0x3  }
0x37: {  	[smem:$0x3FAE] =	sst s10  }
0x38: {  	s10 =	sld [smem:$0x3FAF]  }
0x39: {  	_ = 	snop;
	(pc) =	sbr.ind lr, $3  }
0x3a: {  	_ = 	snop  }
0x3b: {  	_ = 	snop  }
0x3c: {  	p2 =	seq.s32 s10, $0x1;
	s10 =	sld [smem:$0x3FAE]  }
0x3d: {  	_ =	shalt  }
0x3e: {  	_ =	shalt  }
0x3f: {  	_ =	shalt  }
0x40: {  	_ =	shalt  }
0x41: {  	_ =	shalt  }
0x42: {  	_ =	shalt  }
0x43: {  	_ =	shalt  }
0x44: {  	_ =	shalt  }
0x45: {  	_ =	shalt  }
0x46: {  	_ =	shalt  }
0x47: {  	_ =	shalt  }
0x48: {  	_ =	shalt  }
0x49: {  	_ =	shalt  }
0x4a: {  	_ =	shalt  }
0x4b: {  	_ =	shalt  }
0x4c: {  	_ =	shalt  }
0x4d: {  	_ =	shalt  }
0x4e: {  	_ =	shalt  }
0x4f: {  	_ =	shalt  }
0x50: {  	_ =	shalt  }
0x51: {  	_ =	shalt  }
0x52: {  	_ =	shalt  }
0x53: {  	_ =	shalt  }
0x54: {  	_ =	shalt  }
0x55: {  	_ =	shalt  }
0x56: {  	_ =	shalt  }
0x57: {  	_ =	shalt  }
0x58: {  	_ =	shalt  }
0x59: {  	_ =	shalt  }
0x5a: {  	_ =	shalt  }
0x5b: {  	_ =	shalt  }
0x5c: {  	_ =	shalt  }
0x5d: {  	_ =	shalt  }
0x5e: {  	_ =	shalt  }
0x5f: {  	_ =	shalt  }
0x60: {  	_ =	shalt  }
0x61: {  	_ =	shalt  }
0x62: {  	_ =	shalt  }
0x63: {  	_ =	shalt  }
0x64: {  	_ =	shalt  }
0x65: {  	_ =	shalt  }
0x66: {  	_ =	shalt  }
0x67: {  	_ =	shalt  }
0x68: {  	_ =	shalt  }
0x69: {  	_ =	shalt  }
0x6a: {  	_ =	shalt  }
0x6b: {  	_ =	shalt  }
0x6c: {  	_ =	shalt  }
0x6d: {  	_ =	shalt  }
0x6e: {  	_ =	shalt  }
0x6f: {  	_ =	shalt  }
0x70: {  	_ =	shalt  }
0x71: {  	_ =	shalt  }
0x72: {  	_ =	shalt  }
0x73: {  	_ =	shalt  }
0x74: {  	_ =	shalt  }
0x75: {  	_ =	shalt  }
0x76: {  	_ =	shalt  }
0x77: {  	_ =	shalt  }
0x78: {  	_ =	shalt  }
0x79: {  	_ =	shalt  }
0x7a: {  	_ =	shalt  }
0x7b: {  	_ =	shalt  }
0x7c: {  	_ =	shalt  }
0x7d: {  	_ =	shalt  }
0x7e: {  	_ =	shalt  }
0x7f: {  	_ =	shalt  }
0x80: {  	_ =	shalt  }
0x81: {  	_ =	shalt  }
0x82: {  	_ =	shalt  }
0x83: {  	_ =	shalt  }
0x84: {  	_ =	shalt  }
0x85: {  	_ =	shalt  }
0x86: {  	_ =	shalt  }
0x87: {  	_ =	shalt  }
.Lfunc_end0:
.L_simem_size_0:
called_computation.2_lowered:
.L_overlay_start_0:
0x88: {  	s2 =	sld [smem:$0x3FD9]  }
0x89: {  	s3 =	sld [smem:$0x3FFE];
	_ =	sdelay $0x1  }
0x8a: {  	s1 =	srdreg.scid  }
0x8b: {  	s0 =	sand.u32 $0x1, s1  }
0x8c: {  	s17 =	sshll.u32 s0, $0xA;
	s2 =	sadd.s32 s3, s2  }
0x8d: {  	s2 =	sadd.s32 s2, s17  }
0x8e: {  	[smem:$0x3FBA] =	sst s2  }
0x8f: {  	_ = 	snop  }
0x90: {  	(tm) =	ssettm $0x1  }
0x91: {  	s18 =	sld [smem:$0x3FFB];
	_ =	sdelay $0x3  }
0x92: {  	_ =	strace s18  }
0x93: {  	s2 =	sld [smem:$0x3FFC];
	_ =	sdelay $0x3  }
0x94: {  	_ =	strace s2  }
0x95: {  	s2 =	sld [smem:$0x3FFD];
	_ =	sdelay $0x3  }
0x96: {  	_ =	strace s2  }
0x97: {  	_ =	strace $0x8FFFFFFF  }
0x98: {  	s19 =	sld [smem:$0x3FDB];
	_ =	sdelay $0x1  }
0x99: {  	s20 =	simm.s32 $_scs_section_size  }
0x9a: {  	s4 =	simm.s32 $_size__tile_overlayer_lowered;
	s5 =	simm.s32 $_tile_overlayer_lowered  }
0x9b: {  	s6 =	simm.s32 $0x1BFF;
	s21 =	sshll.u32 s5, $0x1;
	s3 =	sadd.s32 s20, s19  }
0x9c: {  	s22 =	simm.s32 $0x0;
	s4 =	sshll.u32 s4, $0x1;
	s5 =	sadd.s32 s21, s3  }
0x9d: {  	[timem:s22], [sflag:s6] =	dma.local [hbm:s5], s4  }
0x9e: {  	_ =	swait.ge [sflag:s6], s4  }
0x9f: {  	s4 =	ssub.s32 $0x0, s4;
	[sflag:s6] =	ssyncset.done $0x0  }
0xa0: {  	[sflag:s6] =	ssyncadd.s32 s4;
	_ =	sdelay $0x1  }
0xa1: {  	s23 =	simm.s32 $0x1B8B  }
0xa2: {  	_ =	swait.ge [sflag:s23], $0x1  }
0xa3: {  	[sflag:s23] =	ssyncset.done $0x0  }
0xa4: {  	[sflag:s23] =	ssyncadd.s32 $0xFFFFFFFF  }
0xa5: {  	s4 =	sld [smem:$0x0]  }
0xa6: {  	s5 =	sand.u32 $0xFFFFFFFE, s1  }
0xa7: {  	p0 =	sne.s32 s1, s5  }
0xa8: {  	s5 =	sshll.u32 @p0 s5, $0xE  }
0xa9: {  	s5 =	sadd.s32 @p0 $0x11B8D, s5;
	s6 =	sshll.u32 @p0 s4, $0x11  }
0xaa: {  	s5 =	sor.u32 @p0 s6, s5  }
0xab: {  	[sflag:s5] =	ssyncadd.remote.s32 @p0 $0x1;
	_ =	sdelay $0x1  }
0xac: {  	s5 =	simm.s32 @p0 $0x1B8D  }
0xad: {  	_ =	swait.eq @p0 [sflag:s5], $0x1  }
0xae: {  	[sflag:s5] =	ssyncadd.s32 @p0 $0xFFFFFFFF  }
0xaf: {  	s6 =	sshll.u32 @!p0 s1, $0xE  }
0xb0: {  	s6 =	sor.u32 @!p0 $0x4000, s6;
	s5 =	simm.s32 @!p0 $0x1B8D  }
0xb1: {  	s4 =	sshll.u32 @!p0 s4, $0x11;
	s6 =	sadd.s32 @!p0 $0x11B8D, s6;
	_ =	swait.eq @!p0 [sflag:s5], $0x1  }
0xb2: {  	s4 =	sor.u32 @!p0 s4, s6;
	[sflag:s5] =	ssyncadd.s32 @!p0 $0xFFFFFFFF  }
0xb3: {  	s25 =	simm.s32 $0x1B8E;
	s24 =	sld [smem:$0x3FFE];
	[sflag:s4] =	ssyncadd.remote.s32 @!p0 $0x1  }
0xb4: {  	s26 =	simm.s32 $execute0_lowered;
	[smem:$0x3FD2] =	sst s25  }
0xb5: {  	s5 =	sshll.u32 s26, $0x1;
	_ =	strace $0x8000004C;
	[dreg:$0x1] =	wrdreg $0xFFFFFFFF  }
0xb6: {  	s28 =	simm.s32 $_size_execute0_lowered;
	s3 =	sadd.s32 s3, s5;
	[dreg:$0x0] =	wrdreg $0x0  }
0xb7: {  	s5 =	sshll.u32 s28, $0x1;
	[dreg:$0x2] =	wrdreg s3  }
0xb8: {  	[dreg:$0x3] =	wrdreg s5  }
0xb9: {  	[dreg:$0x4] =	wrdreg $0xC0  }
0xba: {  	_ =	task [dreg:s22], $0x5FFFF  }
0xbb: {  	[dreg:$0x1] =	wrdreg $0xFFFFFFFF  }
0xbc: {  	[dreg:$0x0] =	wrdreg $0x60  }
0xbd: {  	[dreg:$0x2] =	wrdreg s24  }
0xbe: {  	[dreg:$0x3] =	wrdreg $0x95000  }
0xbf: {  	[dreg:$0x4] =	wrdreg $0x1D5000  }
0xc0: {  	[dreg:$0x5] =	wrdreg $0xA  }
0xc1: {  	_ =	task.clear_ibuf [dreg:s22], $0x6FFFF;
	_ =	strace $0x9000004C  }
0xc2: {  	s29 =	simm.s32 $0xA;
	_ =	strace $0x8000004E  }
0xc3: {  	_ =	swait.ge [sflag:s29], $0x1  }
0xc4: {  	[sflag:s29] =	ssyncadd.s32 $0xFFFFFFFF  }
0xc5: {  	_ =	strace $0x9000004E  }
0xc6: {  	_ =	sfence  }
0xc7: {  	s30 =	sld [smem:$0x0];
	_ =	sdelay $0x2  }
0xc8: {  	s31 =	sshll.u32 s1, $0xD;
	s1 =	sshrl.u32 s1, $0x2  }
0xc9: {  	s4 =	sand.u32 $0x4000, s31;
	s1 =	sadd.s32 s1, s30  }
0xca: {  	s0 =	sor.u32 s4, s0;
	s1 =	sshll.u32 s1, $0x11  }
0xcb: {  	s0 =	sor.u32 s1, s0  }
0xcc: {  	s0 =	sadd.s32 $0x8F2B, s0  }
0xcd: {  	[sflag:s0] =	ssyncadd.remote.s32 $0x1  }
0xce: {  	_ =	sfence.sel $0xFFFF  }
0xcf: {  	[dreg:$0x0] =	wrdreg $0xFFFFFFFF;
	(pc) =	sbr.abs _section_cstart, $3  }
0xd0: {  	[dreg:$0x1] =	wrdreg $0xFFFFFFFF  }
0xd1: {  	_ =	task.clear_ibuf [dreg:s22], $0x2FFFF;
	_ =	strace $0x9FFFFFFF  }
0xd2: {  	(tm) =	ssettm $0x7FFFFFFF  }
0xd3: {  	_ =	shalt  }
tec
execute0_lowered:
.L_overlay_start_1:
0x0: {  	(tag) =	ssettag $0x1  }
0x1: {  	s1 =	srdreg.scid  }
0x2: {  	s1 =	sand.u32 $0x1, s1  }
0x3: {  	p0 =	seq.s32 s1, $0x1  }
.Ltmp0:
0x4: {  	s12 =	rddreg [dreg:$0x0];
	(pc) =	sbr.rel @p0 .LBB2_4-.Ltmp0, $4  }
0x5: {  	s3 =	rddreg [dreg:$0x1]  }
0x6: {  	s2 =	rddreg [dreg:$0x2];
	s7 =	simm.s32 $0x0  }
0x7: {  	[smem:$0x7FF] =	sst s7  }
0x8: {  	s0 =	rddreg [dreg:$0x3];
	_ =	strace $0x8000004D;
	s1 =	stileid.u32  }
0x9: {  	s4 =	smul.u32 $0x50000, s1;
	_ =	sdelay $0x1  }
0xa: {  	s20 =	sshll.u32 s1, $0x6;
	s4 =	sshrl.u32 s4, $0x2  }
0xb: {  	s6 =	sadd.s32 $0x16C00, s12;
	s17 =	smul.u32 $0x280, s1;
	s5 =	sadd.s32 s4, s3  }
0xc: {  	s8 =	simm.s32 $0x5;
	s4 =	sor.u32 $0x1C05, s20;
	s5 =	sshrl.u32 s5, $0x3  }
0xd: {  	[spmem:s5], [sflag:s4] =	dma.local [hbm:s6], $0x2800  }
0xe: {  	s21 =	sadd.s32 $0x19400, s12;
	_ =	swait.ge [sflag:s8], $0x2800  }
0xf: {  	s14 =	sshrl.u32 s17, $0x3;
	s9 =	sadd.s32 s17, s2;
	[sflag:s8] =	ssyncset.done $0x0  }
0x10: {  	s10 =	sadd.s32 s21, s14;
	s6 =	sshrl.u32 s9, $0x3;
	[sflag:s8] =	ssyncadd.s32 $0xFFFFD800  }
0x11: {  	[spmem:s6], [sflag:s4] =	dma.local [hbm:s10], $0x50  }
0x12: {  	_ =	swait.ge [sflag:s8], $0x50  }
0x13: {  	s22 =	sadd.s32 $0xA400, s12;
	[sflag:s8] =	ssyncset.done $0x0  }
0x14: {  	s24 =	smul.u32 $0x1400, s1;
	s9 =	sadd.s32 s22, s17;
	[sflag:s8] =	ssyncadd.s32 $0xFFFFFFB0  }
0x15: {  	[tilespmem:s7], [sflag:$0x5] =	stream.linear.gather [hbm4b:s9+s7], $0x1400, $0x38;
	[tilespmem:$0x1D780] =	vst v63  }
0x16: {  	s11 =	smul.u32 $0x14000, s1;
	_ =	swait.ge [sflag:s8], $0x1400  }
0x17: {  	s23 =	sadd.s32 $0x9F6400, s12;
	s18 =	sadd.s32 $0x14400, s12;
	[sflag:s8] =	ssyncset.done $0x0  }
0x18: {  	s13 =	sor.u32 $0x80, s24;
	s19 =	sadd.s32 s23, s11;
	[sflag:s8] =	ssyncadd.s32 $0xFFFFEC00  }
0x19: {  	s9 =	sshrl.u32 s24, $0x3;
	s8 =	simm.s32 $0x1400;
	[bflag:$0x0] =	sbarrier.arrive $0xFFFF  }
0x1a: {  	[tilespmem:s8], [sflag:$0x1] =	stream.linear.gather [hbm4b:s19+s7], $0x4000, $0x38;
	[tilespmem:$0x1D780] =	vst v63  }
0x1b: {  	s25 =	sshll.u32 s13, $0x4;
	s15 =	sadd.s32 s18, s9;
	s9 =	simm.s32 $0x9400  }
0x1c: {  	[tilespmem:s9], [sflag:$0x1] =	stream.linear.gather [hbm4b:s15+s7], $0x80, $0x38;
	[tilespmem:$0x1D780] =	vst v63  }
0x1d: {  	s13 =	sshrl.u32 s13, $0x3;
	s11 =	sadd.s32 s23, s25;
	s10 =	simm.s32 $0x5400  }
0x1e: {  	[tilespmem:s10], [sflag:$0x2] =	stream.linear.gather [hbm4b:s11+s7], $0x4000, $0x38;
	[tilespmem:$0x1D780] =	vst v63  }
0x1f: {  	s13 =	sadd.s32 s18, s13;
	s11 =	simm.s32 $0x9480  }
0x20: {  	[tilespmem:s11], [sflag:$0x2] =	stream.linear.gather [hbm4b:s13+s7], $0x80, $0x38;
	[tilespmem:$0x1D780] =	vst v63  }
0x21: {  	s13 =	simm.s32 $0x1  }
0x22: {  	_ =	swait.ge [sflag:s13], $0x4000  }
0x23: {  	[sflag:s13] =	ssyncset.done $0x0  }
0x24: {  	[sflag:s13] =	ssyncadd.s32 $0xFFFFC000  }
0x25: {  	_ =	swait.ge [sflag:s13], $0x80  }
0x26: {  	[sflag:s13] =	ssyncset.done $0x0  }
0x27: {  	s20 =	simm.s32 $0x0;
	s15 =	simm.s32 $0x80;
	[sflag:s13] =	ssyncadd.s32 $0xFFFFFF80  }
0x28: {  	[spmem:s3] =	stream.indirect.scatter.add.f32 [tilespmem:s8], [sflag:$0x3], $0x80, s20, s15, $0xb8;
	[tilespmem:$0x1D780] =	vst v63  }
0x29: {  	s16 =	simm.s32 $0x3  }
0x2a: {  	[spmem:s2] =	stream.indirect.scatter.add.f32 [tilespmem:s9], [sflag:$0x3], $0x1, s20, s15, $0xb8;
	[tilespmem:$0x1D780] =	vst v63  }
0x2b: {  	_ =	swait.ge [sflag:s16], $0x4000  }
0x2c: {  	[sflag:s16] =	ssyncset.done $0x0  }
0x2d: {  	[sflag:s16] =	ssyncadd.s32 $0xFFFFC000  }
0x2e: {  	_ =	swait.ge [sflag:s16], $0x80  }
0x2f: {  	s21 =	sadd.s32 $0x1800, s19;
	s17 =	sadd.s32 s17, s18;
	[sflag:s16] =	ssyncset.done $0x0  }
0x30: {  	s26 =	sadd.s32 $0xFFFFF800, s21;
	s17 =	sadd.s32 $0x30, s17;
	[sflag:s16] =	ssyncadd.s32 $0xFFFFFF80  }
0x31: {  	[tilespmem:s8], [sflag:$0x1] =	stream.linear.gather [hbm4b:s26+s7], $0x4000, $0x38;
	[tilespmem:$0x1D780] =	vst v63  }
0x32: {  	s28 =	sadd.s32 $0xFFFFFFF0, s17;
	s18 =	simm.s32 $0x2  }
0x33: {  	[tilespmem:s9], [sflag:$0x1] =	stream.linear.gather [hbm4b:s28+s7], $0x80, $0x38;
	[tilespmem:$0x1D780] =	vst v63  }
0x34: {  	_ =	swait.ge [sflag:s18], $0x4000  }
0x35: {  	[sflag:s18] =	ssyncset.done $0x0  }
0x36: {  	[sflag:s18] =	ssyncadd.s32 $0xFFFFC000  }
0x37: {  	_ =	swait.ge [sflag:s18], $0x80  }
0x38: {  	[sflag:s18] =	ssyncset.done $0x0  }
0x39: {  	s29 =	simm.s32 $0x80;
	[sflag:s18] =	ssyncadd.s32 $0xFFFFFF80  }
0x3a: {  	[spmem:s3] =	stream.indirect.scatter.add.f32 [tilespmem:s10], [sflag:$0x4], $0x80, s29, s15, $0xb8;
	[tilespmem:$0x1D780] =	vst v63  }
0x3b: {  	s19 =	simm.s32 $0x4  }
0x3c: {  	[spmem:s2] =	stream.indirect.scatter.add.f32 [tilespmem:s11], [sflag:$0x4], $0x1, s29, s15, $0xb8;
	[tilespmem:$0x1D780] =	vst v63  }
0x3d: {  	_ =	swait.ge [sflag:s19], $0x4000  }
0x3e: {  	[sflag:s19] =	ssyncset.done $0x0  }
0x3f: {  	[sflag:s19] =	ssyncadd.s32 $0xFFFFC000  }
0x40: {  	s30 =	smul.u32 $0x2800, s1;
	_ =	swait.ge [sflag:s19], $0x80  }
0x41: {  	s31 =	sadd.s32 s14, s12;
	s22 =	sadd.s32 $0x20, s17;
	[sflag:s19] =	ssyncset.done $0x0  }
0x42: {  	s20 =	sadd.s32 s30, s12;
	s12 =	sadd.s32 $0x19A00, s31;
	[sflag:s19] =	ssyncadd.s32 $0xFFFFFF80  }
0x43: {  	[tilespmem:s10], [sflag:$0x2] =	stream.linear.gather [hbm4b:s21+s7], $0x4000, $0x38;
	[tilespmem:$0x1D780] =	vst v63  }
0x44: {  	s14 =	sadd.s32 $0x1A000, s20;
	s20 =	simm.s32 $0x400;
	s21 =	sadd.s32 $0x1000, s21  }
.LBB2_2:
0x45: {  	[tilespmem:s11], [sflag:$0x2] =	stream.linear.gather [hbm4b:s17+s7], $0x80, $0x38;
	[tilespmem:$0x1D780] =	vst v63  }
0x46: {  	s23 =	smov.u32 s20;
	s17 =	smov.u32 s22  }
0x47: {  	p0 =	sne.s32 s20, $0x4800;
	s20 =	sadd.s32 $0x400, s20;
	_ =	swait.ge [sflag:s13], $0x4000  }
0x48: {  	[sflag:s13] =	ssyncset.done $0x0  }
0x49: {  	[sflag:s13] =	ssyncadd.s32 $0xFFFFC000  }
0x4a: {  	_ =	swait.ge [sflag:s13], $0x80  }
0x4b: {  	[sflag:s13] =	ssyncset.done $0x0  }
0x4c: {  	s23 =	sshra.s32 s23, $0x2;
	[sflag:s13] =	ssyncadd.s32 $0xFFFFFF80  }
0x4d: {  	[spmem:s3] =	stream.indirect.scatter.add.f32 [tilespmem:s8], [sflag:$0x3], $0x80, s23, s15, $0xb8;
	[tilespmem:$0x1D780] =	vst v63  }
0x4e: {  	_ = 	snop  }
0x4f: {  	[spmem:s2] =	stream.indirect.scatter.add.f32 [tilespmem:s9], [sflag:$0x3], $0x1, s23, s15, $0xb8;
	[tilespmem:$0x1D780] =	vst v63  }
0x50: {  	_ =	swait.ge [sflag:s16], $0x4000  }
0x51: {  	[sflag:s16] =	ssyncset.done $0x0  }
0x52: {  	[sflag:s16] =	ssyncadd.s32 $0xFFFFC000  }
0x53: {  	_ =	swait.ge [sflag:s16], $0x80  }
0x54: {  	[sflag:s16] =	ssyncset.done $0x0  }
0x55: {  	s24 =	sadd.s32 $0xFFFFF800, s21;
	[sflag:s16] =	ssyncadd.s32 $0xFFFFFF80  }
0x56: {  	[tilespmem:s8], [sflag:$0x1] =	stream.linear.gather [hbm4b:s24+s7], $0x4000, $0x38;
	[tilespmem:$0x1D780] =	vst v63  }
0x57: {  	s24 =	sadd.s32 $0xFFFFFFF0, s22  }
0x58: {  	[tilespmem:s9], [sflag:$0x1] =	stream.linear.gather [hbm4b:s24+s7], $0x80, $0x38;
	[tilespmem:$0x1D780] =	vst v63  }
0x59: {  	_ =	swait.ge [sflag:s18], $0x4000  }
0x5a: {  	[sflag:s18] =	ssyncset.done $0x0  }
0x5b: {  	[sflag:s18] =	ssyncadd.s32 $0xFFFFC000  }
0x5c: {  	_ =	swait.ge [sflag:s18], $0x80  }
0x5d: {  	[sflag:s18] =	ssyncset.done $0x0  }
0x5e: {  	s23 =	sadd.s32 $0x80, s23;
	[sflag:s18] =	ssyncadd.s32 $0xFFFFFF80  }
0x5f: {  	[spmem:s3] =	stream.indirect.scatter.add.f32 [tilespmem:s10], [sflag:$0x4], $0x80, s23, s15, $0xb8;
	[tilespmem:$0x1D780] =	vst v63  }
0x60: {  	_ = 	snop  }
0x61: {  	[spmem:s2] =	stream.indirect.scatter.add.f32 [tilespmem:s11], [sflag:$0x4], $0x1, s23, s15, $0xb8;
	[tilespmem:$0x1D780] =	vst v63  }
0x62: {  	_ =	swait.ge [sflag:s19], $0x4000  }
0x63: {  	[sflag:s19] =	ssyncset.done $0x0  }
0x64: {  	[sflag:s19] =	ssyncadd.s32 $0xFFFFC000  }
.Ltmp1:
0x65: {  	_ =	swait.ge [sflag:s19], $0x80;
	(pc) =	sbr.rel @p0 .LBB2_2-.Ltmp1, $4  }
0x66: {  	[sflag:s19] =	ssyncset.done $0x0  }
0x67: {  	[sflag:s19] =	ssyncadd.s32 $0xFFFFFF80  }
0x68: {  	[tilespmem:s10], [sflag:$0x2] =	stream.linear.gather [hbm4b:s21+s7], $0x4000, $0x38;
	[tilespmem:$0x1D780] =	vst v63  }
0x69: {  	s22 =	sadd.s32 $0x20, s22;
	s21 =	sadd.s32 $0x1000, s21  }
0x6a: {  	[tilespmem:s11], [sflag:$0x2] =	stream.linear.gather [hbm4b:s17+s7], $0x80, $0x38;
	[tilespmem:$0x1D780] =	vst v63  }
0x6b: {  	s21 =	simm.s32 $0x1  }
0x6c: {  	_ =	swait.ge [sflag:s21], $0x4000  }
0x6d: {  	[sflag:s21] =	ssyncset.done $0x0  }
0x6e: {  	[sflag:s21] =	ssyncadd.s32 $0xFFFFC000  }
0x6f: {  	_ =	swait.ge [sflag:s21], $0x80  }
0x70: {  	s22 =	simm.s32 $0x80;
	[sflag:s21] =	ssyncset.done $0x0  }
0x71: {  	s8 =	simm.s32 $0x1300;
	s9 =	simm.s32 $0x1400;
	[sflag:s21] =	ssyncadd.s32 $0xFFFFFF80  }
0x72: {  	[spmem:s3] =	stream.indirect.scatter.add.f32 [tilespmem:s9], [sflag:$0x3], $0x80, s8, s22, $0xb8;
	[tilespmem:$0x1D780] =	vst v63  }
0x73: {  	s23 =	simm.s32 $0x9400;
	s24 =	simm.s32 $0x3  }
0x74: {  	[spmem:s2] =	stream.indirect.scatter.add.f32 [tilespmem:s23], [sflag:$0x3], $0x1, s8, s22, $0xb8;
	[tilespmem:$0x1D780] =	vst v63  }
0x75: {  	_ =	swait.ge [sflag:s24], $0x4000  }
0x76: {  	[sflag:s24] =	ssyncset.done $0x0  }
0x77: {  	[sflag:s24] =	ssyncadd.s32 $0xFFFFC000  }
0x78: {  	_ =	swait.ge [sflag:s24], $0x80  }
0x79: {  	[sflag:s24] =	ssyncset.done $0x0  }
0x7a: {  	s25 =	simm.s32 $0x2;
	[sflag:s24] =	ssyncadd.s32 $0xFFFFFF80  }
0x7b: {  	_ =	swait.ge [sflag:s25], $0x4000  }
0x7c: {  	[sflag:s25] =	ssyncset.done $0x0  }
0x7d: {  	[sflag:s25] =	ssyncadd.s32 $0xFFFFC000  }
0x7e: {  	_ =	swait.ge [sflag:s25], $0x80  }
0x7f: {  	[sflag:s25] =	ssyncset.done $0x0  }
0x80: {  	s26 =	simm.s32 $0x1380;
	s28 =	simm.s32 $0x5400;
	[sflag:s25] =	ssyncadd.s32 $0xFFFFFF80  }
0x81: {  	[spmem:s3] =	stream.indirect.scatter.add.f32 [tilespmem:s28], [sflag:$0x4], $0x80, s26, s22, $0xb8;
	[tilespmem:$0x1D780] =	vst v63  }
0x82: {  	s29 =	simm.s32 $0x9480;
	s30 =	simm.s32 $0x4  }
0x83: {  	[spmem:s2] =	stream.indirect.scatter.add.f32 [tilespmem:s29], [sflag:$0x4], $0x1, s26, s22, $0xb8;
	[tilespmem:$0x1D780] =	vst v63  }
0x84: {  	_ =	swait.ge [sflag:s30], $0x4000  }
0x85: {  	[sflag:s30] =	ssyncset.done $0x0  }
0x86: {  	[sflag:s30] =	ssyncadd.s32 $0xFFFFC000  }
0x87: {  	_ =	swait.ge [sflag:s30], $0x80  }
0x88: {  	[sflag:s30] =	ssyncset.done $0x0  }
0x89: {  	[sflag:s30] =	ssyncadd.s32 $0xFFFFFF80  }
0x8a: {  	s31 =	simm.s32 $0x5;
	[bflag:$0x0] =	sbarrier.arrive $0xFFFF  }
0x8b: {  	[hbm:s14], [sflag:s4] =	dma.local [spmem:s5], $0x2800  }
0x8c: {  	_ =	swait.ge [sflag:s31], $0x2800  }
0x8d: {  	[sflag:s31] =	ssyncset.done $0x0  }
0x8e: {  	[sflag:s31] =	ssyncadd.s32 $0xFFFFD800  }
0x8f: {  	[hbm:s12], [sflag:s4] =	dma.local [spmem:s6], $0x50  }
0x90: {  	_ =	swait.ge [sflag:s31], $0x50  }
0x91: {  	[sflag:s31] =	ssyncset.done $0x0  }
0x92: {  	[sflag:s31] =	ssyncadd.s32 $0xFFFFFFB0  }
.LBB2_4:
0x93: {  	_ =	sfence.sel $0x180000  }
0x94: {  	[bflag:$0x0] =	sbarrier.arrive $0xFFFF  }
0x95: {  	p0 =	sne.s32 s1, $0x0;
	_ =	strace $0x9000004D  }
0x96: {  	s0 =	sadd.s32 @!p0 $0x100000, s0;
	[bflag:$0x2] =	sbarrier.arrive $0xFFFF  }
0x97: {  	[sflag:s0] =	ssyncadd.tile.s32 @!p0 $0x1;
	_ =	shalt  }
.Lfunc_end2:
_tile_overlayer_lowered:
.L_overlay_start_2:
0x98: {  	(tag) =	ssettag $0x2  }
0x99: {  	s0 =	rddreg [dreg:$0x0];
	s2 =	stileid.u32  }
0x9a: {  	s1 =	rddreg [dreg:$0x1];
	p0 =	sne.s32 s2, $0x0  }
0x9b: {  	s3 =	rddreg [dreg:$0x2];
	[bflag:$0x3] =	sbarrier.arrive $0xFFFF;
	s2 =	simm.s32 @!p0 $0x1C05  }
0x9c: {  	[timem:s3], [sflag:s2] =	dma.local @!p0 [hbm:s0], s1  }
0x9d: {  	s0 =	simm.s32 @!p0 $0x5  }
0x9e: {  	_ =	swait.ge @!p0 [sflag:s0], s1  }
0x9f: {  	s1 =	ssub.s32 @!p0 $0x0, s1;
	[sflag:s0] =	ssyncset.done @!p0 $0x0  }
0xa0: {  	[sflag:s0] =	ssyncadd.s32 @!p0 s1  }
0xa1: {  	[bflag:$0x3] =	sbarrier.arrive $0xFFFF  }
0xa2: {  	_ =	shalt  }

// kernel: kernel.20.cloned.1.call-start
scs
__scs_entry_jumppad:
0x0: {  	(pc) =	sbr.rel $0x88, $3  }
0x1: {  	(tag) =	ssettag $0x0;
	lr =	simm.s32 $0x1  }
0x2: {  	[smem:$0x3F93] =	sst lr;
	_ =	strace $0xD0000000  }
0x3: {  	_ = 	snop  }
0x4: {  	_ = 	snop  }
0x5: {  	_ = 	snop  }
0x6: {  	_ = 	snop  }
0x7: {  	_ = 	snop  }
__scs_overlays_trampoline_lowered:
0x8: {  	[smem:$0x3FA2] =	sst s0  }
0x9: {  	[smem:$0x3FA3] =	sst s1  }
0xa: {  	[smem:$0x3FA4] =	sst s2  }
0xb: {  	[smem:$0x3FA5] =	sst s3  }
0xc: {  	[smem:$0x3FA6] =	sst s4  }
0xd: {  	[smem:$0x3FA7] =	sst s5  }
0xe: {  	[smem:$0x3FA8] =	sst s6  }
0xf: {  	[smem:$0x3FA9] =	sst s7  }
0x10: {  	[smem:$0x3FAA] =	sst s8  }
0x11: {  	[smem:$0x3FAB] =	sst s9;
	s0 =	simm.s32 @!p0 $0x0  }
0x12: {  	s1 =	sld [smem:$0x3F91];
	s0 =	simm.s32 @p0 $0x1  }
0x13: {  	[smem:$0x3FAC] =	sst s0;
	s0 =	simm.s32 @!p1 $0x0  }
0x14: {  	s2 =	sld [smem:$0x3F90];
	s0 =	simm.s32 @p1 $0x1  }
0x15: {  	[smem:$0x3FAD] =	sst s0;
	s0 =	simm.s32 @!p2 $0x0  }
0x16: {  	s3 =	sld [smem:$0x3FDB];
	s0 =	simm.s32 @p2 $0x1  }
0x17: {  	s4 =	simm.s32 $0x1BF5;
	[smem:$0x3FAF] =	sst s0  }
0x18: {  	s0 =	sld [smem:$0x3F92];
	_ =	swait.ge [sflag:s4], $0x0  }
0x19: {  	s7 =	sld [smem:$0x3F93]  }
0x1a: {  	s8 =	sadd.s32 $0xFFFFE003, lr  }
0x1b: {  	s9 =	sadd.s32 $0xFFFFFEF7, lr;
	s5 =	simm.s32 $0xFFFFFFFF;
	p2 =	slt.u32 s8, $0xFFFFF086  }
0x1c: {  	p1 =	slt.u32 s9, $0xF7A;
	s5 =	simm.s32 @!p2 $0x0  }
0x1d: {  	s5 =	simm.s32 @p1 $0x1;
	p0 =	seq.s32 s7, s2  }
0x1e: {  	s7 =	smul.u32 @!p0 $0xF7A, s2;
	p2 =	seq.s32 @!p0 s5, $0x0  }
0x1f: {  	s9 =	smul.u32 $0xF7A, s1;
	s8 =	simm.s32 @!p0 $0x1BF5;
	p2 =	por !p2, p0  }
0x20: {  	[sflag:s8] =	ssyncset.s32 @!p0 $0xFFFFF086;
	s6 =	sadd.s32 @!p0 s3, s7;
	s7 =	simm.s32 @!p0 $0x108  }
0x21: {  	s3 =	sadd.s32 s3, s9;
	s6 =	sadd.s32 @!p0 $0x88, s6;
	s7 =	simm.s32 @p2 $0x1082  }
0x22: {  	[simem:s7], [sflag:s8] =	dma.local @!p0 [hbm:s6], $0xF7A  }
0x23: {  	s9 =	sor.u32 $0xD0000000, s2;
	s6 =	simm.s32 $0x108;
	_ =	swait.ge @!p0 [sflag:s8], $0x0  }
0x24: {  	s3 =	sadd.s32 $0x88, s3;
	s6 =	simm.s32 @!p1 $0x1082;
	[sflag:s4] =	ssyncset.s32 $0xFFFFF086  }
0x25: {  	[simem:s6], [sflag:s4] =	dma.local [hbm:s3], $0xF7A  }
0x26: {  	[smem:$0x3F93] =	sst s1;
	(tag) =	ssettag s2;
	_ =	strace s9  }
0x27: {  	s1 =	sld [smem:$0x3FA3]  }
0x28: {  	s2 =	sld [smem:$0x3FA4]  }
0x29: {  	s4 =	sld [smem:$0x3FA6]  }
0x2a: {  	p0 =	seq.s32 s5, $0x0;
	s5 =	sld [smem:$0x3FA7]  }
0x2b: {  	s6 =	sld [smem:$0x3FA8]  }
0x2c: {  	s7 =	sld [smem:$0x3FA9]  }
0x2d: {  	s3 =	simm.s32 $0x108;
	s8 =	sld [smem:$0x3FAA]  }
0x2e: {  	s3 =	simm.s32 @!p0 $0x1082;
	s9 =	sld [smem:$0x3FAB]  }
0x2f: {  	lr =	sadd.s32 s0, s3;
	s0 =	sld [smem:$0x3FA2]  }
0x30: {  	s3 =	sld [smem:$0x3FA5]  }
0x31: {  	[smem:$0x3FAE] =	sst s10  }
0x32: {  	s10 =	sld [smem:$0x3FAC];
	_ =	sdelay $0x3  }
0x33: {  	p0 =	seq.s32 s10, $0x1;
	s10 =	sld [smem:$0x3FAE];
	_ =	sdelay $0x3  }
0x34: {  	[smem:$0x3FAE] =	sst s10  }
0x35: {  	s10 =	sld [smem:$0x3FAD];
	_ =	sdelay $0x3  }
0x36: {  	p1 =	seq.s32 s10, $0x1;
	s10 =	sld [smem:$0x3FAE];
	_ =	sdelay $0x3  }
0x37: {  	[smem:$0x3FAE] =	sst s10  }
0x38: {  	s10 =	sld [smem:$0x3FAF]  }
0x39: {  	_ = 	snop;
	(pc) =	sbr.ind lr, $3  }
0x3a: {  	_ = 	snop  }
0x3b: {  	_ = 	snop  }
0x3c: {  	p2 =	seq.s32 s10, $0x1;
	s10 =	sld [smem:$0x3FAE]  }
0x3d: {  	_ =	shalt  }
0x3e: {  	_ =	shalt  }
0x3f: {  	_ =	shalt  }
0x40: {  	_ =	shalt  }
0x41: {  	_ =	shalt  }
0x42: {  	_ =	shalt  }
0x43: {  	_ =	shalt  }
0x44: {  	_ =	shalt  }
0x45: {  	_ =	shalt  }
0x46: {  	_ =	shalt  }
0x47: {  	_ =	shalt  }
0x48: {  	_ =	shalt  }
0x49: {  	_ =	shalt  }
0x4a: {  	_ =	shalt  }
0x4b: {  	_ =	shalt  }
0x4c: {  	_ =	shalt  }
0x4d: {  	_ =	shalt  }
0x4e: {  	_ =	shalt  }
0x4f: {  	_ =	shalt  }
0x50: {  	_ =	shalt  }
0x51: {  	_ =	shalt  }
0x52: {  	_ =	shalt  }
0x53: {  	_ =	shalt  }
0x54: {  	_ =	shalt  }
0x55: {  	_ =	shalt  }
0x56: {  	_ =	shalt  }
0x57: {  	_ =	shalt  }
0x58: {  	_ =	shalt  }
0x59: {  	_ =	shalt  }
0x5a: {  	_ =	shalt  }
0x5b: {  	_ =	shalt  }
0x5c: {  	_ =	shalt  }
0x5d: {  	_ =	shalt  }
0x5e: {  	_ =	shalt  }
0x5f: {  	_ =	shalt  }
0x60: {  	_ =	shalt  }
0x61: {  	_ =	shalt  }
0x62: {  	_ =	shalt  }
0x63: {  	_ =	shalt  }
0x64: {  	_ =	shalt  }
0x65: {  	_ =	shalt  }
0x66: {  	_ =	shalt  }
0x67: {  	_ =	shalt  }
0x68: {  	_ =	shalt  }
0x69: {  	_ =	shalt  }
0x6a: {  	_ =	shalt  }
0x6b: {  	_ =	shalt  }
0x6c: {  	_ =	shalt  }
0x6d: {  	_ =	shalt  }
0x6e: {  	_ =	shalt  }
0x6f: {  	_ =	shalt  }
0x70: {  	_ =	shalt  }
0x71: {  	_ =	shalt  }
0x72: {  	_ =	shalt  }
0x73: {  	_ =	shalt  }
0x74: {  	_ =	shalt  }
0x75: {  	_ =	shalt  }
0x76: {  	_ =	shalt  }
0x77: {  	_ =	shalt  }
0x78: {  	_ =	shalt  }
0x79: {  	_ =	shalt  }
0x7a: {  	_ =	shalt  }
0x7b: {  	_ =	shalt  }
0x7c: {  	_ =	shalt  }
0x7d: {  	_ =	shalt  }
0x7e: {  	_ =	shalt  }
0x7f: {  	_ =	shalt  }
0x80: {  	_ =	shalt  }
0x81: {  	_ =	shalt  }
0x82: {  	_ =	shalt  }
0x83: {  	_ =	shalt  }
0x84: {  	_ =	shalt  }
0x85: {  	_ =	shalt  }
0x86: {  	_ =	shalt  }
0x87: {  	_ =	shalt  }
.Lfunc_end0:
.L_simem_size_0:
called_computation.3_lowered:
.L_overlay_start_0:
0x88: {  	s2 =	sld [smem:$0x3FD9]  }
0x89: {  	s3 =	sld [smem:$0x3FFE];
	_ =	sdelay $0x1  }
0x8a: {  	s1 =	srdreg.scid  }
0x8b: {  	s0 =	sand.u32 $0x1, s1  }
0x8c: {  	s17 =	sshll.u32 s0, $0xA;
	s2 =	sadd.s32 s3, s2  }
0x8d: {  	s2 =	sadd.s32 s2, s17  }
0x8e: {  	[smem:$0x3FBA] =	sst s2  }
0x8f: {  	_ = 	snop  }
0x90: {  	s18 =	sld [smem:$0x3FD0];
	(tm) =	ssettm $0x1  }
0x91: {  	s19 =	sld [smem:$0x3FFB];
	_ =	sdelay $0x3  }
0x92: {  	_ =	strace s19  }
0x93: {  	s2 =	sld [smem:$0x3FFC];
	_ =	sdelay $0x3  }
0x94: {  	_ =	strace s2  }
0x95: {  	s2 =	sld [smem:$0x3FFD];
	_ =	sdelay $0x3  }
0x96: {  	_ =	strace s2  }
0x97: {  	_ =	strace $0x8FFFFFFF  }
0x98: {  	s20 =	sld [smem:$0x3FDB];
	_ =	sdelay $0x1  }
0x99: {  	s4 =	simm.s32 $_scs_section_size  }
0x9a: {  	s5 =	simm.s32 $_size__tile_overlayer_lowered;
	s6 =	simm.s32 $_tile_overlayer_lowered  }
0x9b: {  	s7 =	simm.s32 $0x1BFF;
	s21 =	sshll.u32 s6, $0x1;
	s4 =	sadd.s32 s4, s20  }
0x9c: {  	s22 =	simm.s32 $0x0;
	s5 =	sshll.u32 s5, $0x1;
	s6 =	sadd.s32 s21, s4  }
0x9d: {  	[timem:s22], [sflag:s7] =	dma.local [hbm:s6], s5  }
0x9e: {  	_ =	swait.ge [sflag:s7], s5  }
0x9f: {  	s5 =	ssub.s32 $0x0, s5;
	[sflag:s7] =	ssyncset.done $0x0  }
0xa0: {  	[sflag:s7] =	ssyncadd.s32 s5;
	_ =	sdelay $0x1  }
0xa1: {  	s23 =	simm.s32 $0x1B8B  }
0xa2: {  	_ =	swait.ge [sflag:s23], $0x1  }
0xa3: {  	[sflag:s23] =	ssyncset.done $0x0  }
0xa4: {  	[sflag:s23] =	ssyncadd.s32 $0xFFFFFFFF  }
0xa5: {  	s5 =	sld [smem:$0x0]  }
0xa6: {  	s6 =	sand.u32 $0xFFFFFFFE, s1  }
0xa7: {  	p0 =	sne.s32 s1, s6  }
0xa8: {  	s6 =	sshll.u32 @p0 s6, $0xE  }
0xa9: {  	s6 =	sadd.s32 @p0 $0x11B8D, s6;
	s7 =	sshll.u32 @p0 s5, $0x11  }
0xaa: {  	s6 =	sor.u32 @p0 s7, s6  }
0xab: {  	[sflag:s6] =	ssyncadd.remote.s32 @p0 $0x1;
	_ =	sdelay $0x1  }
0xac: {  	s6 =	simm.s32 @p0 $0x1B8D  }
0xad: {  	_ =	swait.eq @p0 [sflag:s6], $0x1  }
0xae: {  	[sflag:s6] =	ssyncadd.s32 @p0 $0xFFFFFFFF  }
0xaf: {  	s7 =	sshll.u32 @!p0 s1, $0xE  }
0xb0: {  	s7 =	sor.u32 @!p0 $0x4000, s7;
	s6 =	simm.s32 @!p0 $0x1B8D  }
0xb1: {  	s5 =	sshll.u32 @!p0 s5, $0x11;
	s7 =	sadd.s32 @!p0 $0x11B8D, s7;
	_ =	swait.eq @!p0 [sflag:s6], $0x1  }
0xb2: {  	s5 =	sor.u32 @!p0 s5, s7;
	[sflag:s6] =	ssyncadd.s32 @!p0 $0xFFFFFFFF  }
0xb3: {  	s25 =	simm.s32 $0x1B8E;
	s24 =	sld [smem:$0x3FFE];
	[sflag:s5] =	ssyncadd.remote.s32 @!p0 $0x1  }
0xb4: {  	s26 =	simm.s32 $execute0_lowered;
	[smem:$0x3FD2] =	sst s25  }
0xb5: {  	s6 =	sshll.u32 s26, $0x1;
	_ =	strace $0x8000004F;
	[dreg:$0x1] =	wrdreg $0xFFFFFFFF  }
0xb6: {  	s28 =	simm.s32 $_size_execute0_lowered;
	s4 =	sadd.s32 s4, s6;
	[dreg:$0x0] =	wrdreg $0x0  }
0xb7: {  	s6 =	sshll.u32 s28, $0x1;
	[dreg:$0x2] =	wrdreg s4  }
0xb8: {  	[dreg:$0x3] =	wrdreg s6  }
0xb9: {  	[dreg:$0x4] =	wrdreg $0xC0  }
0xba: {  	_ =	task [dreg:s22], $0x5FFFF  }
0xbb: {  	[dreg:$0x1] =	wrdreg $0xFFFFFFFF  }
0xbc: {  	[dreg:$0x0] =	wrdreg $0x60  }
0xbd: {  	[dreg:$0x2] =	wrdreg s24  }
0xbe: {  	[dreg:$0x3] =	wrdreg s18  }
0xbf: {  	[dreg:$0x4] =	wrdreg $0x95000  }
0xc0: {  	[dreg:$0x5] =	wrdreg $0x1D5000  }
0xc1: {  	[dreg:$0x6] =	wrdreg $0x9  }
0xc2: {  	_ =	task.clear_ibuf [dreg:s22], $0x7FFFF;
	_ =	strace $0x9000004F  }
0xc3: {  	s29 =	simm.s32 $0x9;
	_ =	strace $0x80000051  }
0xc4: {  	_ =	swait.ge [sflag:s29], $0x1  }
0xc5: {  	[sflag:s29] =	ssyncadd.s32 $0xFFFFFFFF  }
0xc6: {  	_ =	strace $0x90000051  }
0xc7: {  	_ =	sfence  }
0xc8: {  	s30 =	sld [smem:$0x0];
	_ =	sdelay $0x2  }
0xc9: {  	s31 =	sshll.u32 s1, $0xD;
	s1 =	sshrl.u32 s1, $0x2  }
0xca: {  	s4 =	sand.u32 $0x4000, s31;
	s1 =	sadd.s32 s1, s30  }
0xcb: {  	s0 =	sor.u32 s4, s0;
	s1 =	sshll.u32 s1, $0x11  }
0xcc: {  	s0 =	sor.u32 s1, s0  }
0xcd: {  	s0 =	sadd.s32 $0x8F2B, s0  }
0xce: {  	[sflag:s0] =	ssyncadd.remote.s32 $0x1  }
0xcf: {  	_ =	sfence.sel $0xFFFF  }
0xd0: {  	[dreg:$0x0] =	wrdreg $0xFFFFFFFF;
	(pc) =	sbr.abs _section_cstart, $3  }
0xd1: {  	[dreg:$0x1] =	wrdreg $0xFFFFFFFF  }
0xd2: {  	_ =	task.clear_ibuf [dreg:s22], $0x2FFFF;
	_ =	strace $0x9FFFFFFF  }
0xd3: {  	(tm) =	ssettm $0x7FFFFFFF  }
tec
execute0_lowered:
.L_overlay_start_1:
0x0: {  	(tag) =	ssettag $0x1  }
0x1: {  	s1 =	srdreg.scid  }
0x2: {  	s1 =	sand.u32 $0x1, s1  }
0x3: {  	s12 =	rddreg [dreg:$0x0];
	p0 =	seq.s32 s1, $0x0  }
.Ltmp0:
0x4: {  	s17 =	rddreg [dreg:$0x1];
	(pc) =	sbr.rel @p0 .LBB2_4-.Ltmp0, $4  }
0x5: {  	s3 =	rddreg [dreg:$0x2]  }
0x6: {  	s2 =	rddreg [dreg:$0x3];
	s7 =	simm.s32 $0x0  }
0x7: {  	[smem:$0x7FF] =	sst s7  }
0x8: {  	s0 =	rddreg [dreg:$0x4];
	_ =	strace $0x80000050;
	s1 =	stileid.u32  }
0x9: {  	s4 =	smul.u32 $0x50000, s1;
	_ =	sdelay $0x1  }
0xa: {  	s6 =	sadd.s32 $0x16C00, s12;
	s4 =	sshrl.u32 s4, $0x2  }
0xb: {  	s15 =	sshll.u32 s1, $0x6;
	s18 =	smul.u32 $0x280, s1;
	s5 =	sadd.s32 s4, s3  }
0xc: {  	s8 =	simm.s32 $0x5;
	s4 =	sor.u32 $0x1C05, s15;
	s5 =	sshrl.u32 s5, $0x3  }
0xd: {  	[spmem:s5], [sflag:s4] =	dma.local [hbm:s6], $0x2800  }
0xe: {  	s16 =	sadd.s32 $0x19400, s12;
	s9 =	smul.u32 $0x1400, s1;
	_ =	swait.ge [sflag:s8], $0x2800  }
0xf: {  	s14 =	sshrl.u32 s18, $0x3;
	s10 =	sadd.s32 s18, s2;
	[sflag:s8] =	ssyncset.done $0x0  }
0x10: {  	s11 =	sadd.s32 s16, s14;
	s6 =	sshrl.u32 s10, $0x3;
	[sflag:s8] =	ssyncadd.s32 $0xFFFFD800  }
0x11: {  	[spmem:s6], [sflag:s4] =	dma.local [hbm:s11], $0x50  }
0x12: {  	s19 =	sadd.s32 $0xA400, s12;
	s20 =	sshrl.u32 s9, $0x3;
	_ =	swait.ge [sflag:s8], $0x50  }
0x13: {  	s10 =	sadd.s32 s19, s20;
	[sflag:s8] =	ssyncset.done $0x0  }
0x14: {  	s10 =	sadd.s32 $0x2800, s10;
	[sflag:s8] =	ssyncadd.s32 $0xFFFFFFB0  }
0x15: {  	[tilespmem:s7], [sflag:$0x5] =	stream.linear.gather [hbm4b:s10+s7], $0x1400, $0x38;
	[tilespmem:$0x1D780] =	vst v63  }
0x16: {  	_ =	swait.ge [sflag:s8], $0x1400  }
0x17: {  	s21 =	smul.u32 $0x14000, s1;
	[sflag:s8] =	ssyncset.done $0x0  }
0x18: {  	s13 =	sadd.s32 $0x42000, s12;
	s15 =	sor.u32 $0x80, s9;
	[sflag:s8] =	ssyncadd.s32 $0xFFFFEC00  }
0x19: {  	s19 =	sadd.s32 s13, s21;
	s8 =	simm.s32 $0x1400;
	[bflag:$0x0] =	sbarrier.arrive $0xFFFF  }
0x1a: {  	[tilespmem:s8], [sflag:$0x1] =	stream.linear.gather [hbm4b:s19+s7], $0x4000, $0x38;
	[tilespmem:$0x1D780] =	vst v63  }
0x1b: {  	s9 =	simm.s32 $0x9400;
	s22 =	sshll.u32 s15, $0x4;
	s11 =	sadd.s32 s17, s20  }
0x1c: {  	[tilespmem:s9], [sflag:$0x1] =	stream.linear.gather [hbm4b:s11+s7], $0x80, $0x38;
	[tilespmem:$0x1D780] =	vst v63  }
0x1d: {  	s23 =	sshrl.u32 s15, $0x3;
	s13 =	sadd.s32 s13, s22;
	s10 =	simm.s32 $0x5400  }
0x1e: {  	[tilespmem:s10], [sflag:$0x2] =	stream.linear.gather [hbm4b:s13+s7], $0x4000, $0x38;
	[tilespmem:$0x1D780] =	vst v63  }
0x1f: {  	s24 =	sadd.s32 s17, s23;
	s11 =	simm.s32 $0x9480;
	s13 =	simm.s32 $0x1  }
0x20: {  	[tilespmem:s11], [sflag:$0x2] =	stream.linear.gather [hbm4b:s24+s7], $0x80, $0x38;
	[tilespmem:$0x1D780] =	vst v63  }
0x21: {  	_ =	swait.ge [sflag:s13], $0x4000  }
0x22: {  	[sflag:s13] =	ssyncset.done $0x0  }
0x23: {  	[sflag:s13] =	ssyncadd.s32 $0xFFFFC000  }
0x24: {  	_ =	swait.ge [sflag:s13], $0x80  }
0x25: {  	[sflag:s13] =	ssyncset.done $0x0  }
0x26: {  	s15 =	simm.s32 $0x80;
	s20 =	simm.s32 $0x0;
	[sflag:s13] =	ssyncadd.s32 $0xFFFFFF80  }
0x27: {  	[spmem:s3] =	stream.indirect.scatter.add.f32 [tilespmem:s8], [sflag:$0x3], $0x80, s20, s15, $0xb8;
	[tilespmem:$0x1D780] =	vst v63  }
0x28: {  	s16 =	simm.s32 $0x3  }
0x29: {  	[spmem:s2] =	stream.indirect.scatter.add.f32 [tilespmem:s9], [sflag:$0x3], $0x1, s20, s15, $0xb8;
	[tilespmem:$0x1D780] =	vst v63  }
0x2a: {  	_ =	swait.ge [sflag:s16], $0x4000  }
0x2b: {  	[sflag:s16] =	ssyncset.done $0x0  }
0x2c: {  	[sflag:s16] =	ssyncadd.s32 $0xFFFFC000  }
0x2d: {  	_ =	swait.ge [sflag:s16], $0x80  }
0x2e: {  	s25 =	sadd.s32 s18, s17;
	s21 =	sadd.s32 $0x1800, s19;
	[sflag:s16] =	ssyncset.done $0x0  }
0x2f: {  	s26 =	sadd.s32 $0xFFFFF800, s21;
	s17 =	sadd.s32 $0x30, s25;
	[sflag:s16] =	ssyncadd.s32 $0xFFFFFF80  }
0x30: {  	[tilespmem:s8], [sflag:$0x1] =	stream.linear.gather [hbm4b:s26+s7], $0x4000, $0x38;
	[tilespmem:$0x1D780] =	vst v63  }
0x31: {  	s18 =	simm.s32 $0x2;
	s28 =	sadd.s32 $0xFFFFFFF0, s17  }
0x32: {  	[tilespmem:s9], [sflag:$0x1] =	stream.linear.gather [hbm4b:s28+s7], $0x80, $0x38;
	[tilespmem:$0x1D780] =	vst v63  }
0x33: {  	_ =	swait.ge [sflag:s18], $0x4000  }
0x34: {  	[sflag:s18] =	ssyncset.done $0x0  }
0x35: {  	[sflag:s18] =	ssyncadd.s32 $0xFFFFC000  }
0x36: {  	_ =	swait.ge [sflag:s18], $0x80  }
0x37: {  	[sflag:s18] =	ssyncset.done $0x0  }
0x38: {  	s29 =	simm.s32 $0x80;
	[sflag:s18] =	ssyncadd.s32 $0xFFFFFF80  }
0x39: {  	[spmem:s3] =	stream.indirect.scatter.add.f32 [tilespmem:s10], [sflag:$0x4], $0x80, s29, s15, $0xb8;
	[tilespmem:$0x1D780] =	vst v63  }
0x3a: {  	s19 =	simm.s32 $0x4  }
0x3b: {  	[spmem:s2] =	stream.indirect.scatter.add.f32 [tilespmem:s11], [sflag:$0x4], $0x1, s29, s15, $0xb8;
	[tilespmem:$0x1D780] =	vst v63  }
0x3c: {  	_ =	swait.ge [sflag:s19], $0x4000  }
0x3d: {  	[sflag:s19] =	ssyncset.done $0x0  }
0x3e: {  	[sflag:s19] =	ssyncadd.s32 $0xFFFFC000  }
0x3f: {  	s30 =	smul.u32 $0x2800, s1;
	_ =	swait.ge [sflag:s19], $0x80  }
0x40: {  	s31 =	sadd.s32 s14, s12;
	s22 =	sadd.s32 $0x20, s17;
	[sflag:s19] =	ssyncset.done $0x0  }
0x41: {  	s20 =	sadd.s32 s30, s12;
	s12 =	sadd.s32 $0x5400, s31;
	[sflag:s19] =	ssyncadd.s32 $0xFFFFFF80  }
0x42: {  	[tilespmem:s10], [sflag:$0x2] =	stream.linear.gather [hbm4b:s21+s7], $0x4000, $0x38;
	[tilespmem:$0x1D780] =	vst v63  }
0x43: {  	s14 =	sadd.s32 $0x182000, s20;
	s20 =	simm.s32 $0x400;
	s21 =	sadd.s32 $0x1000, s21  }
.LBB2_2:
0x44: {  	[tilespmem:s11], [sflag:$0x2] =	stream.linear.gather [hbm4b:s17+s7], $0x80, $0x38;
	[tilespmem:$0x1D780] =	vst v63  }
0x45: {  	s23 =	smov.u32 s20;
	s17 =	smov.u32 s22  }
0x46: {  	p0 =	sne.s32 s20, $0x4800;
	s20 =	sadd.s32 $0x400, s20;
	_ =	swait.ge [sflag:s13], $0x4000  }
0x47: {  	[sflag:s13] =	ssyncset.done $0x0  }
0x48: {  	[sflag:s13] =	ssyncadd.s32 $0xFFFFC000  }
0x49: {  	_ =	swait.ge [sflag:s13], $0x80  }
0x4a: {  	[sflag:s13] =	ssyncset.done $0x0  }
0x4b: {  	s23 =	sshra.s32 s23, $0x2;
	[sflag:s13] =	ssyncadd.s32 $0xFFFFFF80  }
0x4c: {  	[spmem:s3] =	stream.indirect.scatter.add.f32 [tilespmem:s8], [sflag:$0x3], $0x80, s23, s15, $0xb8;
	[tilespmem:$0x1D780] =	vst v63  }
0x4d: {  	_ = 	snop  }
0x4e: {  	[spmem:s2] =	stream.indirect.scatter.add.f32 [tilespmem:s9], [sflag:$0x3], $0x1, s23, s15, $0xb8;
	[tilespmem:$0x1D780] =	vst v63  }
0x4f: {  	_ =	swait.ge [sflag:s16], $0x4000  }
0x50: {  	[sflag:s16] =	ssyncset.done $0x0  }
0x51: {  	[sflag:s16] =	ssyncadd.s32 $0xFFFFC000  }
0x52: {  	_ =	swait.ge [sflag:s16], $0x80  }
0x53: {  	[sflag:s16] =	ssyncset.done $0x0  }
0x54: {  	s24 =	sadd.s32 $0xFFFFF800, s21;
	[sflag:s16] =	ssyncadd.s32 $0xFFFFFF80  }
0x55: {  	[tilespmem:s8], [sflag:$0x1] =	stream.linear.gather [hbm4b:s24+s7], $0x4000, $0x38;
	[tilespmem:$0x1D780] =	vst v63  }
0x56: {  	s24 =	sadd.s32 $0xFFFFFFF0, s22  }
0x57: {  	[tilespmem:s9], [sflag:$0x1] =	stream.linear.gather [hbm4b:s24+s7], $0x80, $0x38;
	[tilespmem:$0x1D780] =	vst v63  }
0x58: {  	_ =	swait.ge [sflag:s18], $0x4000  }
0x59: {  	[sflag:s18] =	ssyncset.done $0x0  }
0x5a: {  	[sflag:s18] =	ssyncadd.s32 $0xFFFFC000  }
0x5b: {  	_ =	swait.ge [sflag:s18], $0x80  }
0x5c: {  	[sflag:s18] =	ssyncset.done $0x0  }
0x5d: {  	s23 =	sadd.s32 $0x80, s23;
	[sflag:s18] =	ssyncadd.s32 $0xFFFFFF80  }
0x5e: {  	[spmem:s3] =	stream.indirect.scatter.add.f32 [tilespmem:s10], [sflag:$0x4], $0x80, s23, s15, $0xb8;
	[tilespmem:$0x1D780] =	vst v63  }
0x5f: {  	_ = 	snop  }
0x60: {  	[spmem:s2] =	stream.indirect.scatter.add.f32 [tilespmem:s11], [sflag:$0x4], $0x1, s23, s15, $0xb8;
	[tilespmem:$0x1D780] =	vst v63  }
0x61: {  	_ =	swait.ge [sflag:s19], $0x4000  }
0x62: {  	[sflag:s19] =	ssyncset.done $0x0  }
0x63: {  	[sflag:s19] =	ssyncadd.s32 $0xFFFFC000  }
.Ltmp1:
0x64: {  	_ =	swait.ge [sflag:s19], $0x80;
	(pc) =	sbr.rel @p0 .LBB2_2-.Ltmp1, $4  }
0x65: {  	[sflag:s19] =	ssyncset.done $0x0  }
0x66: {  	[sflag:s19] =	ssyncadd.s32 $0xFFFFFF80  }
0x67: {  	[tilespmem:s10], [sflag:$0x2] =	stream.linear.gather [hbm4b:s21+s7], $0x4000, $0x38;
	[tilespmem:$0x1D780] =	vst v63  }
0x68: {  	s22 =	sadd.s32 $0x20, s22;
	s21 =	sadd.s32 $0x1000, s21  }
0x69: {  	[tilespmem:s11], [sflag:$0x2] =	stream.linear.gather [hbm4b:s17+s7], $0x80, $0x38;
	[tilespmem:$0x1D780] =	vst v63  }
0x6a: {  	s21 =	simm.s32 $0x1  }
0x6b: {  	_ =	swait.ge [sflag:s21], $0x4000  }
0x6c: {  	[sflag:s21] =	ssyncset.done $0x0  }
0x6d: {  	[sflag:s21] =	ssyncadd.s32 $0xFFFFC000  }
0x6e: {  	_ =	swait.ge [sflag:s21], $0x80  }
0x6f: {  	s22 =	simm.s32 $0x80;
	[sflag:s21] =	ssyncset.done $0x0  }
0x70: {  	s8 =	simm.s32 $0x1300;
	s9 =	simm.s32 $0x1400;
	[sflag:s21] =	ssyncadd.s32 $0xFFFFFF80  }
0x71: {  	[spmem:s3] =	stream.indirect.scatter.add.f32 [tilespmem:s9], [sflag:$0x3], $0x80, s8, s22, $0xb8;
	[tilespmem:$0x1D780] =	vst v63  }
0x72: {  	s23 =	simm.s32 $0x9400;
	s24 =	simm.s32 $0x3  }
0x73: {  	[spmem:s2] =	stream.indirect.scatter.add.f32 [tilespmem:s23], [sflag:$0x3], $0x1, s8, s22, $0xb8;
	[tilespmem:$0x1D780] =	vst v63  }
0x74: {  	_ =	swait.ge [sflag:s24], $0x4000  }
0x75: {  	[sflag:s24] =	ssyncset.done $0x0  }
0x76: {  	[sflag:s24] =	ssyncadd.s32 $0xFFFFC000  }
0x77: {  	_ =	swait.ge [sflag:s24], $0x80  }
0x78: {  	[sflag:s24] =	ssyncset.done $0x0  }
0x79: {  	s25 =	simm.s32 $0x2;
	[sflag:s24] =	ssyncadd.s32 $0xFFFFFF80  }
0x7a: {  	_ =	swait.ge [sflag:s25], $0x4000  }
0x7b: {  	[sflag:s25] =	ssyncset.done $0x0  }
0x7c: {  	[sflag:s25] =	ssyncadd.s32 $0xFFFFC000  }
0x7d: {  	_ =	swait.ge [sflag:s25], $0x80  }
0x7e: {  	[sflag:s25] =	ssyncset.done $0x0  }
0x7f: {  	s26 =	simm.s32 $0x1380;
	s28 =	simm.s32 $0x5400;
	[sflag:s25] =	ssyncadd.s32 $0xFFFFFF80  }
0x80: {  	[spmem:s3] =	stream.indirect.scatter.add.f32 [tilespmem:s28], [sflag:$0x4], $0x80, s26, s22, $0xb8;
	[tilespmem:$0x1D780] =	vst v63  }
0x81: {  	s29 =	simm.s32 $0x9480;
	s30 =	simm.s32 $0x4  }
0x82: {  	[spmem:s2] =	stream.indirect.scatter.add.f32 [tilespmem:s29], [sflag:$0x4], $0x1, s26, s22, $0xb8;
	[tilespmem:$0x1D780] =	vst v63  }
0x83: {  	_ =	swait.ge [sflag:s30], $0x4000  }
0x84: {  	[sflag:s30] =	ssyncset.done $0x0  }
0x85: {  	[sflag:s30] =	ssyncadd.s32 $0xFFFFC000  }
0x86: {  	_ =	swait.ge [sflag:s30], $0x80  }
0x87: {  	[sflag:s30] =	ssyncset.done $0x0  }
0x88: {  	[sflag:s30] =	ssyncadd.s32 $0xFFFFFF80  }
0x89: {  	s31 =	simm.s32 $0x5;
	[bflag:$0x0] =	sbarrier.arrive $0xFFFF  }
0x8a: {  	[hbm:s14], [sflag:s4] =	dma.local [spmem:s5], $0x2800  }
0x8b: {  	_ =	swait.ge [sflag:s31], $0x2800  }
0x8c: {  	[sflag:s31] =	ssyncset.done $0x0  }
0x8d: {  	[sflag:s31] =	ssyncadd.s32 $0xFFFFD800  }
0x8e: {  	[hbm:s12], [sflag:s4] =	dma.local [spmem:s6], $0x50  }
0x8f: {  	_ =	swait.ge [sflag:s31], $0x50  }
0x90: {  	[sflag:s31] =	ssyncset.done $0x0  }
0x91: {  	[sflag:s31] =	ssyncadd.s32 $0xFFFFFFB0  }
.LBB2_4:
0x92: {  	_ =	sfence.sel $0x180000  }
0x93: {  	[bflag:$0x0] =	sbarrier.arrive $0xFFFF  }
0x94: {  	p0 =	sne.s32 s1, $0x0;
	_ =	strace $0x90000050  }
0x95: {  	s0 =	sadd.s32 @!p0 $0x100000, s0;
	[bflag:$0x2] =	sbarrier.arrive $0xFFFF  }
0x96: {  	[sflag:s0] =	ssyncadd.tile.s32 @!p0 $0x1;
	_ =	shalt  }
.Lfunc_end2:
_tile_overlayer_lowered:
.L_overlay_start_2:
0x97: {  	(tag) =	ssettag $0x2  }
0x98: {  	s0 =	rddreg [dreg:$0x0];
	s2 =	stileid.u32  }
0x99: {  	s1 =	rddreg [dreg:$0x1];
	p0 =	sne.s32 s2, $0x0  }
0x9a: {  	s3 =	rddreg [dreg:$0x2];
	[bflag:$0x3] =	sbarrier.arrive $0xFFFF;
	s2 =	simm.s32 @!p0 $0x1C05  }
0x9b: {  	[timem:s3], [sflag:s2] =	dma.local @!p0 [hbm:s0], s1  }
0x9c: {  	s0 =	simm.s32 @!p0 $0x5  }
0x9d: {  	_ =	swait.ge @!p0 [sflag:s0], s1  }
0x9e: {  	s1 =	ssub.s32 @!p0 $0x0, s1;
	[sflag:s0] =	ssyncset.done @!p0 $0x0  }
0x9f: {  	[sflag:s0] =	ssyncadd.s32 @!p0 s1  }
0xa0: {  	[bflag:$0x3] =	sbarrier.arrive $0xFFFF  }
0xa1: {  	_ =	shalt  }

</sc_bundles>
